<compile_context>
chip_gen: v7x
topology: tpu7x:2x2x1
jax: 0.10.2.dev20260603
libtpu: 0.0.44.dev20260713+nightly
codegen_flags: <defaults>
</compile_context>

<pallas_src>
import functools

import jax
import jax.numpy as jnp
from jax import lax
from jax.experimental import pallas as pl
from jax.experimental.pallas import tpu as pltpu
from jax.experimental.pallas import tpu_sc as plsc

NC = 2
NS = 16
NW = NC * NS

_CHUNK = 100


def _sc_agg(table, src2, dst2, z_feat, z_deg, *, with_deg):
    n, d = table.shape
    nchunk = src2.shape[1]
    rows_a = ((n + NS - 1) // NS + 7) // 8 * 8
    rows_last = n - rows_a * (NS - 1)
    mesh = plsc.VectorSubcoreMesh(
        core_axis_name="c", subcore_axis_name="s", num_cores=NC,
        num_subcores=NS)

    out_type = [jax.ShapeDtypeStruct((NC, n, d), jnp.float32)]
    scratch = [
        pltpu.VMEM((3, _CHUNK), jnp.int32),
        pltpu.VMEM((3, _CHUNK), jnp.int32),
        pltpu.VMEM((3, _CHUNK, d), jnp.float32),
        [pltpu.SemaphoreType.DMA] * 3,
        [pltpu.SemaphoreType.DMA] * 3,
        [pltpu.SemaphoreType.DMA] * 3,
        [pltpu.SemaphoreType.DMA] * 3,
        pltpu.VMEM_SHARED((n, d), jnp.float32),
    ]
    if with_deg:
        out_type.append(jax.ShapeDtypeStruct((NC, n, 16), jnp.float32))
        scratch += [
            pltpu.VMEM((_CHUNK, 16), jnp.float32),
            pltpu.VMEM_SHARED((n, 16), jnp.float32),
        ]

    @functools.partial(pl.kernel, out_type=out_type, mesh=mesh,
                       scratch_types=scratch,
                       compiler_params=pltpu.CompilerParams(
                           use_tc_tiling_on_sc=False))
    def k(table_hbm, src_hbm, dst_hbm, zf_hbm, zd_hbm, *refs):
        if with_deg:
            (agg_out, deg_out, sidx, didx, rows_v, gsem, ssem, isem, dsem,
             agg_sh, ones_v, deg_sh) = refs
        else:
            (agg_out, sidx, didx, rows_v, gsem, ssem, isem, dsem,
             agg_sh) = refs
        cid = lax.axis_index("c")
        sid = lax.axis_index("s")
        wid = cid * NS + sid

        pltpu.sync_copy(src_hbm.at[wid, 0], sidx.at[0])
        pltpu.async_copy(table_hbm.at[sidx.at[0]], rows_v.at[0], gsem[0])
        pltpu.sync_copy(src_hbm.at[wid, 1], sidx.at[1])
        pltpu.async_copy(table_hbm.at[sidx.at[1]], rows_v.at[1], gsem[1])
        pltpu.async_copy(src_hbm.at[wid, 2], sidx.at[2], isem[2])
        pltpu.async_copy(dst_hbm.at[wid, 0], didx.at[0], dsem[0])
        pltpu.async_copy(dst_hbm.at[wid, 1], didx.at[1], dsem[1])
        row0 = sid * rows_a

        def zero_slice(nrows):
            sl = pl.ds(row0, nrows)
            pltpu.sync_copy(zf_hbm.at[sl], agg_sh.at[sl])
            if with_deg:
                pltpu.sync_copy(zd_hbm.at[sl], deg_sh.at[sl])

        pl.when(sid < NS - 1)(lambda: zero_slice(rows_a))
        pl.when(sid == NS - 1)(lambda: zero_slice(rows_last))
        if with_deg:

            @pl.loop(0, _CHUNK)
            def _(r):
                ones_v[r, :] = jnp.ones((16,), jnp.float32)

        plsc.subcore_barrier()

        def step(j, r, p):
            pltpu.make_async_copy(table_hbm.at[sidx.at[r]], rows_v.at[r],
                                  gsem[r]).wait()
            pltpu.make_async_copy(dst_hbm.at[wid, 0], didx.at[r],
                                  dsem[r]).wait()
            pltpu.async_copy(rows_v.at[r], agg_sh.at[didx.at[r]],
                             ssem[r], add=True)
            if with_deg:
                pltpu.sync_copy(ones_v, deg_sh.at[didx.at[r]], add=True)

            @pl.when(j + 3 < nchunk)
            def _():
                pltpu.async_copy(src_hbm.at[wid, j + 3], sidx.at[r],
                                 isem[r])

            @pl.when(j >= 1)
            def _():
                pltpu.make_async_copy(rows_v.at[p], agg_sh.at[didx.at[p]],
                                      ssem[p]).wait()

            @pl.when(j + 2 < nchunk)
            def _():
                pltpu.async_copy(dst_hbm.at[wid, j + 2], didx.at[p],
                                 dsem[p])
                pltpu.make_async_copy(src_hbm.at[wid, 0], sidx.at[p],
                                      isem[p]).wait()
                pltpu.async_copy(table_hbm.at[sidx.at[p]], rows_v.at[p],
                                 gsem[p])

        nfull = nchunk // 3

        @pl.loop(0, nfull)
        def _(t):
            step(3 * t, 0, 2)
            step(3 * t + 1, 1, 0)
            step(3 * t + 2, 2, 1)

        for j in range(3 * nfull, nchunk):
            step(jnp.int32(j), j % 3, (j + 2) % 3)

        last = (nchunk - 1) % 3
        pltpu.make_async_copy(rows_v.at[last],
                              agg_sh.at[didx.at[last]], ssem[last]).wait()

        plsc.subcore_barrier()

        def copy_out(nrows):
            sl = pl.ds(row0, nrows)
            pltpu.sync_copy(agg_sh.at[sl], agg_out.at[cid, sl])
            if with_deg:
                pltpu.sync_copy(deg_sh.at[sl], deg_out.at[cid, sl])

        pl.when(sid < NS - 1)(lambda: copy_out(rows_a))
        pl.when(sid == NS - 1)(lambda: copy_out(rows_last))

    return k(table, src2, dst2, z_feat, z_deg)


def _tc_self(x, w_self, b):
    n, d = x.shape
    r = 1000

    def body(x_ref, ws_ref, b_ref, o_ref):
        o_ref[...] = jnp.dot(x_ref[...], ws_ref[...],
                             preferred_element_type=jnp.float32) + b_ref[...]

    return pl.pallas_call(
        body,
        grid=(n // r,),
        in_specs=[
            pl.BlockSpec((r, d), lambda i: (i, 0)),
            pl.BlockSpec((d, d), lambda i: (0, 0)),
            pl.BlockSpec((1, d), lambda i: (0, 0)),
        ],
        out_specs=pl.BlockSpec((r, d), lambda i: (i, 0)),
        out_shape=jax.ShapeDtypeStruct((n, d), jnp.float32),
    )(x, w_self, b.reshape(1, d))


def _tc_combine(s, agg, deg, w_neigh, *, relu):
    n, d = s.shape
    r = 1000

    def body(s_ref, agg_ref, deg_ref, wn_ref, o_ref):
        degs = deg_ref[0] + deg_ref[1]
        inv = 1.0 / jnp.maximum(degs[:, :1], 1.0)
        mean = (agg_ref[0] + agg_ref[1]) * inv
        out = s_ref[...] + jnp.dot(mean, wn_ref[...],
                                   preferred_element_type=jnp.float32)
        o_ref[...] = jnp.maximum(out, 0.0) if relu else out

    return pl.pallas_call(
        body,
        grid=(n // r,),
        in_specs=[
            pl.BlockSpec((r, d), lambda i: (i, 0)),
            pl.BlockSpec((NC, r, d), lambda i: (0, i, 0)),
            pl.BlockSpec((NC, r, 16), lambda i: (0, i, 0)),
            pl.BlockSpec((d, d), lambda i: (0, 0)),
        ],
        out_specs=pl.BlockSpec((r, d), lambda i: (i, 0)),
        out_shape=jax.ShapeDtypeStruct((n, d), jnp.float32),
    )(s, agg, deg, w_neigh)


def kernel(x, edge_index, W1_self, W1_neigh, b1, W2_self, W2_neigh, b2):
    n, d = x.shape
    e = edge_index.shape[1]
    e_per_w = e // NW
    nchunk = e_per_w // _CHUNK
    src2 = edge_index[0].reshape(NW, nchunk, _CHUNK)
    dst2 = edge_index[1].reshape(NW, nchunk, _CHUNK)
    z_feat = jnp.zeros((n, d), jnp.float32)
    z_deg = jnp.zeros((n, 16), jnp.float32)

    agg1, deg = _sc_agg(x, src2, dst2, z_feat, z_deg, with_deg=True)
    s1 = _tc_self(x, W1_self, b1)
    h = _tc_combine(s1, agg1, deg, W1_neigh, relu=True)
    (agg2,) = _sc_agg(h, src2, dst2, z_feat, z_deg, with_deg=False)
    s2 = _tc_self(h, W2_self, b2)
    out = _tc_combine(s2, agg2, deg, W2_neigh, relu=False)
    return out

# --- scband reference (transcript-rebuilt; emitter-appended) ---
"""Pipeline reference for scband-basic-gnn-42391327212192 (READ-ONLY COPY).

The authoritative reference and input builder live on the scoring server;
editing this copy changes nothing except your own understanding.
"""

import jax, jax.numpy as jnp
import numpy as np

N, E, D = 10000, 320000, 128


def setup_inputs(seed: int = 0) -> dict:
    key = jax.random.key(seed)
    ks = jax.random.split(key, 8)
    x = jax.random.normal(ks[0], (N, D), dtype=jnp.float32)
    edge_index = jax.random.randint(ks[1], (2, E), 0, N, dtype=jnp.int32)
    scale = 1.0 / np.sqrt(D)
    W1_self = jax.random.normal(ks[2], (D, D), dtype=jnp.float32) * scale
    W1_neigh = jax.random.normal(ks[3], (D, D), dtype=jnp.float32) * scale
    b1 = jnp.zeros((D,), dtype=jnp.float32)
    W2_self = jax.random.normal(ks[4], (D, D), dtype=jnp.float32) * scale
    W2_neigh = jax.random.normal(ks[5], (D, D), dtype=jnp.float32) * scale
    b2 = jnp.zeros((D,), dtype=jnp.float32)
    return {"x": x, "edge_index": edge_index,
            "W1_self": W1_self, "W1_neigh": W1_neigh, "b1": b1,
            "W2_self": W2_self, "W2_neigh": W2_neigh, "b2": b2}


def _sage_conv(x, edge_index, W_self, W_neigh, b):
    # SAGEConv-style message passing: mean aggregation over incoming edges
    src = edge_index[0]
    dst = edge_index[1]
    n = x.shape[0]
    msgs = jnp.take(x, src, axis=0)                      # gather  (SparseCore)
    agg = jax.ops.segment_sum(msgs, dst, num_segments=n)  # scatter-add
    deg = jax.ops.segment_sum(jnp.ones((edge_index.shape[1],), dtype=x.dtype), dst, num_segments=n)
    agg = agg / jnp.clip(deg, 1.0)[:, None]
    return x @ W_self + agg @ W_neigh + b


def reference(x, edge_index, W1_self, W1_neigh, b1, W2_self, W2_neigh, b2):
    # Layer 1: conv -> act (ReLU); norm=None, dropout=0.0
    h = _sage_conv(x, edge_index, W1_self, W1_neigh, b1)
    h = jax.nn.relu(h)
    # Layer 2 (last, has_out_channels, jk='last'): conv only, then break
    out = _sage_conv(h, edge_index, W2_self, W2_neigh, b2)
    return out

if __name__ == "__main__":
    import jax
    _d = setup_inputs()
    print(jax.jit(kernel)(*tuple(_d.values())))

</pallas_src>

<mosaic_0001>
#map = affine_map<(d0, d1) -> (0, 0)>
#map1 = affine_map<(d0, d1) -> (0, 0, 0)>
module attributes {stable_mosaic.version = 14 : i64} {
  func.func @k(%arg0: i32, %arg1: i32, %arg2: memref<10000x128xf32, #tpu.memory_space<hbm>>, %arg3: memref<32x100x100xi32, #tpu.memory_space<hbm>>, %arg4: memref<32x100x100xi32, #tpu.memory_space<hbm>>, %arg5: memref<10000x128xf32, #tpu.memory_space<hbm>>, %arg6: memref<10000x16xf32, #tpu.memory_space<hbm>>, %arg7: memref<2x10000x128xf32, #tpu.memory_space<hbm>>, %arg8: memref<2x10000x16xf32, #tpu.memory_space<hbm>>, %arg9: memref<3x100xi32, #tpu.memory_space<vmem>>, %arg10: memref<3x100xi32, #tpu.memory_space<vmem>>, %arg11: memref<3x100x128xf32, #tpu.memory_space<vmem>>, %arg12: memref<!tpu.dma_semaphore, #tpu.memory_space<semaphore_mem>>, %arg13: memref<!tpu.dma_semaphore, #tpu.memory_space<semaphore_mem>>, %arg14: memref<!tpu.dma_semaphore, #tpu.memory_space<semaphore_mem>>, %arg15: memref<!tpu.dma_semaphore, #tpu.memory_space<semaphore_mem>>, %arg16: memref<!tpu.dma_semaphore, #tpu.memory_space<semaphore_mem>>, %arg17: memref<!tpu.dma_semaphore, #tpu.memory_space<semaphore_mem>>, %arg18: memref<!tpu.dma_semaphore, #tpu.memory_space<semaphore_mem>>, %arg19: memref<!tpu.dma_semaphore, #tpu.memory_space<semaphore_mem>>, %arg20: memref<!tpu.dma_semaphore, #tpu.memory_space<semaphore_mem>>, %arg21: memref<!tpu.dma_semaphore, #tpu.memory_space<semaphore_mem>>, %arg22: memref<!tpu.dma_semaphore, #tpu.memory_space<semaphore_mem>>, %arg23: memref<!tpu.dma_semaphore, #tpu.memory_space<semaphore_mem>>, %arg24: memref<10000x128xf32, #tpu.memory_space<vmem_shared>>, %arg25: memref<100x16xf32, #tpu.memory_space<vmem>>, %arg26: memref<10000x16xf32, #tpu.memory_space<vmem_shared>>) attributes {dimension_semantics = [#tpu.dimension_semantics<core_parallel>, #tpu.dimension_semantics<subcore_parallel>], iteration_bounds = array<i64: 2, 16>, scalar_prefetch = 0 : i64, scratch_operands = 18 : i64, tpu.core_type = #tpu.core_type<sc_vector_subcore>, window_params = [{transform_indices = #map}, {transform_indices = #map1}, {transform_indices = #map1}, {transform_indices = #map}, {transform_indices = #map}, {transform_indices = #map1}, {transform_indices = #map1}]} {
    %mul3A = arith.constant 16 : i32
    %mul3A_0 = arith.muli %arg0, %mul3A : i32
    %add3A = arith.addi %mul3A_0, %arg1 : i32
    %run_scoped3A = arith.constant 0 : i32
    %run_scoped3A_1 = arith.constant 0 : i32
    "tpu.region"() ({
      %run_scoped3A_170 = tpu.sem_alloc : memref<!tpu.dma_semaphore, #tpu.memory_space<semaphore_mem>>
      %dma_start3A_171 = arith.constant 0 : i32
      %dma_start3A_172 = tpu.memref_slice %arg9[%run_scoped3A_1, %dma_start3A_171] : memref<3x100xi32, #tpu.memory_space<vmem>> -> memref<1x100xi32, #tpu.memory_space<vmem>>
      %dma_start3A_173 = tpu.memref_squeeze %dma_start3A_172 : memref<1x100xi32, #tpu.memory_space<vmem>> -> memref<100xi32, #tpu.memory_space<vmem>>
      %dma_start3A_174 = arith.constant 0 : i32
      %dma_start3A_175 = tpu.memref_slice %arg3[%add3A, %run_scoped3A, %dma_start3A_174] : memref<32x100x100xi32, #tpu.memory_space<hbm>> -> memref<1x1x100xi32, #tpu.memory_space<hbm>>
      %dma_start3A_176 = tpu.memref_squeeze %dma_start3A_175 : memref<1x1x100xi32, #tpu.memory_space<hbm>> -> memref<100xi32, #tpu.memory_space<hbm>>
      %dma_start3A_177 = arith.constant 0 : i32
      %dma_start3A_178 = tpu.memref_slice %arg9[%run_scoped3A_1, %dma_start3A_177] : memref<3x100xi32, #tpu.memory_space<vmem>> -> memref<1x100xi32, #tpu.memory_space<vmem>>
      %dma_start3A_179 = tpu.memref_squeeze %dma_start3A_178 : memref<1x100xi32, #tpu.memory_space<vmem>> -> memref<100xi32, #tpu.memory_space<vmem>>
      %dma_start3A_180 = arith.constant 0 : i32
      %dma_start3A_181 = tpu.memref_slice %arg3[%add3A, %run_scoped3A, %dma_start3A_180] : memref<32x100x100xi32, #tpu.memory_space<hbm>> -> memref<1x1x100xi32, #tpu.memory_space<hbm>>
      %dma_start3A_182 = tpu.memref_squeeze %dma_start3A_181 : memref<1x1x100xi32, #tpu.memory_space<hbm>> -> memref<100xi32, #tpu.memory_space<hbm>>
      tpu.enqueue_dma source(%dma_start3A_182 : memref<100xi32, #tpu.memory_space<hbm>>) target(%dma_start3A_179 : memref<100xi32, #tpu.memory_space<vmem>>) target_semaphore(%run_scoped3A_170 : memref<!tpu.dma_semaphore, #tpu.memory_space<semaphore_mem>>)
      %dma_wait3A_183 = arith.constant 0 : i32
      %dma_wait3A_184 = tpu.memref_slice %arg9[%run_scoped3A_1, %dma_wait3A_183] : memref<3x100xi32, #tpu.memory_space<vmem>> -> memref<1x100xi32, #tpu.memory_space<vmem>>
      %dma_wait3A_185 = tpu.memref_squeeze %dma_wait3A_184 : memref<1x100xi32, #tpu.memory_space<vmem>> -> memref<100xi32, #tpu.memory_space<vmem>>
      %dma_wait3A_186 = arith.constant 0 : i32
      %dma_wait3A_187 = tpu.memref_slice %arg3[%add3A, %run_scoped3A, %dma_wait3A_186] : memref<32x100x100xi32, #tpu.memory_space<hbm>> -> memref<1x1x100xi32, #tpu.memory_space<hbm>>
      %dma_wait3A_188 = tpu.memref_squeeze %dma_wait3A_187 : memref<1x1x100xi32, #tpu.memory_space<hbm>> -> memref<100xi32, #tpu.memory_space<hbm>>
      %dma_wait3A_189 = arith.constant 0 : i32
      %dma_wait3A_190 = tpu.memref_slice %arg9[%run_scoped3A_1, %dma_wait3A_189] : memref<3x100xi32, #tpu.memory_space<vmem>> -> memref<1x100xi32, #tpu.memory_space<vmem>>
      %dma_wait3A_191 = tpu.memref_squeeze %dma_wait3A_190 : memref<1x100xi32, #tpu.memory_space<vmem>> -> memref<100xi32, #tpu.memory_space<vmem>>
      %dma_wait3A_192 = arith.constant 0 : i32
      %dma_wait3A_193 = tpu.memref_slice %arg3[%add3A, %run_scoped3A, %dma_wait3A_192] : memref<32x100x100xi32, #tpu.memory_space<hbm>> -> memref<1x1x100xi32, #tpu.memory_space<hbm>>
      %dma_wait3A_194 = tpu.memref_squeeze %dma_wait3A_193 : memref<1x1x100xi32, #tpu.memory_space<hbm>> -> memref<100xi32, #tpu.memory_space<hbm>>
      tpu.wait_dma2 semaphore(%run_scoped3A_170 : memref<!tpu.dma_semaphore, #tpu.memory_space<semaphore_mem>>) src(%dma_wait3A_194 : memref<100xi32, #tpu.memory_space<hbm>>) dst(%dma_wait3A_191 : memref<100xi32, #tpu.memory_space<vmem>>)
      tpu.yield
    }) : () -> ()
    %dma_start3A = arith.constant 0 : i32
    %dma_start3A_2 = arith.constant 0 : i32
    %dma_start3A_3 = arith.constant 0 : i32
    %dma_start3A_4 = arith.constant 0 : i32
    %dma_start3A_5 = tpu.memref_slice %arg11[%dma_start3A_2, %dma_start3A_3, %dma_start3A_4] : memref<3x100x128xf32, #tpu.memory_space<vmem>> -> memref<1x100x128xf32, #tpu.memory_space<vmem>>
    %dma_start3A_6 = tpu.memref_squeeze %dma_start3A_5 : memref<1x100x128xf32, #tpu.memory_space<vmem>> -> memref<100x128xf32, #tpu.memory_space<vmem>>
    %dma_start3A_7 = arith.constant 0 : i32
    %dma_start3A_8 = tpu.memref_slice %arg9[%dma_start3A, %dma_start3A_7] : memref<3x100xi32, #tpu.memory_space<vmem>> -> memref<1x100xi32, #tpu.memory_space<vmem>>
    %dma_start3A_9 = tpu.memref_squeeze %dma_start3A_8 : memref<1x100xi32, #tpu.memory_space<vmem>> -> memref<100xi32, #tpu.memory_space<vmem>>
    %dma_start3A_10 = arith.constant 0 : i32
    %dma_start3A_11 = arith.constant 0 : i32
    %dma_start3A_12 = tpu.memref_slice %arg2[%dma_start3A_10, %dma_start3A_11] : memref<10000x128xf32, #tpu.memory_space<hbm>> -> memref<10000x128xf32, #tpu.memory_space<hbm>>
    tpu.enqueue_indirect_dma source(%dma_start3A_12 : memref<10000x128xf32, #tpu.memory_space<hbm>>) target(%dma_start3A_6 : memref<100x128xf32, #tpu.memory_space<vmem>>) offsets(%dma_start3A_9 : memref<100xi32, #tpu.memory_space<vmem>>) semaphore(%arg12 : memref<!tpu.dma_semaphore, #tpu.memory_space<semaphore_mem>>)
    %run_scoped3A_13 = arith.constant 1 : i32
    %run_scoped3A_14 = arith.constant 1 : i32
    "tpu.region"() ({
      %run_scoped3A_170 = tpu.sem_alloc : memref<!tpu.dma_semaphore, #tpu.memory_space<semaphore_mem>>
      %dma_start3A_171 = arith.constant 0 : i32
      %dma_start3A_172 = tpu.memref_slice %arg9[%run_scoped3A_14, %dma_start3A_171] : memref<3x100xi32, #tpu.memory_space<vmem>> -> memref<1x100xi32, #tpu.memory_space<vmem>>
      %dma_start3A_173 = tpu.memref_squeeze %dma_start3A_172 : memref<1x100xi32, #tpu.memory_space<vmem>> -> memref<100xi32, #tpu.memory_space<vmem>>
      %dma_start3A_174 = arith.constant 0 : i32
      %dma_start3A_175 = tpu.memref_slice %arg3[%add3A, %run_scoped3A_13, %dma_start3A_174] : memref<32x100x100xi32, #tpu.memory_space<hbm>> -> memref<1x1x100xi32, #tpu.memory_space<hbm>>
      %dma_start3A_176 = tpu.memref_squeeze %dma_start3A_175 : memref<1x1x100xi32, #tpu.memory_space<hbm>> -> memref<100xi32, #tpu.memory_space<hbm>>
      %dma_start3A_177 = arith.constant 0 : i32
      %dma_start3A_178 = tpu.memref_slice %arg9[%run_scoped3A_14, %dma_start3A_177] : memref<3x100xi32, #tpu.memory_space<vmem>> -> memref<1x100xi32, #tpu.memory_space<vmem>>
      %dma_start3A_179 = tpu.memref_squeeze %dma_start3A_178 : memref<1x100xi32, #tpu.memory_space<vmem>> -> memref<100xi32, #tpu.memory_space<vmem>>
      %dma_start3A_180 = arith.constant 0 : i32
      %dma_start3A_181 = tpu.memref_slice %arg3[%add3A, %run_scoped3A_13, %dma_start3A_180] : memref<32x100x100xi32, #tpu.memory_space<hbm>> -> memref<1x1x100xi32, #tpu.memory_space<hbm>>
      %dma_start3A_182 = tpu.memref_squeeze %dma_start3A_181 : memref<1x1x100xi32, #tpu.memory_space<hbm>> -> memref<100xi32, #tpu.memory_space<hbm>>
      tpu.enqueue_dma source(%dma_start3A_182 : memref<100xi32, #tpu.memory_space<hbm>>) target(%dma_start3A_179 : memref<100xi32, #tpu.memory_space<vmem>>) target_semaphore(%run_scoped3A_170 : memref<!tpu.dma_semaphore, #tpu.memory_space<semaphore_mem>>)
      %dma_wait3A_183 = arith.constant 0 : i32
      %dma_wait3A_184 = tpu.memref_slice %arg9[%run_scoped3A_14, %dma_wait3A_183] : memref<3x100xi32, #tpu.memory_space<vmem>> -> memref<1x100xi32, #tpu.memory_space<vmem>>
      %dma_wait3A_185 = tpu.memref_squeeze %dma_wait3A_184 : memref<1x100xi32, #tpu.memory_space<vmem>> -> memref<100xi32, #tpu.memory_space<vmem>>
      %dma_wait3A_186 = arith.constant 0 : i32
      %dma_wait3A_187 = tpu.memref_slice %arg3[%add3A, %run_scoped3A_13, %dma_wait3A_186] : memref<32x100x100xi32, #tpu.memory_space<hbm>> -> memref<1x1x100xi32, #tpu.memory_space<hbm>>
      %dma_wait3A_188 = tpu.memref_squeeze %dma_wait3A_187 : memref<1x1x100xi32, #tpu.memory_space<hbm>> -> memref<100xi32, #tpu.memory_space<hbm>>
      %dma_wait3A_189 = arith.constant 0 : i32
      %dma_wait3A_190 = tpu.memref_slice %arg9[%run_scoped3A_14, %dma_wait3A_189] : memref<3x100xi32, #tpu.memory_space<vmem>> -> memref<1x100xi32, #tpu.memory_space<vmem>>
      %dma_wait3A_191 = tpu.memref_squeeze %dma_wait3A_190 : memref<1x100xi32, #tpu.memory_space<vmem>> -> memref<100xi32, #tpu.memory_space<vmem>>
      %dma_wait3A_192 = arith.constant 0 : i32
      %dma_wait3A_193 = tpu.memref_slice %arg3[%add3A, %run_scoped3A_13, %dma_wait3A_192] : memref<32x100x100xi32, #tpu.memory_space<hbm>> -> memref<1x1x100xi32, #tpu.memory_space<hbm>>
      %dma_wait3A_194 = tpu.memref_squeeze %dma_wait3A_193 : memref<1x1x100xi32, #tpu.memory_space<hbm>> -> memref<100xi32, #tpu.memory_space<hbm>>
      tpu.wait_dma2 semaphore(%run_scoped3A_170 : memref<!tpu.dma_semaphore, #tpu.memory_space<semaphore_mem>>) src(%dma_wait3A_194 : memref<100xi32, #tpu.memory_space<hbm>>) dst(%dma_wait3A_191 : memref<100xi32, #tpu.memory_space<vmem>>)
      tpu.yield
    }) : () -> ()
    %dma_start3A_15 = arith.constant 1 : i32
    %dma_start3A_16 = arith.constant 1 : i32
    %dma_start3A_17 = arith.constant 0 : i32
    %dma_start3A_18 = arith.constant 0 : i32
    %dma_start3A_19 = tpu.memref_slice %arg11[%dma_start3A_16, %dma_start3A_17, %dma_start3A_18] : memref<3x100x128xf32, #tpu.memory_space<vmem>> -> memref<1x100x128xf32, #tpu.memory_space<vmem>>
    %dma_start3A_20 = tpu.memref_squeeze %dma_start3A_19 : memref<1x100x128xf32, #tpu.memory_space<vmem>> -> memref<100x128xf32, #tpu.memory_space<vmem>>
    %dma_start3A_21 = arith.constant 0 : i32
    %dma_start3A_22 = tpu.memref_slice %arg9[%dma_start3A_15, %dma_start3A_21] : memref<3x100xi32, #tpu.memory_space<vmem>> -> memref<1x100xi32, #tpu.memory_space<vmem>>
    %dma_start3A_23 = tpu.memref_squeeze %dma_start3A_22 : memref<1x100xi32, #tpu.memory_space<vmem>> -> memref<100xi32, #tpu.memory_space<vmem>>
    %dma_start3A_24 = arith.constant 0 : i32
    %dma_start3A_25 = arith.constant 0 : i32
    %dma_start3A_26 = tpu.memref_slice %arg2[%dma_start3A_24, %dma_start3A_25] : memref<10000x128xf32, #tpu.memory_space<hbm>> -> memref<10000x128xf32, #tpu.memory_space<hbm>>
    tpu.enqueue_indirect_dma source(%dma_start3A_26 : memref<10000x128xf32, #tpu.memory_space<hbm>>) target(%dma_start3A_20 : memref<100x128xf32, #tpu.memory_space<vmem>>) offsets(%dma_start3A_23 : memref<100xi32, #tpu.memory_space<vmem>>) semaphore(%arg13 : memref<!tpu.dma_semaphore, #tpu.memory_space<semaphore_mem>>)
    %dma_start3A_27 = arith.constant 2 : i32
    %dma_start3A_28 = arith.constant 2 : i32
    %dma_start3A_29 = arith.constant 0 : i32
    %dma_start3A_30 = tpu.memref_slice %arg9[%dma_start3A_28, %dma_start3A_29] : memref<3x100xi32, #tpu.memory_space<vmem>> -> memref<1x100xi32, #tpu.memory_space<vmem>>
    %dma_start3A_31 = tpu.memref_squeeze %dma_start3A_30 : memref<1x100xi32, #tpu.memory_space<vmem>> -> memref<100xi32, #tpu.memory_space<vmem>>
    %dma_start3A_32 = arith.constant 0 : i32
    %dma_start3A_33 = tpu.memref_slice %arg3[%add3A, %dma_start3A_27, %dma_start3A_32] : memref<32x100x100xi32, #tpu.memory_space<hbm>> -> memref<1x1x100xi32, #tpu.memory_space<hbm>>
    %dma_start3A_34 = tpu.memref_squeeze %dma_start3A_33 : memref<1x1x100xi32, #tpu.memory_space<hbm>> -> memref<100xi32, #tpu.memory_space<hbm>>
    %dma_start3A_35 = arith.constant 0 : i32
    %dma_start3A_36 = tpu.memref_slice %arg9[%dma_start3A_28, %dma_start3A_35] : memref<3x100xi32, #tpu.memory_space<vmem>> -> memref<1x100xi32, #tpu.memory_space<vmem>>
    %dma_start3A_37 = tpu.memref_squeeze %dma_start3A_36 : memref<1x100xi32, #tpu.memory_space<vmem>> -> memref<100xi32, #tpu.memory_space<vmem>>
    %dma_start3A_38 = arith.constant 0 : i32
    %dma_start3A_39 = tpu.memref_slice %arg3[%add3A, %dma_start3A_27, %dma_start3A_38] : memref<32x100x100xi32, #tpu.memory_space<hbm>> -> memref<1x1x100xi32, #tpu.memory_space<hbm>>
    %dma_start3A_40 = tpu.memref_squeeze %dma_start3A_39 : memref<1x1x100xi32, #tpu.memory_space<hbm>> -> memref<100xi32, #tpu.memory_space<hbm>>
    tpu.enqueue_dma source(%dma_start3A_40 : memref<100xi32, #tpu.memory_space<hbm>>) target(%dma_start3A_37 : memref<100xi32, #tpu.memory_space<vmem>>) target_semaphore(%arg20 : memref<!tpu.dma_semaphore, #tpu.memory_space<semaphore_mem>>)
    %dma_start3A_41 = arith.constant 0 : i32
    %dma_start3A_42 = arith.constant 0 : i32
    %dma_start3A_43 = arith.constant 0 : i32
    %dma_start3A_44 = tpu.memref_slice %arg10[%dma_start3A_42, %dma_start3A_43] : memref<3x100xi32, #tpu.memory_space<vmem>> -> memref<1x100xi32, #tpu.memory_space<vmem>>
    %dma_start3A_45 = tpu.memref_squeeze %dma_start3A_44 : memref<1x100xi32, #tpu.memory_space<vmem>> -> memref<100xi32, #tpu.memory_space<vmem>>
    %dma_start3A_46 = arith.constant 0 : i32
    %dma_start3A_47 = tpu.memref_slice %arg4[%add3A, %dma_start3A_41, %dma_start3A_46] : memref<32x100x100xi32, #tpu.memory_space<hbm>> -> memref<1x1x100xi32, #tpu.memory_space<hbm>>
    %dma_start3A_48 = tpu.memref_squeeze %dma_start3A_47 : memref<1x1x100xi32, #tpu.memory_space<hbm>> -> memref<100xi32, #tpu.memory_space<hbm>>
    %dma_start3A_49 = arith.constant 0 : i32
    %dma_start3A_50 = tpu.memref_slice %arg10[%dma_start3A_42, %dma_start3A_49] : memref<3x100xi32, #tpu.memory_space<vmem>> -> memref<1x100xi32, #tpu.memory_space<vmem>>
    %dma_start3A_51 = tpu.memref_squeeze %dma_start3A_50 : memref<1x100xi32, #tpu.memory_space<vmem>> -> memref<100xi32, #tpu.memory_space<vmem>>
    %dma_start3A_52 = arith.constant 0 : i32
    %dma_start3A_53 = tpu.memref_slice %arg4[%add3A, %dma_start3A_41, %dma_start3A_52] : memref<32x100x100xi32, #tpu.memory_space<hbm>> -> memref<1x1x100xi32, #tpu.memory_space<hbm>>
    %dma_start3A_54 = tpu.memref_squeeze %dma_start3A_53 : memref<1x1x100xi32, #tpu.memory_space<hbm>> -> memref<100xi32, #tpu.memory_space<hbm>>
    tpu.enqueue_dma source(%dma_start3A_54 : memref<100xi32, #tpu.memory_space<hbm>>) target(%dma_start3A_51 : memref<100xi32, #tpu.memory_space<vmem>>) target_semaphore(%arg21 : memref<!tpu.dma_semaphore, #tpu.memory_space<semaphore_mem>>)
    %dma_start3A_55 = arith.constant 1 : i32
    %dma_start3A_56 = arith.constant 1 : i32
    %dma_start3A_57 = arith.constant 0 : i32
    %dma_start3A_58 = tpu.memref_slice %arg10[%dma_start3A_56, %dma_start3A_57] : memref<3x100xi32, #tpu.memory_space<vmem>> -> memref<1x100xi32, #tpu.memory_space<vmem>>
    %dma_start3A_59 = tpu.memref_squeeze %dma_start3A_58 : memref<1x100xi32, #tpu.memory_space<vmem>> -> memref<100xi32, #tpu.memory_space<vmem>>
    %dma_start3A_60 = arith.constant 0 : i32
    %dma_start3A_61 = tpu.memref_slice %arg4[%add3A, %dma_start3A_55, %dma_start3A_60] : memref<32x100x100xi32, #tpu.memory_space<hbm>> -> memref<1x1x100xi32, #tpu.memory_space<hbm>>
    %dma_start3A_62 = tpu.memref_squeeze %dma_start3A_61 : memref<1x1x100xi32, #tpu.memory_space<hbm>> -> memref<100xi32, #tpu.memory_space<hbm>>
    %dma_start3A_63 = arith.constant 0 : i32
    %dma_start3A_64 = tpu.memref_slice %arg10[%dma_start3A_56, %dma_start3A_63] : memref<3x100xi32, #tpu.memory_space<vmem>> -> memref<1x100xi32, #tpu.memory_space<vmem>>
    %dma_start3A_65 = tpu.memref_squeeze %dma_start3A_64 : memref<1x100xi32, #tpu.memory_space<vmem>> -> memref<100xi32, #tpu.memory_space<vmem>>
    %dma_start3A_66 = arith.constant 0 : i32
    %dma_start3A_67 = tpu.memref_slice %arg4[%add3A, %dma_start3A_55, %dma_start3A_66] : memref<32x100x100xi32, #tpu.memory_space<hbm>> -> memref<1x1x100xi32, #tpu.memory_space<hbm>>
    %dma_start3A_68 = tpu.memref_squeeze %dma_start3A_67 : memref<1x1x100xi32, #tpu.memory_space<hbm>> -> memref<100xi32, #tpu.memory_space<hbm>>
    tpu.enqueue_dma source(%dma_start3A_68 : memref<100xi32, #tpu.memory_space<hbm>>) target(%dma_start3A_65 : memref<100xi32, #tpu.memory_space<vmem>>) target_semaphore(%arg22 : memref<!tpu.dma_semaphore, #tpu.memory_space<semaphore_mem>>)
    %mul3A_69 = arith.constant 632 : i32
    %mul3A_70 = arith.muli %arg1, %mul3A_69 : i32
    %lt3A = arith.constant 15 : i32
    %lt3A_71 = arith.cmpi slt, %arg1, %lt3A : i32
    %convert_element_type3A = arith.extui %lt3A_71 : i1 to i32
    %cond3A = arith.constant 0 : i32
    %cond3A_72 = arith.cmpi ne, %convert_element_type3A, %cond3A : i32
    scf.if %cond3A_72 {
      "tpu.region"() ({
        %run_scoped3A_170 = tpu.sem_alloc : memref<!tpu.dma_semaphore, #tpu.memory_space<semaphore_mem>>
        %dma_start3A_171 = arith.constant 0 : i32
        %dma_start3A_172 = tpu.memref_slice %arg24[%mul3A_70, %dma_start3A_171] : memref<10000x128xf32, #tpu.memory_space<vmem_shared>> -> memref<632x128xf32, #tpu.memory_space<vmem_shared>>
        %dma_start3A_173 = arith.constant 0 : i32
        %dma_start3A_174 = tpu.memref_slice %arg5[%mul3A_70, %dma_start3A_173] : memref<10000x128xf32, #tpu.memory_space<hbm>> -> memref<632x128xf32, #tpu.memory_space<hbm>>
        tpu.enqueue_dma source(%dma_start3A_174 : memref<632x128xf32, #tpu.memory_space<hbm>>) target(%dma_start3A_172 : memref<632x128xf32, #tpu.memory_space<vmem_shared>>) target_semaphore(%run_scoped3A_170 : memref<!tpu.dma_semaphore, #tpu.memory_space<semaphore_mem>>)
        %dma_wait3A_175 = arith.constant 0 : i32
        %dma_wait3A_176 = tpu.memref_slice %arg24[%mul3A_70, %dma_wait3A_175] : memref<10000x128xf32, #tpu.memory_space<vmem_shared>> -> memref<632x128xf32, #tpu.memory_space<vmem_shared>>
        %dma_wait3A_177 = arith.constant 0 : i32
        %dma_wait3A_178 = tpu.memref_slice %arg5[%mul3A_70, %dma_wait3A_177] : memref<10000x128xf32, #tpu.memory_space<hbm>> -> memref<632x128xf32, #tpu.memory_space<hbm>>
        tpu.wait_dma2 semaphore(%run_scoped3A_170 : memref<!tpu.dma_semaphore, #tpu.memory_space<semaphore_mem>>) src(%dma_wait3A_178 : memref<632x128xf32, #tpu.memory_space<hbm>>) dst(%dma_wait3A_176 : memref<632x128xf32, #tpu.memory_space<vmem_shared>>)
        tpu.yield
      }) : () -> ()
      "tpu.region"() ({
        %run_scoped3A_170 = tpu.sem_alloc : memref<!tpu.dma_semaphore, #tpu.memory_space<semaphore_mem>>
        %dma_start3A_171 = arith.constant 0 : i32
        %dma_start3A_172 = tpu.memref_slice %arg26[%mul3A_70, %dma_start3A_171] : memref<10000x16xf32, #tpu.memory_space<vmem_shared>> -> memref<632x16xf32, #tpu.memory_space<vmem_shared>>
        %dma_start3A_173 = arith.constant 0 : i32
        %dma_start3A_174 = tpu.memref_slice %arg6[%mul3A_70, %dma_start3A_173] : memref<10000x16xf32, #tpu.memory_space<hbm>> -> memref<632x16xf32, #tpu.memory_space<hbm>>
        tpu.enqueue_dma source(%dma_start3A_174 : memref<632x16xf32, #tpu.memory_space<hbm>>) target(%dma_start3A_172 : memref<632x16xf32, #tpu.memory_space<vmem_shared>>) target_semaphore(%run_scoped3A_170 : memref<!tpu.dma_semaphore, #tpu.memory_space<semaphore_mem>>)
        %dma_wait3A_175 = arith.constant 0 : i32
        %dma_wait3A_176 = tpu.memref_slice %arg26[%mul3A_70, %dma_wait3A_175] : memref<10000x16xf32, #tpu.memory_space<vmem_shared>> -> memref<632x16xf32, #tpu.memory_space<vmem_shared>>
        %dma_wait3A_177 = arith.constant 0 : i32
        %dma_wait3A_178 = tpu.memref_slice %arg6[%mul3A_70, %dma_wait3A_177] : memref<10000x16xf32, #tpu.memory_space<hbm>> -> memref<632x16xf32, #tpu.memory_space<hbm>>
        tpu.wait_dma2 semaphore(%run_scoped3A_170 : memref<!tpu.dma_semaphore, #tpu.memory_space<semaphore_mem>>) src(%dma_wait3A_178 : memref<632x16xf32, #tpu.memory_space<hbm>>) dst(%dma_wait3A_176 : memref<632x16xf32, #tpu.memory_space<vmem_shared>>)
        tpu.yield
      }) : () -> ()
    } else {
    }
    %eq3A = arith.constant 15 : i32
    %eq3A_73 = arith.cmpi eq, %arg1, %eq3A : i32
    %convert_element_type3A_74 = arith.extui %eq3A_73 : i1 to i32
    %cond3A_75 = arith.constant 0 : i32
    %cond3A_76 = arith.cmpi ne, %convert_element_type3A_74, %cond3A_75 : i32
    scf.if %cond3A_76 {
      "tpu.region"() ({
        %run_scoped3A_170 = tpu.sem_alloc : memref<!tpu.dma_semaphore, #tpu.memory_space<semaphore_mem>>
        %dma_start3A_171 = arith.constant 0 : i32
        %dma_start3A_172 = tpu.memref_slice %arg24[%mul3A_70, %dma_start3A_171] : memref<10000x128xf32, #tpu.memory_space<vmem_shared>> -> memref<520x128xf32, #tpu.memory_space<vmem_shared>>
        %dma_start3A_173 = arith.constant 0 : i32
        %dma_start3A_174 = tpu.memref_slice %arg5[%mul3A_70, %dma_start3A_173] : memref<10000x128xf32, #tpu.memory_space<hbm>> -> memref<520x128xf32, #tpu.memory_space<hbm>>
        tpu.enqueue_dma source(%dma_start3A_174 : memref<520x128xf32, #tpu.memory_space<hbm>>) target(%dma_start3A_172 : memref<520x128xf32, #tpu.memory_space<vmem_shared>>) target_semaphore(%run_scoped3A_170 : memref<!tpu.dma_semaphore, #tpu.memory_space<semaphore_mem>>)
        %dma_wait3A_175 = arith.constant 0 : i32
        %dma_wait3A_176 = tpu.memref_slice %arg24[%mul3A_70, %dma_wait3A_175] : memref<10000x128xf32, #tpu.memory_space<vmem_shared>> -> memref<520x128xf32, #tpu.memory_space<vmem_shared>>
        %dma_wait3A_177 = arith.constant 0 : i32
        %dma_wait3A_178 = tpu.memref_slice %arg5[%mul3A_70, %dma_wait3A_177] : memref<10000x128xf32, #tpu.memory_space<hbm>> -> memref<520x128xf32, #tpu.memory_space<hbm>>
        tpu.wait_dma2 semaphore(%run_scoped3A_170 : memref<!tpu.dma_semaphore, #tpu.memory_space<semaphore_mem>>) src(%dma_wait3A_178 : memref<520x128xf32, #tpu.memory_space<hbm>>) dst(%dma_wait3A_176 : memref<520x128xf32, #tpu.memory_space<vmem_shared>>)
        tpu.yield
      }) : () -> ()
      "tpu.region"() ({
        %run_scoped3A_170 = tpu.sem_alloc : memref<!tpu.dma_semaphore, #tpu.memory_space<semaphore_mem>>
        %dma_start3A_171 = arith.constant 0 : i32
        %dma_start3A_172 = tpu.memref_slice %arg26[%mul3A_70, %dma_start3A_171] : memref<10000x16xf32, #tpu.memory_space<vmem_shared>> -> memref<520x16xf32, #tpu.memory_space<vmem_shared>>
        %dma_start3A_173 = arith.constant 0 : i32
        %dma_start3A_174 = tpu.memref_slice %arg6[%mul3A_70, %dma_start3A_173] : memref<10000x16xf32, #tpu.memory_space<hbm>> -> memref<520x16xf32, #tpu.memory_space<hbm>>
        tpu.enqueue_dma source(%dma_start3A_174 : memref<520x16xf32, #tpu.memory_space<hbm>>) target(%dma_start3A_172 : memref<520x16xf32, #tpu.memory_space<vmem_shared>>) target_semaphore(%run_scoped3A_170 : memref<!tpu.dma_semaphore, #tpu.memory_space<semaphore_mem>>)
        %dma_wait3A_175 = arith.constant 0 : i32
        %dma_wait3A_176 = tpu.memref_slice %arg26[%mul3A_70, %dma_wait3A_175] : memref<10000x16xf32, #tpu.memory_space<vmem_shared>> -> memref<520x16xf32, #tpu.memory_space<vmem_shared>>
        %dma_wait3A_177 = arith.constant 0 : i32
        %dma_wait3A_178 = tpu.memref_slice %arg6[%mul3A_70, %dma_wait3A_177] : memref<10000x16xf32, #tpu.memory_space<hbm>> -> memref<520x16xf32, #tpu.memory_space<hbm>>
        tpu.wait_dma2 semaphore(%run_scoped3A_170 : memref<!tpu.dma_semaphore, #tpu.memory_space<semaphore_mem>>) src(%dma_wait3A_178 : memref<520x16xf32, #tpu.memory_space<hbm>>) dst(%dma_wait3A_176 : memref<520x16xf32, #tpu.memory_space<vmem_shared>>)
        tpu.yield
      }) : () -> ()
    } else {
    }
    %scan3A = arith.constant 0 : i32
    %scan3A_77 = arith.constant 100 : i32
    %scan3A_78 = arith.addi %scan3A, %scan3A_77 : i32
    %scan3A_79 = arith.constant 1 : i32
    scf.for %scan3A_170 = %scan3A to %scan3A_78 step %scan3A_79  : i32 {
      %mul3A_171 = arith.constant 1 : i32
      %mul3A_172 = arith.muli %scan3A_170, %mul3A_171 : i32
      %add3A_173 = arith.constant 0 : i32
      %add3A_174 = arith.addi %add3A_173, %mul3A_172 : i32
      %broadcast_in_dim3A = arith.constant 1.000000e+00 : f32
      %broadcast_in_dim3A_175 = vector.broadcast %broadcast_in_dim3A : f32 to vector<16xf32>
      %swap3A = arith.index_cast %add3A_174 : i32 to index
      %swap3A_176 = arith.constant 0 : index
      %swap3A_177 = tpu.vector_load %arg25[%swap3A, %swap3A_176] {strides = array<i32>} : memref<100x16xf32, #tpu.memory_space<vmem>>, vector<1x16xf32>,
      %swap3A_178 = vector.shape_cast %swap3A_177 : vector<1x16xf32> to vector<16xf32>
      %swap3A_179 = vector.shape_cast %broadcast_in_dim3A_175 : vector<16xf32> to vector<1x16xf32>
      tpu.vector_store %arg25[%swap3A, %swap3A_176], %swap3A_179 {strides = array<i32>} : memref<100x16xf32, #tpu.memory_space<vmem>>, vector<1x16xf32>,
    }
    %scan3A_80 = arith.constant 100 : i32
    %barrier3A = arith.constant 0 : index
    tpu.barrier barrier_id(%barrier3A)
    %scan3A_81 = arith.constant 0 : i32
    %scan3A_82 = arith.constant 33 : i32
    %scan3A_83 = arith.addi %scan3A_81, %scan3A_82 : i32
    %scan3A_84 = arith.constant 1 : i32
    scf.for %scan3A_170 = %scan3A_81 to %scan3A_83 step %scan3A_84  : i32 {
      %mul3A_171 = arith.constant 1 : i32
      %mul3A_172 = arith.muli %scan3A_170, %mul3A_171 : i32
      %add3A_173 = arith.constant 0 : i32
      %add3A_174 = arith.addi %add3A_173, %mul3A_172 : i32
      %mul3A_175 = arith.constant 3 : i32
      %mul3A_176 = arith.muli %mul3A_175, %add3A_174 : i32
      %dma_wait3A_177 = arith.constant 0 : i32
      %dma_wait3A_178 = arith.constant 0 : i32
      %dma_wait3A_179 = arith.constant 0 : i32
      %dma_wait3A_180 = arith.constant 0 : i32
      %dma_wait3A_181 = tpu.memref_slice %arg11[%dma_wait3A_178, %dma_wait3A_179, %dma_wait3A_180] : memref<3x100x128xf32, #tpu.memory_space<vmem>> -> memref<1x100x128xf32, #tpu.memory_space<vmem>>
      %dma_wait3A_182 = tpu.memref_squeeze %dma_wait3A_181 : memref<1x100x128xf32, #tpu.memory_space<vmem>> -> memref<100x128xf32, #tpu.memory_space<vmem>>
      %dma_wait3A_183 = arith.constant 0 : i32
      %dma_wait3A_184 = tpu.memref_slice %arg9[%dma_wait3A_177, %dma_wait3A_183] : memref<3x100xi32, #tpu.memory_space<vmem>> -> memref<1x100xi32, #tpu.memory_space<vmem>>
      %dma_wait3A_185 = tpu.memref_squeeze %dma_wait3A_184 : memref<1x100xi32, #tpu.memory_space<vmem>> -> memref<100xi32, #tpu.memory_space<vmem>>
      %dma_wait3A_186 = arith.constant 0 : i32
      %dma_wait3A_187 = arith.constant 0 : i32
      %dma_wait3A_188 = tpu.memref_slice %arg2[%dma_wait3A_186, %dma_wait3A_187] : memref<10000x128xf32, #tpu.memory_space<hbm>> -> memref<10000x128xf32, #tpu.memory_space<hbm>>
      tpu.wait_indirect_dma semaphore(%arg12 : memref<!tpu.dma_semaphore, #tpu.memory_space<semaphore_mem>>) src(%dma_wait3A_188 : memref<10000x128xf32, #tpu.memory_space<hbm>>) dst(%dma_wait3A_182 : memref<100x128xf32, #tpu.memory_space<vmem>>)
      %dma_wait3A_189 = arith.constant 0 : i32
      %dma_wait3A_190 = arith.constant 0 : i32
      %dma_wait3A_191 = arith.constant 0 : i32
      %dma_wait3A_192 = tpu.memref_slice %arg10[%dma_wait3A_190, %dma_wait3A_191] : memref<3x100xi32, #tpu.memory_space<vmem>> -> memref<1x100xi32, #tpu.memory_space<vmem>>
      %dma_wait3A_193 = tpu.memref_squeeze %dma_wait3A_192 : memref<1x100xi32, #tpu.memory_space<vmem>> -> memref<100xi32, #tpu.memory_space<vmem>>
      %dma_wait3A_194 = arith.constant 0 : i32
      %dma_wait3A_195 = tpu.memref_slice %arg4[%add3A, %dma_wait3A_189, %dma_wait3A_194] : memref<32x100x100xi32, #tpu.memory_space<hbm>> -> memref<1x1x100xi32, #tpu.memory_space<hbm>>
      %dma_wait3A_196 = tpu.memref_squeeze %dma_wait3A_195 : memref<1x1x100xi32, #tpu.memory_space<hbm>> -> memref<100xi32, #tpu.memory_space<hbm>>
      %dma_wait3A_197 = arith.constant 0 : i32
      %dma_wait3A_198 = tpu.memref_slice %arg10[%dma_wait3A_190, %dma_wait3A_197] : memref<3x100xi32, #tpu.memory_space<vmem>> -> memref<1x100xi32, #tpu.memory_space<vmem>>
      %dma_wait3A_199 = tpu.memref_squeeze %dma_wait3A_198 : memref<1x100xi32, #tpu.memory_space<vmem>> -> memref<100xi32, #tpu.memory_space<vmem>>
      %dma_wait3A_200 = arith.constant 0 : i32
      %dma_wait3A_201 = tpu.memref_slice %arg4[%add3A, %dma_wait3A_189, %dma_wait3A_200] : memref<32x100x100xi32, #tpu.memory_space<hbm>> -> memref<1x1x100xi32, #tpu.memory_space<hbm>>
      %dma_wait3A_202 = tpu.memref_squeeze %dma_wait3A_201 : memref<1x1x100xi32, #tpu.memory_space<hbm>> -> memref<100xi32, #tpu.memory_space<hbm>>
      tpu.wait_dma2 semaphore(%arg21 : memref<!tpu.dma_semaphore, #tpu.memory_space<semaphore_mem>>) src(%dma_wait3A_202 : memref<100xi32, #tpu.memory_space<hbm>>) dst(%dma_wait3A_199 : memref<100xi32, #tpu.memory_space<vmem>>)
      %dma_start3A_203 = arith.constant 0 : i32
      %dma_start3A_204 = arith.constant 0 : i32
      %dma_start3A_205 = arith.constant 0 : i32
      %dma_start3A_206 = arith.constant 0 : i32
      %dma_start3A_207 = tpu.memref_slice %arg11[%dma_start3A_203, %dma_start3A_205, %dma_start3A_206] : memref<3x100x128xf32, #tpu.memory_space<vmem>> -> memref<1x100x128xf32, #tpu.memory_space<vmem>>
      %dma_start3A_208 = tpu.memref_squeeze %dma_start3A_207 : memref<1x100x128xf32, #tpu.memory_space<vmem>> -> memref<100x128xf32, #tpu.memory_space<vmem>>
      %dma_start3A_209 = arith.constant 0 : i32
      %dma_start3A_210 = tpu.memref_slice %arg10[%dma_start3A_204, %dma_start3A_209] : memref<3x100xi32, #tpu.memory_space<vmem>> -> memref<1x100xi32, #tpu.memory_space<vmem>>
      %dma_start3A_211 = tpu.memref_squeeze %dma_start3A_210 : memref<1x100xi32, #tpu.memory_space<vmem>> -> memref<100xi32, #tpu.memory_space<vmem>>
      %dma_start3A_212 = arith.constant 0 : i32
      %dma_start3A_213 = arith.constant 0 : i32
      %dma_start3A_214 = tpu.memref_slice %arg24[%dma_start3A_212, %dma_start3A_213] : memref<10000x128xf32, #tpu.memory_space<vmem_shared>> -> memref<10000x128xf32, #tpu.memory_space<vmem_shared>>
      tpu.enqueue_indirect_dma source(%dma_start3A_208 : memref<100x128xf32, #tpu.memory_space<vmem>>) target(%dma_start3A_214 : memref<10000x128xf32, #tpu.memory_space<vmem_shared>>) offsets(%dma_start3A_211 : memref<100xi32, #tpu.memory_space<vmem>>) semaphore(%arg15 : memref<!tpu.dma_semaphore, #tpu.memory_space<semaphore_mem>>) {add = true}
      %run_scoped3A_215 = arith.constant 0 : i32
      "tpu.region"() ({
        %run_scoped3A_359 = tpu.sem_alloc : memref<!tpu.dma_semaphore, #tpu.memory_space<semaphore_mem>>
        %dma_start3A_360 = arith.constant 0 : i32
        %dma_start3A_361 = tpu.memref_slice %arg10[%run_scoped3A_215, %dma_start3A_360] : memref<3x100xi32, #tpu.memory_space<vmem>> -> memref<1x100xi32, #tpu.memory_space<vmem>>
        %dma_start3A_362 = tpu.memref_squeeze %dma_start3A_361 : memref<1x100xi32, #tpu.memory_space<vmem>> -> memref<100xi32, #tpu.memory_space<vmem>>
        %dma_start3A_363 = arith.constant 0 : i32
        %dma_start3A_364 = arith.constant 0 : i32
        %dma_start3A_365 = tpu.memref_slice %arg26[%dma_start3A_363, %dma_start3A_364] : memref<10000x16xf32, #tpu.memory_space<vmem_shared>> -> memref<10000x16xf32, #tpu.memory_space<vmem_shared>>
        tpu.enqueue_indirect_dma source(%arg25 : memref<100x16xf32, #tpu.memory_space<vmem>>) target(%dma_start3A_365 : memref<10000x16xf32, #tpu.memory_space<vmem_shared>>) offsets(%dma_start3A_362 : memref<100xi32, #tpu.memory_space<vmem>>) semaphore(%run_scoped3A_359 : memref<!tpu.dma_semaphore, #tpu.memory_space<semaphore_mem>>) {add = true}
        %dma_wait3A_366 = arith.constant 0 : i32
        %dma_wait3A_367 = tpu.memref_slice %arg10[%run_scoped3A_215, %dma_wait3A_366] : memref<3x100xi32, #tpu.memory_space<vmem>> -> memref<1x100xi32, #tpu.memory_space<vmem>>
        %dma_wait3A_368 = tpu.memref_squeeze %dma_wait3A_367 : memref<1x100xi32, #tpu.memory_space<vmem>> -> memref<100xi32, #tpu.memory_space<vmem>>
        %dma_wait3A_369 = arith.constant 0 : i32
        %dma_wait3A_370 = arith.constant 0 : i32
        %dma_wait3A_371 = tpu.memref_slice %arg26[%dma_wait3A_369, %dma_wait3A_370] : memref<10000x16xf32, #tpu.memory_space<vmem_shared>> -> memref<10000x16xf32, #tpu.memory_space<vmem_shared>>
        tpu.wait_indirect_dma semaphore(%run_scoped3A_359 : memref<!tpu.dma_semaphore, #tpu.memory_space<semaphore_mem>>) src(%arg25 : memref<100x16xf32, #tpu.memory_space<vmem>>) dst(%dma_wait3A_371 : memref<10000x16xf32, #tpu.memory_space<vmem_shared>>)
        tpu.yield
      }) : () -> ()
      %add3A_216 = arith.constant 3 : i32
      %add3A_217 = arith.addi %mul3A_176, %add3A_216 : i32
      %lt3A_218 = arith.constant 100 : i32
      %lt3A_219 = arith.cmpi slt, %add3A_217, %lt3A_218 : i32
      %convert_element_type3A_220 = arith.extui %lt3A_219 : i1 to i32
      %cond3A_221 = arith.constant 0 : i32
      %cond3A_222 = arith.cmpi ne, %convert_element_type3A_220, %cond3A_221 : i32
      scf.if %cond3A_222 {
        %add3A_359 = arith.constant 3 : i32
        %add3A_360 = arith.addi %mul3A_176, %add3A_359 : i32
        %dma_start3A_361 = arith.constant 0 : i32
        %dma_start3A_362 = arith.constant 0 : i32
        %dma_start3A_363 = tpu.memref_slice %arg9[%dma_start3A_361, %dma_start3A_362] : memref<3x100xi32, #tpu.memory_space<vmem>> -> memref<1x100xi32, #tpu.memory_space<vmem>>
        %dma_start3A_364 = tpu.memref_squeeze %dma_start3A_363 : memref<1x100xi32, #tpu.memory_space<vmem>> -> memref<100xi32, #tpu.memory_space<vmem>>
        %dma_start3A_365 = arith.constant 0 : i32
        %dma_start3A_366 = tpu.memref_slice %arg3[%add3A, %add3A_360, %dma_start3A_365] : memref<32x100x100xi32, #tpu.memory_space<hbm>> -> memref<1x1x100xi32, #tpu.memory_space<hbm>>
        %dma_start3A_367 = tpu.memref_squeeze %dma_start3A_366 : memref<1x1x100xi32, #tpu.memory_space<hbm>> -> memref<100xi32, #tpu.memory_space<hbm>>
        %dma_start3A_368 = arith.constant 0 : i32
        %dma_start3A_369 = tpu.memref_slice %arg9[%dma_start3A_361, %dma_start3A_368] : memref<3x100xi32, #tpu.memory_space<vmem>> -> memref<1x100xi32, #tpu.memory_space<vmem>>
        %dma_start3A_370 = tpu.memref_squeeze %dma_start3A_369 : memref<1x100xi32, #tpu.memory_space<vmem>> -> memref<100xi32, #tpu.memory_space<vmem>>
        %dma_start3A_371 = arith.constant 0 : i32
        %dma_start3A_372 = tpu.memref_slice %arg3[%add3A, %add3A_360, %dma_start3A_371] : memref<32x100x100xi32, #tpu.memory_space<hbm>> -> memref<1x1x100xi32, #tpu.memory_space<hbm>>
        %dma_start3A_373 = tpu.memref_squeeze %dma_start3A_372 : memref<1x1x100xi32, #tpu.memory_space<hbm>> -> memref<100xi32, #tpu.memory_space<hbm>>
        tpu.enqueue_dma source(%dma_start3A_373 : memref<100xi32, #tpu.memory_space<hbm>>) target(%dma_start3A_370 : memref<100xi32, #tpu.memory_space<vmem>>) target_semaphore(%arg18 : memref<!tpu.dma_semaphore, #tpu.memory_space<semaphore_mem>>)
      } else {
      }
      %ge3A_223 = arith.constant 1 : i32
      %ge3A_224 = arith.cmpi sge, %mul3A_176, %ge3A_223 : i32
      %convert_element_type3A_225 = arith.extui %ge3A_224 : i1 to i32
      %cond3A_226 = arith.constant 0 : i32
      %cond3A_227 = arith.cmpi ne, %convert_element_type3A_225, %cond3A_226 : i32
      scf.if %cond3A_227 {
        %dma_wait3A_359 = arith.constant 2 : i32
        %dma_wait3A_360 = arith.constant 2 : i32
        %dma_wait3A_361 = arith.constant 0 : i32
        %dma_wait3A_362 = arith.constant 0 : i32
        %dma_wait3A_363 = tpu.memref_slice %arg11[%dma_wait3A_359, %dma_wait3A_361, %dma_wait3A_362] : memref<3x100x128xf32, #tpu.memory_space<vmem>> -> memref<1x100x128xf32, #tpu.memory_space<vmem>>
        %dma_wait3A_364 = tpu.memref_squeeze %dma_wait3A_363 : memref<1x100x128xf32, #tpu.memory_space<vmem>> -> memref<100x128xf32, #tpu.memory_space<vmem>>
        %dma_wait3A_365 = arith.constant 0 : i32
        %dma_wait3A_366 = tpu.memref_slice %arg10[%dma_wait3A_360, %dma_wait3A_365] : memref<3x100xi32, #tpu.memory_space<vmem>> -> memref<1x100xi32, #tpu.memory_space<vmem>>
        %dma_wait3A_367 = tpu.memref_squeeze %dma_wait3A_366 : memref<1x100xi32, #tpu.memory_space<vmem>> -> memref<100xi32, #tpu.memory_space<vmem>>
        %dma_wait3A_368 = arith.constant 0 : i32
        %dma_wait3A_369 = arith.constant 0 : i32
        %dma_wait3A_370 = tpu.memref_slice %arg24[%dma_wait3A_368, %dma_wait3A_369] : memref<10000x128xf32, #tpu.memory_space<vmem_shared>> -> memref<10000x128xf32, #tpu.memory_space<vmem_shared>>
        tpu.wait_indirect_dma semaphore(%arg17 : memref<!tpu.dma_semaphore, #tpu.memory_space<semaphore_mem>>) src(%dma_wait3A_364 : memref<100x128xf32, #tpu.memory_space<vmem>>) dst(%dma_wait3A_370 : memref<10000x128xf32, #tpu.memory_space<vmem_shared>>)
      } else {
      }
      %add3A_228 = arith.constant 2 : i32
      %add3A_229 = arith.addi %mul3A_176, %add3A_228 : i32
      %lt3A_230 = arith.constant 100 : i32
      %lt3A_231 = arith.cmpi slt, %add3A_229, %lt3A_230 : i32
      %convert_element_type3A_232 = arith.extui %lt3A_231 : i1 to i32
      %cond3A_233 = arith.constant 0 : i32
      %cond3A_234 = arith.cmpi ne, %convert_element_type3A_232, %cond3A_233 : i32
      scf.if %cond3A_234 {
        %add3A_359 = arith.constant 2 : i32
        %add3A_360 = arith.addi %mul3A_176, %add3A_359 : i32
        %dma_start3A_361 = arith.constant 2 : i32
        %dma_start3A_362 = arith.constant 0 : i32
        %dma_start3A_363 = tpu.memref_slice %arg10[%dma_start3A_361, %dma_start3A_362] : memref<3x100xi32, #tpu.memory_space<vmem>> -> memref<1x100xi32, #tpu.memory_space<vmem>>
        %dma_start3A_364 = tpu.memref_squeeze %dma_start3A_363 : memref<1x100xi32, #tpu.memory_space<vmem>> -> memref<100xi32, #tpu.memory_space<vmem>>
        %dma_start3A_365 = arith.constant 0 : i32
        %dma_start3A_366 = tpu.memref_slice %arg4[%add3A, %add3A_360, %dma_start3A_365] : memref<32x100x100xi32, #tpu.memory_space<hbm>> -> memref<1x1x100xi32, #tpu.memory_space<hbm>>
        %dma_start3A_367 = tpu.memref_squeeze %dma_start3A_366 : memref<1x1x100xi32, #tpu.memory_space<hbm>> -> memref<100xi32, #tpu.memory_space<hbm>>
        %dma_start3A_368 = arith.constant 0 : i32
        %dma_start3A_369 = tpu.memref_slice %arg10[%dma_start3A_361, %dma_start3A_368] : memref<3x100xi32, #tpu.memory_space<vmem>> -> memref<1x100xi32, #tpu.memory_space<vmem>>
        %dma_start3A_370 = tpu.memref_squeeze %dma_start3A_369 : memref<1x100xi32, #tpu.memory_space<vmem>> -> memref<100xi32, #tpu.memory_space<vmem>>
        %dma_start3A_371 = arith.constant 0 : i32
        %dma_start3A_372 = tpu.memref_slice %arg4[%add3A, %add3A_360, %dma_start3A_371] : memref<32x100x100xi32, #tpu.memory_space<hbm>> -> memref<1x1x100xi32, #tpu.memory_space<hbm>>
        %dma_start3A_373 = tpu.memref_squeeze %dma_start3A_372 : memref<1x1x100xi32, #tpu.memory_space<hbm>> -> memref<100xi32, #tpu.memory_space<hbm>>
        tpu.enqueue_dma source(%dma_start3A_373 : memref<100xi32, #tpu.memory_space<hbm>>) target(%dma_start3A_370 : memref<100xi32, #tpu.memory_space<vmem>>) target_semaphore(%arg23 : memref<!tpu.dma_semaphore, #tpu.memory_space<semaphore_mem>>)
        %dma_wait3A_374 = arith.constant 0 : i32
        %dma_wait3A_375 = arith.constant 2 : i32
        %dma_wait3A_376 = arith.constant 0 : i32
        %dma_wait3A_377 = tpu.memref_slice %arg9[%dma_wait3A_375, %dma_wait3A_376] : memref<3x100xi32, #tpu.memory_space<vmem>> -> memref<1x100xi32, #tpu.memory_space<vmem>>
        %dma_wait3A_378 = tpu.memref_squeeze %dma_wait3A_377 : memref<1x100xi32, #tpu.memory_space<vmem>> -> memref<100xi32, #tpu.memory_space<vmem>>
        %dma_wait3A_379 = arith.constant 0 : i32
        %dma_wait3A_380 = tpu.memref_slice %arg3[%add3A, %dma_wait3A_374, %dma_wait3A_379] : memref<32x100x100xi32, #tpu.memory_space<hbm>> -> memref<1x1x100xi32, #tpu.memory_space<hbm>>
        %dma_wait3A_381 = tpu.memref_squeeze %dma_wait3A_380 : memref<1x1x100xi32, #tpu.memory_space<hbm>> -> memref<100xi32, #tpu.memory_space<hbm>>
        %dma_wait3A_382 = arith.constant 0 : i32
        %dma_wait3A_383 = tpu.memref_slice %arg9[%dma_wait3A_375, %dma_wait3A_382] : memref<3x100xi32, #tpu.memory_space<vmem>> -> memref<1x100xi32, #tpu.memory_space<vmem>>
        %dma_wait3A_384 = tpu.memref_squeeze %dma_wait3A_383 : memref<1x100xi32, #tpu.memory_space<vmem>> -> memref<100xi32, #tpu.memory_space<vmem>>
        %dma_wait3A_385 = arith.constant 0 : i32
        %dma_wait3A_386 = tpu.memref_slice %arg3[%add3A, %dma_wait3A_374, %dma_wait3A_385] : memref<32x100x100xi32, #tpu.memory_space<hbm>> -> memref<1x1x100xi32, #tpu.memory_space<hbm>>
        %dma_wait3A_387 = tpu.memref_squeeze %dma_wait3A_386 : memref<1x1x100xi32, #tpu.memory_space<hbm>> -> memref<100xi32, #tpu.memory_space<hbm>>
        tpu.wait_dma2 semaphore(%arg20 : memref<!tpu.dma_semaphore, #tpu.memory_space<semaphore_mem>>) src(%dma_wait3A_387 : memref<100xi32, #tpu.memory_space<hbm>>) dst(%dma_wait3A_384 : memref<100xi32, #tpu.memory_space<vmem>>)
        %dma_start3A_388 = arith.constant 2 : i32
        %dma_start3A_389 = arith.constant 2 : i32
        %dma_start3A_390 = arith.constant 0 : i32
        %dma_start3A_391 = arith.constant 0 : i32
        %dma_start3A_392 = tpu.memref_slice %arg11[%dma_start3A_389, %dma_start3A_390, %dma_start3A_391] : memref<3x100x128xf32, #tpu.memory_space<vmem>> -> memref<1x100x128xf32, #tpu.memory_space<vmem>>
        %dma_start3A_393 = tpu.memref_squeeze %dma_start3A_392 : memref<1x100x128xf32, #tpu.memory_space<vmem>> -> memref<100x128xf32, #tpu.memory_space<vmem>>
        %dma_start3A_394 = arith.constant 0 : i32
        %dma_start3A_395 = tpu.memref_slice %arg9[%dma_start3A_388, %dma_start3A_394] : memref<3x100xi32, #tpu.memory_space<vmem>> -> memref<1x100xi32, #tpu.memory_space<vmem>>
        %dma_start3A_396 = tpu.memref_squeeze %dma_start3A_395 : memref<1x100xi32, #tpu.memory_space<vmem>> -> memref<100xi32, #tpu.memory_space<vmem>>
        %dma_start3A_397 = arith.constant 0 : i32
        %dma_start3A_398 = arith.constant 0 : i32
        %dma_start3A_399 = tpu.memref_slice %arg2[%dma_start3A_397, %dma_start3A_398] : memref<10000x128xf32, #tpu.memory_space<hbm>> -> memref<10000x128xf32, #tpu.memory_space<hbm>>
        tpu.enqueue_indirect_dma source(%dma_start3A_399 : memref<10000x128xf32, #tpu.memory_space<hbm>>) target(%dma_start3A_393 : memref<100x128xf32, #tpu.memory_space<vmem>>) offsets(%dma_start3A_396 : memref<100xi32, #tpu.memory_space<vmem>>) semaphore(%arg14 : memref<!tpu.dma_semaphore, #tpu.memory_space<semaphore_mem>>)
      } else {
      }
      %mul3A_235 = arith.constant 3 : i32
      %mul3A_236 = arith.muli %mul3A_235, %add3A_174 : i32
      %add3A_237 = arith.constant 1 : i32
      %add3A_238 = arith.addi %mul3A_236, %add3A_237 : i32
      %dma_wait3A_239 = arith.constant 1 : i32
      %dma_wait3A_240 = arith.constant 1 : i32
      %dma_wait3A_241 = arith.constant 0 : i32
      %dma_wait3A_242 = arith.constant 0 : i32
      %dma_wait3A_243 = tpu.memref_slice %arg11[%dma_wait3A_240, %dma_wait3A_241, %dma_wait3A_242] : memref<3x100x128xf32, #tpu.memory_space<vmem>> -> memref<1x100x128xf32, #tpu.memory_space<vmem>>
      %dma_wait3A_244 = tpu.memref_squeeze %dma_wait3A_243 : memref<1x100x128xf32, #tpu.memory_space<vmem>> -> memref<100x128xf32, #tpu.memory_space<vmem>>
      %dma_wait3A_245 = arith.constant 0 : i32
      %dma_wait3A_246 = tpu.memref_slice %arg9[%dma_wait3A_239, %dma_wait3A_245] : memref<3x100xi32, #tpu.memory_space<vmem>> -> memref<1x100xi32, #tpu.memory_space<vmem>>
      %dma_wait3A_247 = tpu.memref_squeeze %dma_wait3A_246 : memref<1x100xi32, #tpu.memory_space<vmem>> -> memref<100xi32, #tpu.memory_space<vmem>>
      %dma_wait3A_248 = arith.constant 0 : i32
      %dma_wait3A_249 = arith.constant 0 : i32
      %dma_wait3A_250 = tpu.memref_slice %arg2[%dma_wait3A_248, %dma_wait3A_249] : memref<10000x128xf32, #tpu.memory_space<hbm>> -> memref<10000x128xf32, #tpu.memory_space<hbm>>
      tpu.wait_indirect_dma semaphore(%arg13 : memref<!tpu.dma_semaphore, #tpu.memory_space<semaphore_mem>>) src(%dma_wait3A_250 : memref<10000x128xf32, #tpu.memory_space<hbm>>) dst(%dma_wait3A_244 : memref<100x128xf32, #tpu.memory_space<vmem>>)
      %dma_wait3A_251 = arith.constant 0 : i32
      %dma_wait3A_252 = arith.constant 1 : i32
      %dma_wait3A_253 = arith.constant 0 : i32
      %dma_wait3A_254 = tpu.memref_slice %arg10[%dma_wait3A_252, %dma_wait3A_253] : memref<3x100xi32, #tpu.memory_space<vmem>> -> memref<1x100xi32, #tpu.memory_space<vmem>>
      %dma_wait3A_255 = tpu.memref_squeeze %dma_wait3A_254 : memref<1x100xi32, #tpu.memory_space<vmem>> -> memref<100xi32, #tpu.memory_space<vmem>>
      %dma_wait3A_256 = arith.constant 0 : i32
      %dma_wait3A_257 = tpu.memref_slice %arg4[%add3A, %dma_wait3A_251, %dma_wait3A_256] : memref<32x100x100xi32, #tpu.memory_space<hbm>> -> memref<1x1x100xi32, #tpu.memory_space<hbm>>
      %dma_wait3A_258 = tpu.memref_squeeze %dma_wait3A_257 : memref<1x1x100xi32, #tpu.memory_space<hbm>> -> memref<100xi32, #tpu.memory_space<hbm>>
      %dma_wait3A_259 = arith.constant 0 : i32
      %dma_wait3A_260 = tpu.memref_slice %arg10[%dma_wait3A_252, %dma_wait3A_259] : memref<3x100xi32, #tpu.memory_space<vmem>> -> memref<1x100xi32, #tpu.memory_space<vmem>>
      %dma_wait3A_261 = tpu.memref_squeeze %dma_wait3A_260 : memref<1x100xi32, #tpu.memory_space<vmem>> -> memref<100xi32, #tpu.memory_space<vmem>>
      %dma_wait3A_262 = arith.constant 0 : i32
      %dma_wait3A_263 = tpu.memref_slice %arg4[%add3A, %dma_wait3A_251, %dma_wait3A_262] : memref<32x100x100xi32, #tpu.memory_space<hbm>> -> memref<1x1x100xi32, #tpu.memory_space<hbm>>
      %dma_wait3A_264 = tpu.memref_squeeze %dma_wait3A_263 : memref<1x1x100xi32, #tpu.memory_space<hbm>> -> memref<100xi32, #tpu.memory_space<hbm>>
      tpu.wait_dma2 semaphore(%arg22 : memref<!tpu.dma_semaphore, #tpu.memory_space<semaphore_mem>>) src(%dma_wait3A_264 : memref<100xi32, #tpu.memory_space<hbm>>) dst(%dma_wait3A_261 : memref<100xi32, #tpu.memory_space<vmem>>)
      %dma_start3A_265 = arith.constant 1 : i32
      %dma_start3A_266 = arith.constant 1 : i32
      %dma_start3A_267 = arith.constant 0 : i32
      %dma_start3A_268 = arith.constant 0 : i32
      %dma_start3A_269 = tpu.memref_slice %arg11[%dma_start3A_265, %dma_start3A_267, %dma_start3A_268] : memref<3x100x128xf32, #tpu.memory_space<vmem>> -> memref<1x100x128xf32, #tpu.memory_space<vmem>>
      %dma_start3A_270 = tpu.memref_squeeze %dma_start3A_269 : memref<1x100x128xf32, #tpu.memory_space<vmem>> -> memref<100x128xf32, #tpu.memory_space<vmem>>
      %dma_start3A_271 = arith.constant 0 : i32
      %dma_start3A_272 = tpu.memref_slice %arg10[%dma_start3A_266, %dma_start3A_271] : memref<3x100xi32, #tpu.memory_space<vmem>> -> memref<1x100xi32, #tpu.memory_space<vmem>>
      %dma_start3A_273 = tpu.memref_squeeze %dma_start3A_272 : memref<1x100xi32, #tpu.memory_space<vmem>> -> memref<100xi32, #tpu.memory_space<vmem>>
      %dma_start3A_274 = arith.constant 0 : i32
      %dma_start3A_275 = arith.constant 0 : i32
      %dma_start3A_276 = tpu.memref_slice %arg24[%dma_start3A_274, %dma_start3A_275] : memref<10000x128xf32, #tpu.memory_space<vmem_shared>> -> memref<10000x128xf32, #tpu.memory_space<vmem_shared>>
      tpu.enqueue_indirect_dma source(%dma_start3A_270 : memref<100x128xf32, #tpu.memory_space<vmem>>) target(%dma_start3A_276 : memref<10000x128xf32, #tpu.memory_space<vmem_shared>>) offsets(%dma_start3A_273 : memref<100xi32, #tpu.memory_space<vmem>>) semaphore(%arg16 : memref<!tpu.dma_semaphore, #tpu.memory_space<semaphore_mem>>) {add = true}
      %run_scoped3A_277 = arith.constant 1 : i32
      "tpu.region"() ({
        %run_scoped3A_359 = tpu.sem_alloc : memref<!tpu.dma_semaphore, #tpu.memory_space<semaphore_mem>>
        %dma_start3A_360 = arith.constant 0 : i32
        %dma_start3A_361 = tpu.memref_slice %arg10[%run_scoped3A_277, %dma_start3A_360] : memref<3x100xi32, #tpu.memory_space<vmem>> -> memref<1x100xi32, #tpu.memory_space<vmem>>
        %dma_start3A_362 = tpu.memref_squeeze %dma_start3A_361 : memref<1x100xi32, #tpu.memory_space<vmem>> -> memref<100xi32, #tpu.memory_space<vmem>>
        %dma_start3A_363 = arith.constant 0 : i32
        %dma_start3A_364 = arith.constant 0 : i32
        %dma_start3A_365 = tpu.memref_slice %arg26[%dma_start3A_363, %dma_start3A_364] : memref<10000x16xf32, #tpu.memory_space<vmem_shared>> -> memref<10000x16xf32, #tpu.memory_space<vmem_shared>>
        tpu.enqueue_indirect_dma source(%arg25 : memref<100x16xf32, #tpu.memory_space<vmem>>) target(%dma_start3A_365 : memref<10000x16xf32, #tpu.memory_space<vmem_shared>>) offsets(%dma_start3A_362 : memref<100xi32, #tpu.memory_space<vmem>>) semaphore(%run_scoped3A_359 : memref<!tpu.dma_semaphore, #tpu.memory_space<semaphore_mem>>) {add = true}
        %dma_wait3A_366 = arith.constant 0 : i32
        %dma_wait3A_367 = tpu.memref_slice %arg10[%run_scoped3A_277, %dma_wait3A_366] : memref<3x100xi32, #tpu.memory_space<vmem>> -> memref<1x100xi32, #tpu.memory_space<vmem>>
        %dma_wait3A_368 = tpu.memref_squeeze %dma_wait3A_367 : memref<1x100xi32, #tpu.memory_space<vmem>> -> memref<100xi32, #tpu.memory_space<vmem>>
        %dma_wait3A_369 = arith.constant 0 : i32
        %dma_wait3A_370 = arith.constant 0 : i32
        %dma_wait3A_371 = tpu.memref_slice %arg26[%dma_wait3A_369, %dma_wait3A_370] : memref<10000x16xf32, #tpu.memory_space<vmem_shared>> -> memref<10000x16xf32, #tpu.memory_space<vmem_shared>>
        tpu.wait_indirect_dma semaphore(%run_scoped3A_359 : memref<!tpu.dma_semaphore, #tpu.memory_space<semaphore_mem>>) src(%arg25 : memref<100x16xf32, #tpu.memory_space<vmem>>) dst(%dma_wait3A_371 : memref<10000x16xf32, #tpu.memory_space<vmem_shared>>)
        tpu.yield
      }) : () -> ()
      %add3A_278 = arith.constant 3 : i32
      %add3A_279 = arith.addi %add3A_238, %add3A_278 : i32
      %lt3A_280 = arith.constant 100 : i32
      %lt3A_281 = arith.cmpi slt, %add3A_279, %lt3A_280 : i32
      %convert_element_type3A_282 = arith.extui %lt3A_281 : i1 to i32
      %cond3A_283 = arith.constant 0 : i32
      %cond3A_284 = arith.cmpi ne, %convert_element_type3A_282, %cond3A_283 : i32
      scf.if %cond3A_284 {
        %add3A_359 = arith.constant 3 : i32
        %add3A_360 = arith.addi %add3A_238, %add3A_359 : i32
        %dma_start3A_361 = arith.constant 1 : i32
        %dma_start3A_362 = arith.constant 0 : i32
        %dma_start3A_363 = tpu.memref_slice %arg9[%dma_start3A_361, %dma_start3A_362] : memref<3x100xi32, #tpu.memory_space<vmem>> -> memref<1x100xi32, #tpu.memory_space<vmem>>
        %dma_start3A_364 = tpu.memref_squeeze %dma_start3A_363 : memref<1x100xi32, #tpu.memory_space<vmem>> -> memref<100xi32, #tpu.memory_space<vmem>>
        %dma_start3A_365 = arith.constant 0 : i32
        %dma_start3A_366 = tpu.memref_slice %arg3[%add3A, %add3A_360, %dma_start3A_365] : memref<32x100x100xi32, #tpu.memory_space<hbm>> -> memref<1x1x100xi32, #tpu.memory_space<hbm>>
        %dma_start3A_367 = tpu.memref_squeeze %dma_start3A_366 : memref<1x1x100xi32, #tpu.memory_space<hbm>> -> memref<100xi32, #tpu.memory_space<hbm>>
        %dma_start3A_368 = arith.constant 0 : i32
        %dma_start3A_369 = tpu.memref_slice %arg9[%dma_start3A_361, %dma_start3A_368] : memref<3x100xi32, #tpu.memory_space<vmem>> -> memref<1x100xi32, #tpu.memory_space<vmem>>
        %dma_start3A_370 = tpu.memref_squeeze %dma_start3A_369 : memref<1x100xi32, #tpu.memory_space<vmem>> -> memref<100xi32, #tpu.memory_space<vmem>>
        %dma_start3A_371 = arith.constant 0 : i32
        %dma_start3A_372 = tpu.memref_slice %arg3[%add3A, %add3A_360, %dma_start3A_371] : memref<32x100x100xi32, #tpu.memory_space<hbm>> -> memref<1x1x100xi32, #tpu.memory_space<hbm>>
        %dma_start3A_373 = tpu.memref_squeeze %dma_start3A_372 : memref<1x1x100xi32, #tpu.memory_space<hbm>> -> memref<100xi32, #tpu.memory_space<hbm>>
        tpu.enqueue_dma source(%dma_start3A_373 : memref<100xi32, #tpu.memory_space<hbm>>) target(%dma_start3A_370 : memref<100xi32, #tpu.memory_space<vmem>>) target_semaphore(%arg19 : memref<!tpu.dma_semaphore, #tpu.memory_space<semaphore_mem>>)
      } else {
      }
      %ge3A_285 = arith.constant 1 : i32
      %ge3A_286 = arith.cmpi sge, %add3A_238, %ge3A_285 : i32
      %convert_element_type3A_287 = arith.extui %ge3A_286 : i1 to i32
      %cond3A_288 = arith.constant 0 : i32
      %cond3A_289 = arith.cmpi ne, %convert_element_type3A_287, %cond3A_288 : i32
      scf.if %cond3A_289 {
        %dma_wait3A_359 = arith.constant 0 : i32
        %dma_wait3A_360 = arith.constant 0 : i32
        %dma_wait3A_361 = arith.constant 0 : i32
        %dma_wait3A_362 = arith.constant 0 : i32
        %dma_wait3A_363 = tpu.memref_slice %arg11[%dma_wait3A_359, %dma_wait3A_361, %dma_wait3A_362] : memref<3x100x128xf32, #tpu.memory_space<vmem>> -> memref<1x100x128xf32, #tpu.memory_space<vmem>>
        %dma_wait3A_364 = tpu.memref_squeeze %dma_wait3A_363 : memref<1x100x128xf32, #tpu.memory_space<vmem>> -> memref<100x128xf32, #tpu.memory_space<vmem>>
        %dma_wait3A_365 = arith.constant 0 : i32
        %dma_wait3A_366 = tpu.memref_slice %arg10[%dma_wait3A_360, %dma_wait3A_365] : memref<3x100xi32, #tpu.memory_space<vmem>> -> memref<1x100xi32, #tpu.memory_space<vmem>>
        %dma_wait3A_367 = tpu.memref_squeeze %dma_wait3A_366 : memref<1x100xi32, #tpu.memory_space<vmem>> -> memref<100xi32, #tpu.memory_space<vmem>>
        %dma_wait3A_368 = arith.constant 0 : i32
        %dma_wait3A_369 = arith.constant 0 : i32
        %dma_wait3A_370 = tpu.memref_slice %arg24[%dma_wait3A_368, %dma_wait3A_369] : memref<10000x128xf32, #tpu.memory_space<vmem_shared>> -> memref<10000x128xf32, #tpu.memory_space<vmem_shared>>
        tpu.wait_indirect_dma semaphore(%arg15 : memref<!tpu.dma_semaphore, #tpu.memory_space<semaphore_mem>>) src(%dma_wait3A_364 : memref<100x128xf32, #tpu.memory_space<vmem>>) dst(%dma_wait3A_370 : memref<10000x128xf32, #tpu.memory_space<vmem_shared>>)
      } else {
      }
      %add3A_290 = arith.constant 2 : i32
      %add3A_291 = arith.addi %add3A_238, %add3A_290 : i32
      %lt3A_292 = arith.constant 100 : i32
      %lt3A_293 = arith.cmpi slt, %add3A_291, %lt3A_292 : i32
      %convert_element_type3A_294 = arith.extui %lt3A_293 : i1 to i32
      %cond3A_295 = arith.constant 0 : i32
      %cond3A_296 = arith.cmpi ne, %convert_element_type3A_294, %cond3A_295 : i32
      scf.if %cond3A_296 {
        %add3A_359 = arith.constant 2 : i32
        %add3A_360 = arith.addi %add3A_238, %add3A_359 : i32
        %dma_start3A_361 = arith.constant 0 : i32
        %dma_start3A_362 = arith.constant 0 : i32
        %dma_start3A_363 = tpu.memref_slice %arg10[%dma_start3A_361, %dma_start3A_362] : memref<3x100xi32, #tpu.memory_space<vmem>> -> memref<1x100xi32, #tpu.memory_space<vmem>>
        %dma_start3A_364 = tpu.memref_squeeze %dma_start3A_363 : memref<1x100xi32, #tpu.memory_space<vmem>> -> memref<100xi32, #tpu.memory_space<vmem>>
        %dma_start3A_365 = arith.constant 0 : i32
        %dma_start3A_366 = tpu.memref_slice %arg4[%add3A, %add3A_360, %dma_start3A_365] : memref<32x100x100xi32, #tpu.memory_space<hbm>> -> memref<1x1x100xi32, #tpu.memory_space<hbm>>
        %dma_start3A_367 = tpu.memref_squeeze %dma_start3A_366 : memref<1x1x100xi32, #tpu.memory_space<hbm>> -> memref<100xi32, #tpu.memory_space<hbm>>
        %dma_start3A_368 = arith.constant 0 : i32
        %dma_start3A_369 = tpu.memref_slice %arg10[%dma_start3A_361, %dma_start3A_368] : memref<3x100xi32, #tpu.memory_space<vmem>> -> memref<1x100xi32, #tpu.memory_space<vmem>>
        %dma_start3A_370 = tpu.memref_squeeze %dma_start3A_369 : memref<1x100xi32, #tpu.memory_space<vmem>> -> memref<100xi32, #tpu.memory_space<vmem>>
        %dma_start3A_371 = arith.constant 0 : i32
        %dma_start3A_372 = tpu.memref_slice %arg4[%add3A, %add3A_360, %dma_start3A_371] : memref<32x100x100xi32, #tpu.memory_space<hbm>> -> memref<1x1x100xi32, #tpu.memory_space<hbm>>
        %dma_start3A_373 = tpu.memref_squeeze %dma_start3A_372 : memref<1x1x100xi32, #tpu.memory_space<hbm>> -> memref<100xi32, #tpu.memory_space<hbm>>
        tpu.enqueue_dma source(%dma_start3A_373 : memref<100xi32, #tpu.memory_space<hbm>>) target(%dma_start3A_370 : memref<100xi32, #tpu.memory_space<vmem>>) target_semaphore(%arg21 : memref<!tpu.dma_semaphore, #tpu.memory_space<semaphore_mem>>)
        %dma_wait3A_374 = arith.constant 0 : i32
        %dma_wait3A_375 = arith.constant 0 : i32
        %dma_wait3A_376 = arith.constant 0 : i32
        %dma_wait3A_377 = tpu.memref_slice %arg9[%dma_wait3A_375, %dma_wait3A_376] : memref<3x100xi32, #tpu.memory_space<vmem>> -> memref<1x100xi32, #tpu.memory_space<vmem>>
        %dma_wait3A_378 = tpu.memref_squeeze %dma_wait3A_377 : memref<1x100xi32, #tpu.memory_space<vmem>> -> memref<100xi32, #tpu.memory_space<vmem>>
        %dma_wait3A_379 = arith.constant 0 : i32
        %dma_wait3A_380 = tpu.memref_slice %arg3[%add3A, %dma_wait3A_374, %dma_wait3A_379] : memref<32x100x100xi32, #tpu.memory_space<hbm>> -> memref<1x1x100xi32, #tpu.memory_space<hbm>>
        %dma_wait3A_381 = tpu.memref_squeeze %dma_wait3A_380 : memref<1x1x100xi32, #tpu.memory_space<hbm>> -> memref<100xi32, #tpu.memory_space<hbm>>
        %dma_wait3A_382 = arith.constant 0 : i32
        %dma_wait3A_383 = tpu.memref_slice %arg9[%dma_wait3A_375, %dma_wait3A_382] : memref<3x100xi32, #tpu.memory_space<vmem>> -> memref<1x100xi32, #tpu.memory_space<vmem>>
        %dma_wait3A_384 = tpu.memref_squeeze %dma_wait3A_383 : memref<1x100xi32, #tpu.memory_space<vmem>> -> memref<100xi32, #tpu.memory_space<vmem>>
        %dma_wait3A_385 = arith.constant 0 : i32
        %dma_wait3A_386 = tpu.memref_slice %arg3[%add3A, %dma_wait3A_374, %dma_wait3A_385] : memref<32x100x100xi32, #tpu.memory_space<hbm>> -> memref<1x1x100xi32, #tpu.memory_space<hbm>>
        %dma_wait3A_387 = tpu.memref_squeeze %dma_wait3A_386 : memref<1x1x100xi32, #tpu.memory_space<hbm>> -> memref<100xi32, #tpu.memory_space<hbm>>
        tpu.wait_dma2 semaphore(%arg18 : memref<!tpu.dma_semaphore, #tpu.memory_space<semaphore_mem>>) src(%dma_wait3A_387 : memref<100xi32, #tpu.memory_space<hbm>>) dst(%dma_wait3A_384 : memref<100xi32, #tpu.memory_space<vmem>>)
        %dma_start3A_388 = arith.constant 0 : i32
        %dma_start3A_389 = arith.constant 0 : i32
        %dma_start3A_390 = arith.constant 0 : i32
        %dma_start3A_391 = arith.constant 0 : i32
        %dma_start3A_392 = tpu.memref_slice %arg11[%dma_start3A_389, %dma_start3A_390, %dma_start3A_391] : memref<3x100x128xf32, #tpu.memory_space<vmem>> -> memref<1x100x128xf32, #tpu.memory_space<vmem>>
        %dma_start3A_393 = tpu.memref_squeeze %dma_start3A_392 : memref<1x100x128xf32, #tpu.memory_space<vmem>> -> memref<100x128xf32, #tpu.memory_space<vmem>>
        %dma_start3A_394 = arith.constant 0 : i32
        %dma_start3A_395 = tpu.memref_slice %arg9[%dma_start3A_388, %dma_start3A_394] : memref<3x100xi32, #tpu.memory_space<vmem>> -> memref<1x100xi32, #tpu.memory_space<vmem>>
        %dma_start3A_396 = tpu.memref_squeeze %dma_start3A_395 : memref<1x100xi32, #tpu.memory_space<vmem>> -> memref<100xi32, #tpu.memory_space<vmem>>
        %dma_start3A_397 = arith.constant 0 : i32
        %dma_start3A_398 = arith.constant 0 : i32
        %dma_start3A_399 = tpu.memref_slice %arg2[%dma_start3A_397, %dma_start3A_398] : memref<10000x128xf32, #tpu.memory_space<hbm>> -> memref<10000x128xf32, #tpu.memory_space<hbm>>
        tpu.enqueue_indirect_dma source(%dma_start3A_399 : memref<10000x128xf32, #tpu.memory_space<hbm>>) target(%dma_start3A_393 : memref<100x128xf32, #tpu.memory_space<vmem>>) offsets(%dma_start3A_396 : memref<100xi32, #tpu.memory_space<vmem>>) semaphore(%arg12 : memref<!tpu.dma_semaphore, #tpu.memory_space<semaphore_mem>>)
      } else {
      }
      %mul3A_297 = arith.constant 3 : i32
      %mul3A_298 = arith.muli %mul3A_297, %add3A_174 : i32
      %add3A_299 = arith.constant 2 : i32
      %add3A_300 = arith.addi %mul3A_298, %add3A_299 : i32
      %dma_wait3A_301 = arith.constant 2 : i32
      %dma_wait3A_302 = arith.constant 2 : i32
      %dma_wait3A_303 = arith.constant 0 : i32
      %dma_wait3A_304 = arith.constant 0 : i32
      %dma_wait3A_305 = tpu.memref_slice %arg11[%dma_wait3A_302, %dma_wait3A_303, %dma_wait3A_304] : memref<3x100x128xf32, #tpu.memory_space<vmem>> -> memref<1x100x128xf32, #tpu.memory_space<vmem>>
      %dma_wait3A_306 = tpu.memref_squeeze %dma_wait3A_305 : memref<1x100x128xf32, #tpu.memory_space<vmem>> -> memref<100x128xf32, #tpu.memory_space<vmem>>
      %dma_wait3A_307 = arith.constant 0 : i32
      %dma_wait3A_308 = tpu.memref_slice %arg9[%dma_wait3A_301, %dma_wait3A_307] : memref<3x100xi32, #tpu.memory_space<vmem>> -> memref<1x100xi32, #tpu.memory_space<vmem>>
      %dma_wait3A_309 = tpu.memref_squeeze %dma_wait3A_308 : memref<1x100xi32, #tpu.memory_space<vmem>> -> memref<100xi32, #tpu.memory_space<vmem>>
      %dma_wait3A_310 = arith.constant 0 : i32
      %dma_wait3A_311 = arith.constant 0 : i32
      %dma_wait3A_312 = tpu.memref_slice %arg2[%dma_wait3A_310, %dma_wait3A_311] : memref<10000x128xf32, #tpu.memory_space<hbm>> -> memref<10000x128xf32, #tpu.memory_space<hbm>>
      tpu.wait_indirect_dma semaphore(%arg14 : memref<!tpu.dma_semaphore, #tpu.memory_space<semaphore_mem>>) src(%dma_wait3A_312 : memref<10000x128xf32, #tpu.memory_space<hbm>>) dst(%dma_wait3A_306 : memref<100x128xf32, #tpu.memory_space<vmem>>)
      %dma_wait3A_313 = arith.constant 0 : i32
      %dma_wait3A_314 = arith.constant 2 : i32
      %dma_wait3A_315 = arith.constant 0 : i32
      %dma_wait3A_316 = tpu.memref_slice %arg10[%dma_wait3A_314, %dma_wait3A_315] : memref<3x100xi32, #tpu.memory_space<vmem>> -> memref<1x100xi32, #tpu.memory_space<vmem>>
      %dma_wait3A_317 = tpu.memref_squeeze %dma_wait3A_316 : memref<1x100xi32, #tpu.memory_space<vmem>> -> memref<100xi32, #tpu.memory_space<vmem>>
      %dma_wait3A_318 = arith.constant 0 : i32
      %dma_wait3A_319 = tpu.memref_slice %arg4[%add3A, %dma_wait3A_313, %dma_wait3A_318] : memref<32x100x100xi32, #tpu.memory_space<hbm>> -> memref<1x1x100xi32, #tpu.memory_space<hbm>>
      %dma_wait3A_320 = tpu.memref_squeeze %dma_wait3A_319 : memref<1x1x100xi32, #tpu.memory_space<hbm>> -> memref<100xi32, #tpu.memory_space<hbm>>
      %dma_wait3A_321 = arith.constant 0 : i32
      %dma_wait3A_322 = tpu.memref_slice %arg10[%dma_wait3A_314, %dma_wait3A_321] : memref<3x100xi32, #tpu.memory_space<vmem>> -> memref<1x100xi32, #tpu.memory_space<vmem>>
      %dma_wait3A_323 = tpu.memref_squeeze %dma_wait3A_322 : memref<1x100xi32, #tpu.memory_space<vmem>> -> memref<100xi32, #tpu.memory_space<vmem>>
      %dma_wait3A_324 = arith.constant 0 : i32
      %dma_wait3A_325 = tpu.memref_slice %arg4[%add3A, %dma_wait3A_313, %dma_wait3A_324] : memref<32x100x100xi32, #tpu.memory_space<hbm>> -> memref<1x1x100xi32, #tpu.memory_space<hbm>>
      %dma_wait3A_326 = tpu.memref_squeeze %dma_wait3A_325 : memref<1x1x100xi32, #tpu.memory_space<hbm>> -> memref<100xi32, #tpu.memory_space<hbm>>
      tpu.wait_dma2 semaphore(%arg23 : memref<!tpu.dma_semaphore, #tpu.memory_space<semaphore_mem>>) src(%dma_wait3A_326 : memref<100xi32, #tpu.memory_space<hbm>>) dst(%dma_wait3A_323 : memref<100xi32, #tpu.memory_space<vmem>>)
      %dma_start3A_327 = arith.constant 2 : i32
      %dma_start3A_328 = arith.constant 2 : i32
      %dma_start3A_329 = arith.constant 0 : i32
      %dma_start3A_330 = arith.constant 0 : i32
      %dma_start3A_331 = tpu.memref_slice %arg11[%dma_start3A_327, %dma_start3A_329, %dma_start3A_330] : memref<3x100x128xf32, #tpu.memory_space<vmem>> -> memref<1x100x128xf32, #tpu.memory_space<vmem>>
      %dma_start3A_332 = tpu.memref_squeeze %dma_start3A_331 : memref<1x100x128xf32, #tpu.memory_space<vmem>> -> memref<100x128xf32, #tpu.memory_space<vmem>>
      %dma_start3A_333 = arith.constant 0 : i32
      %dma_start3A_334 = tpu.memref_slice %arg10[%dma_start3A_328, %dma_start3A_333] : memref<3x100xi32, #tpu.memory_space<vmem>> -> memref<1x100xi32, #tpu.memory_space<vmem>>
      %dma_start3A_335 = tpu.memref_squeeze %dma_start3A_334 : memref<1x100xi32, #tpu.memory_space<vmem>> -> memref<100xi32, #tpu.memory_space<vmem>>
      %dma_start3A_336 = arith.constant 0 : i32
      %dma_start3A_337 = arith.constant 0 : i32
      %dma_start3A_338 = tpu.memref_slice %arg24[%dma_start3A_336, %dma_start3A_337] : memref<10000x128xf32, #tpu.memory_space<vmem_shared>> -> memref<10000x128xf32, #tpu.memory_space<vmem_shared>>
      tpu.enqueue_indirect_dma source(%dma_start3A_332 : memref<100x128xf32, #tpu.memory_space<vmem>>) target(%dma_start3A_338 : memref<10000x128xf32, #tpu.memory_space<vmem_shared>>) offsets(%dma_start3A_335 : memref<100xi32, #tpu.memory_space<vmem>>) semaphore(%arg17 : memref<!tpu.dma_semaphore, #tpu.memory_space<semaphore_mem>>) {add = true}
      %run_scoped3A_339 = arith.constant 2 : i32
      "tpu.region"() ({
        %run_scoped3A_359 = tpu.sem_alloc : memref<!tpu.dma_semaphore, #tpu.memory_space<semaphore_mem>>
        %dma_start3A_360 = arith.constant 0 : i32
        %dma_start3A_361 = tpu.memref_slice %arg10[%run_scoped3A_339, %dma_start3A_360] : memref<3x100xi32, #tpu.memory_space<vmem>> -> memref<1x100xi32, #tpu.memory_space<vmem>>
        %dma_start3A_362 = tpu.memref_squeeze %dma_start3A_361 : memref<1x100xi32, #tpu.memory_space<vmem>> -> memref<100xi32, #tpu.memory_space<vmem>>
        %dma_start3A_363 = arith.constant 0 : i32
        %dma_start3A_364 = arith.constant 0 : i32
        %dma_start3A_365 = tpu.memref_slice %arg26[%dma_start3A_363, %dma_start3A_364] : memref<10000x16xf32, #tpu.memory_space<vmem_shared>> -> memref<10000x16xf32, #tpu.memory_space<vmem_shared>>
        tpu.enqueue_indirect_dma source(%arg25 : memref<100x16xf32, #tpu.memory_space<vmem>>) target(%dma_start3A_365 : memref<10000x16xf32, #tpu.memory_space<vmem_shared>>) offsets(%dma_start3A_362 : memref<100xi32, #tpu.memory_space<vmem>>) semaphore(%run_scoped3A_359 : memref<!tpu.dma_semaphore, #tpu.memory_space<semaphore_mem>>) {add = true}
        %dma_wait3A_366 = arith.constant 0 : i32
        %dma_wait3A_367 = tpu.memref_slice %arg10[%run_scoped3A_339, %dma_wait3A_366] : memref<3x100xi32, #tpu.memory_space<vmem>> -> memref<1x100xi32, #tpu.memory_space<vmem>>
        %dma_wait3A_368 = tpu.memref_squeeze %dma_wait3A_367 : memref<1x100xi32, #tpu.memory_space<vmem>> -> memref<100xi32, #tpu.memory_space<vmem>>
        %dma_wait3A_369 = arith.constant 0 : i32
        %dma_wait3A_370 = arith.constant 0 : i32
        %dma_wait3A_371 = tpu.memref_slice %arg26[%dma_wait3A_369, %dma_wait3A_370] : memref<10000x16xf32, #tpu.memory_space<vmem_shared>> -> memref<10000x16xf32, #tpu.memory_space<vmem_shared>>
        tpu.wait_indirect_dma semaphore(%run_scoped3A_359 : memref<!tpu.dma_semaphore, #tpu.memory_space<semaphore_mem>>) src(%arg25 : memref<100x16xf32, #tpu.memory_space<vmem>>) dst(%dma_wait3A_371 : memref<10000x16xf32, #tpu.memory_space<vmem_shared>>)
        tpu.yield
      }) : () -> ()
      %add3A_340 = arith.constant 3 : i32
      %add3A_341 = arith.addi %add3A_300, %add3A_340 : i32
      %lt3A_342 = arith.constant 100 : i32
      %lt3A_343 = arith.cmpi slt, %add3A_341, %lt3A_342 : i32
      %convert_element_type3A_344 = arith.extui %lt3A_343 : i1 to i32
      %cond3A_345 = arith.constant 0 : i32
      %cond3A_346 = arith.cmpi ne, %convert_element_type3A_344, %cond3A_345 : i32
      scf.if %cond3A_346 {
        %add3A_359 = arith.constant 3 : i32
        %add3A_360 = arith.addi %add3A_300, %add3A_359 : i32
        %dma_start3A_361 = arith.constant 2 : i32
        %dma_start3A_362 = arith.constant 0 : i32
        %dma_start3A_363 = tpu.memref_slice %arg9[%dma_start3A_361, %dma_start3A_362] : memref<3x100xi32, #tpu.memory_space<vmem>> -> memref<1x100xi32, #tpu.memory_space<vmem>>
        %dma_start3A_364 = tpu.memref_squeeze %dma_start3A_363 : memref<1x100xi32, #tpu.memory_space<vmem>> -> memref<100xi32, #tpu.memory_space<vmem>>
        %dma_start3A_365 = arith.constant 0 : i32
        %dma_start3A_366 = tpu.memref_slice %arg3[%add3A, %add3A_360, %dma_start3A_365] : memref<32x100x100xi32, #tpu.memory_space<hbm>> -> memref<1x1x100xi32, #tpu.memory_space<hbm>>
        %dma_start3A_367 = tpu.memref_squeeze %dma_start3A_366 : memref<1x1x100xi32, #tpu.memory_space<hbm>> -> memref<100xi32, #tpu.memory_space<hbm>>
        %dma_start3A_368 = arith.constant 0 : i32
        %dma_start3A_369 = tpu.memref_slice %arg9[%dma_start3A_361, %dma_start3A_368] : memref<3x100xi32, #tpu.memory_space<vmem>> -> memref<1x100xi32, #tpu.memory_space<vmem>>
        %dma_start3A_370 = tpu.memref_squeeze %dma_start3A_369 : memref<1x100xi32, #tpu.memory_space<vmem>> -> memref<100xi32, #tpu.memory_space<vmem>>
        %dma_start3A_371 = arith.constant 0 : i32
        %dma_start3A_372 = tpu.memref_slice %arg3[%add3A, %add3A_360, %dma_start3A_371] : memref<32x100x100xi32, #tpu.memory_space<hbm>> -> memref<1x1x100xi32, #tpu.memory_space<hbm>>
        %dma_start3A_373 = tpu.memref_squeeze %dma_start3A_372 : memref<1x1x100xi32, #tpu.memory_space<hbm>> -> memref<100xi32, #tpu.memory_space<hbm>>
        tpu.enqueue_dma source(%dma_start3A_373 : memref<100xi32, #tpu.memory_space<hbm>>) target(%dma_start3A_370 : memref<100xi32, #tpu.memory_space<vmem>>) target_semaphore(%arg20 : memref<!tpu.dma_semaphore, #tpu.memory_space<semaphore_mem>>)
      } else {
      }
      %ge3A_347 = arith.constant 1 : i32
      %ge3A_348 = arith.cmpi sge, %add3A_300, %ge3A_347 : i32
      %convert_element_type3A_349 = arith.extui %ge3A_348 : i1 to i32
      %cond3A_350 = arith.constant 0 : i32
      %cond3A_351 = arith.cmpi ne, %convert_element_type3A_349, %cond3A_350 : i32
      scf.if %cond3A_351 {
        %dma_wait3A_359 = arith.constant 1 : i32
        %dma_wait3A_360 = arith.constant 1 : i32
        %dma_wait3A_361 = arith.constant 0 : i32
        %dma_wait3A_362 = arith.constant 0 : i32
        %dma_wait3A_363 = tpu.memref_slice %arg11[%dma_wait3A_359, %dma_wait3A_361, %dma_wait3A_362] : memref<3x100x128xf32, #tpu.memory_space<vmem>> -> memref<1x100x128xf32, #tpu.memory_space<vmem>>
        %dma_wait3A_364 = tpu.memref_squeeze %dma_wait3A_363 : memref<1x100x128xf32, #tpu.memory_space<vmem>> -> memref<100x128xf32, #tpu.memory_space<vmem>>
        %dma_wait3A_365 = arith.constant 0 : i32
        %dma_wait3A_366 = tpu.memref_slice %arg10[%dma_wait3A_360, %dma_wait3A_365] : memref<3x100xi32, #tpu.memory_space<vmem>> -> memref<1x100xi32, #tpu.memory_space<vmem>>
        %dma_wait3A_367 = tpu.memref_squeeze %dma_wait3A_366 : memref<1x100xi32, #tpu.memory_space<vmem>> -> memref<100xi32, #tpu.memory_space<vmem>>
        %dma_wait3A_368 = arith.constant 0 : i32
        %dma_wait3A_369 = arith.constant 0 : i32
        %dma_wait3A_370 = tpu.memref_slice %arg24[%dma_wait3A_368, %dma_wait3A_369] : memref<10000x128xf32, #tpu.memory_space<vmem_shared>> -> memref<10000x128xf32, #tpu.memory_space<vmem_shared>>
        tpu.wait_indirect_dma semaphore(%arg16 : memref<!tpu.dma_semaphore, #tpu.memory_space<semaphore_mem>>) src(%dma_wait3A_364 : memref<100x128xf32, #tpu.memory_space<vmem>>) dst(%dma_wait3A_370 : memref<10000x128xf32, #tpu.memory_space<vmem_shared>>)
      } else {
      }
      %add3A_352 = arith.constant 2 : i32
      %add3A_353 = arith.addi %add3A_300, %add3A_352 : i32
      %lt3A_354 = arith.constant 100 : i32
      %lt3A_355 = arith.cmpi slt, %add3A_353, %lt3A_354 : i32
      %convert_element_type3A_356 = arith.extui %lt3A_355 : i1 to i32
      %cond3A_357 = arith.constant 0 : i32
      %cond3A_358 = arith.cmpi ne, %convert_element_type3A_356, %cond3A_357 : i32
      scf.if %cond3A_358 {
        %add3A_359 = arith.constant 2 : i32
        %add3A_360 = arith.addi %add3A_300, %add3A_359 : i32
        %dma_start3A_361 = arith.constant 1 : i32
        %dma_start3A_362 = arith.constant 0 : i32
        %dma_start3A_363 = tpu.memref_slice %arg10[%dma_start3A_361, %dma_start3A_362] : memref<3x100xi32, #tpu.memory_space<vmem>> -> memref<1x100xi32, #tpu.memory_space<vmem>>
        %dma_start3A_364 = tpu.memref_squeeze %dma_start3A_363 : memref<1x100xi32, #tpu.memory_space<vmem>> -> memref<100xi32, #tpu.memory_space<vmem>>
        %dma_start3A_365 = arith.constant 0 : i32
        %dma_start3A_366 = tpu.memref_slice %arg4[%add3A, %add3A_360, %dma_start3A_365] : memref<32x100x100xi32, #tpu.memory_space<hbm>> -> memref<1x1x100xi32, #tpu.memory_space<hbm>>
        %dma_start3A_367 = tpu.memref_squeeze %dma_start3A_366 : memref<1x1x100xi32, #tpu.memory_space<hbm>> -> memref<100xi32, #tpu.memory_space<hbm>>
        %dma_start3A_368 = arith.constant 0 : i32
        %dma_start3A_369 = tpu.memref_slice %arg10[%dma_start3A_361, %dma_start3A_368] : memref<3x100xi32, #tpu.memory_space<vmem>> -> memref<1x100xi32, #tpu.memory_space<vmem>>
        %dma_start3A_370 = tpu.memref_squeeze %dma_start3A_369 : memref<1x100xi32, #tpu.memory_space<vmem>> -> memref<100xi32, #tpu.memory_space<vmem>>
        %dma_start3A_371 = arith.constant 0 : i32
        %dma_start3A_372 = tpu.memref_slice %arg4[%add3A, %add3A_360, %dma_start3A_371] : memref<32x100x100xi32, #tpu.memory_space<hbm>> -> memref<1x1x100xi32, #tpu.memory_space<hbm>>
        %dma_start3A_373 = tpu.memref_squeeze %dma_start3A_372 : memref<1x1x100xi32, #tpu.memory_space<hbm>> -> memref<100xi32, #tpu.memory_space<hbm>>
        tpu.enqueue_dma source(%dma_start3A_373 : memref<100xi32, #tpu.memory_space<hbm>>) target(%dma_start3A_370 : memref<100xi32, #tpu.memory_space<vmem>>) target_semaphore(%arg22 : memref<!tpu.dma_semaphore, #tpu.memory_space<semaphore_mem>>)
        %dma_wait3A_374 = arith.constant 0 : i32
        %dma_wait3A_375 = arith.constant 1 : i32
        %dma_wait3A_376 = arith.constant 0 : i32
        %dma_wait3A_377 = tpu.memref_slice %arg9[%dma_wait3A_375, %dma_wait3A_376] : memref<3x100xi32, #tpu.memory_space<vmem>> -> memref<1x100xi32, #tpu.memory_space<vmem>>
        %dma_wait3A_378 = tpu.memref_squeeze %dma_wait3A_377 : memref<1x100xi32, #tpu.memory_space<vmem>> -> memref<100xi32, #tpu.memory_space<vmem>>
        %dma_wait3A_379 = arith.constant 0 : i32
        %dma_wait3A_380 = tpu.memref_slice %arg3[%add3A, %dma_wait3A_374, %dma_wait3A_379] : memref<32x100x100xi32, #tpu.memory_space<hbm>> -> memref<1x1x100xi32, #tpu.memory_space<hbm>>
        %dma_wait3A_381 = tpu.memref_squeeze %dma_wait3A_380 : memref<1x1x100xi32, #tpu.memory_space<hbm>> -> memref<100xi32, #tpu.memory_space<hbm>>
        %dma_wait3A_382 = arith.constant 0 : i32
        %dma_wait3A_383 = tpu.memref_slice %arg9[%dma_wait3A_375, %dma_wait3A_382] : memref<3x100xi32, #tpu.memory_space<vmem>> -> memref<1x100xi32, #tpu.memory_space<vmem>>
        %dma_wait3A_384 = tpu.memref_squeeze %dma_wait3A_383 : memref<1x100xi32, #tpu.memory_space<vmem>> -> memref<100xi32, #tpu.memory_space<vmem>>
        %dma_wait3A_385 = arith.constant 0 : i32
        %dma_wait3A_386 = tpu.memref_slice %arg3[%add3A, %dma_wait3A_374, %dma_wait3A_385] : memref<32x100x100xi32, #tpu.memory_space<hbm>> -> memref<1x1x100xi32, #tpu.memory_space<hbm>>
        %dma_wait3A_387 = tpu.memref_squeeze %dma_wait3A_386 : memref<1x1x100xi32, #tpu.memory_space<hbm>> -> memref<100xi32, #tpu.memory_space<hbm>>
        tpu.wait_dma2 semaphore(%arg19 : memref<!tpu.dma_semaphore, #tpu.memory_space<semaphore_mem>>) src(%dma_wait3A_387 : memref<100xi32, #tpu.memory_space<hbm>>) dst(%dma_wait3A_384 : memref<100xi32, #tpu.memory_space<vmem>>)
        %dma_start3A_388 = arith.constant 1 : i32
        %dma_start3A_389 = arith.constant 1 : i32
        %dma_start3A_390 = arith.constant 0 : i32
        %dma_start3A_391 = arith.constant 0 : i32
        %dma_start3A_392 = tpu.memref_slice %arg11[%dma_start3A_389, %dma_start3A_390, %dma_start3A_391] : memref<3x100x128xf32, #tpu.memory_space<vmem>> -> memref<1x100x128xf32, #tpu.memory_space<vmem>>
        %dma_start3A_393 = tpu.memref_squeeze %dma_start3A_392 : memref<1x100x128xf32, #tpu.memory_space<vmem>> -> memref<100x128xf32, #tpu.memory_space<vmem>>
        %dma_start3A_394 = arith.constant 0 : i32
        %dma_start3A_395 = tpu.memref_slice %arg9[%dma_start3A_388, %dma_start3A_394] : memref<3x100xi32, #tpu.memory_space<vmem>> -> memref<1x100xi32, #tpu.memory_space<vmem>>
        %dma_start3A_396 = tpu.memref_squeeze %dma_start3A_395 : memref<1x100xi32, #tpu.memory_space<vmem>> -> memref<100xi32, #tpu.memory_space<vmem>>
        %dma_start3A_397 = arith.constant 0 : i32
        %dma_start3A_398 = arith.constant 0 : i32
        %dma_start3A_399 = tpu.memref_slice %arg2[%dma_start3A_397, %dma_start3A_398] : memref<10000x128xf32, #tpu.memory_space<hbm>> -> memref<10000x128xf32, #tpu.memory_space<hbm>>
        tpu.enqueue_indirect_dma source(%dma_start3A_399 : memref<10000x128xf32, #tpu.memory_space<hbm>>) target(%dma_start3A_393 : memref<100x128xf32, #tpu.memory_space<vmem>>) offsets(%dma_start3A_396 : memref<100xi32, #tpu.memory_space<vmem>>) semaphore(%arg13 : memref<!tpu.dma_semaphore, #tpu.memory_space<semaphore_mem>>)
      } else {
      }
    }
    %scan3A_85 = arith.constant 33 : i32
    %dma_wait3A = arith.constant 0 : i32
    %dma_wait3A_86 = arith.constant 0 : i32
    %dma_wait3A_87 = arith.constant 0 : i32
    %dma_wait3A_88 = arith.constant 0 : i32
    %dma_wait3A_89 = tpu.memref_slice %arg11[%dma_wait3A_86, %dma_wait3A_87, %dma_wait3A_88] : memref<3x100x128xf32, #tpu.memory_space<vmem>> -> memref<1x100x128xf32, #tpu.memory_space<vmem>>
    %dma_wait3A_90 = tpu.memref_squeeze %dma_wait3A_89 : memref<1x100x128xf32, #tpu.memory_space<vmem>> -> memref<100x128xf32, #tpu.memory_space<vmem>>
    %dma_wait3A_91 = arith.constant 0 : i32
    %dma_wait3A_92 = tpu.memref_slice %arg9[%dma_wait3A, %dma_wait3A_91] : memref<3x100xi32, #tpu.memory_space<vmem>> -> memref<1x100xi32, #tpu.memory_space<vmem>>
    %dma_wait3A_93 = tpu.memref_squeeze %dma_wait3A_92 : memref<1x100xi32, #tpu.memory_space<vmem>> -> memref<100xi32, #tpu.memory_space<vmem>>
    %dma_wait3A_94 = arith.constant 0 : i32
    %dma_wait3A_95 = arith.constant 0 : i32
    %dma_wait3A_96 = tpu.memref_slice %arg2[%dma_wait3A_94, %dma_wait3A_95] : memref<10000x128xf32, #tpu.memory_space<hbm>> -> memref<10000x128xf32, #tpu.memory_space<hbm>>
    tpu.wait_indirect_dma semaphore(%arg12 : memref<!tpu.dma_semaphore, #tpu.memory_space<semaphore_mem>>) src(%dma_wait3A_96 : memref<10000x128xf32, #tpu.memory_space<hbm>>) dst(%dma_wait3A_90 : memref<100x128xf32, #tpu.memory_space<vmem>>)
    %dma_wait3A_97 = arith.constant 0 : i32
    %dma_wait3A_98 = arith.constant 0 : i32
    %dma_wait3A_99 = arith.constant 0 : i32
    %dma_wait3A_100 = tpu.memref_slice %arg10[%dma_wait3A_98, %dma_wait3A_99] : memref<3x100xi32, #tpu.memory_space<vmem>> -> memref<1x100xi32, #tpu.memory_space<vmem>>
    %dma_wait3A_101 = tpu.memref_squeeze %dma_wait3A_100 : memref<1x100xi32, #tpu.memory_space<vmem>> -> memref<100xi32, #tpu.memory_space<vmem>>
    %dma_wait3A_102 = arith.constant 0 : i32
    %dma_wait3A_103 = tpu.memref_slice %arg4[%add3A, %dma_wait3A_97, %dma_wait3A_102] : memref<32x100x100xi32, #tpu.memory_space<hbm>> -> memref<1x1x100xi32, #tpu.memory_space<hbm>>
    %dma_wait3A_104 = tpu.memref_squeeze %dma_wait3A_103 : memref<1x1x100xi32, #tpu.memory_space<hbm>> -> memref<100xi32, #tpu.memory_space<hbm>>
    %dma_wait3A_105 = arith.constant 0 : i32
    %dma_wait3A_106 = tpu.memref_slice %arg10[%dma_wait3A_98, %dma_wait3A_105] : memref<3x100xi32, #tpu.memory_space<vmem>> -> memref<1x100xi32, #tpu.memory_space<vmem>>
    %dma_wait3A_107 = tpu.memref_squeeze %dma_wait3A_106 : memref<1x100xi32, #tpu.memory_space<vmem>> -> memref<100xi32, #tpu.memory_space<vmem>>
    %dma_wait3A_108 = arith.constant 0 : i32
    %dma_wait3A_109 = tpu.memref_slice %arg4[%add3A, %dma_wait3A_97, %dma_wait3A_108] : memref<32x100x100xi32, #tpu.memory_space<hbm>> -> memref<1x1x100xi32, #tpu.memory_space<hbm>>
    %dma_wait3A_110 = tpu.memref_squeeze %dma_wait3A_109 : memref<1x1x100xi32, #tpu.memory_space<hbm>> -> memref<100xi32, #tpu.memory_space<hbm>>
    tpu.wait_dma2 semaphore(%arg21 : memref<!tpu.dma_semaphore, #tpu.memory_space<semaphore_mem>>) src(%dma_wait3A_110 : memref<100xi32, #tpu.memory_space<hbm>>) dst(%dma_wait3A_107 : memref<100xi32, #tpu.memory_space<vmem>>)
    %dma_start3A_111 = arith.constant 0 : i32
    %dma_start3A_112 = arith.constant 0 : i32
    %dma_start3A_113 = arith.constant 0 : i32
    %dma_start3A_114 = arith.constant 0 : i32
    %dma_start3A_115 = tpu.memref_slice %arg11[%dma_start3A_111, %dma_start3A_113, %dma_start3A_114] : memref<3x100x128xf32, #tpu.memory_space<vmem>> -> memref<1x100x128xf32, #tpu.memory_space<vmem>>
    %dma_start3A_116 = tpu.memref_squeeze %dma_start3A_115 : memref<1x100x128xf32, #tpu.memory_space<vmem>> -> memref<100x128xf32, #tpu.memory_space<vmem>>
    %dma_start3A_117 = arith.constant 0 : i32
    %dma_start3A_118 = tpu.memref_slice %arg10[%dma_start3A_112, %dma_start3A_117] : memref<3x100xi32, #tpu.memory_space<vmem>> -> memref<1x100xi32, #tpu.memory_space<vmem>>
    %dma_start3A_119 = tpu.memref_squeeze %dma_start3A_118 : memref<1x100xi32, #tpu.memory_space<vmem>> -> memref<100xi32, #tpu.memory_space<vmem>>
    %dma_start3A_120 = arith.constant 0 : i32
    %dma_start3A_121 = arith.constant 0 : i32
    %dma_start3A_122 = tpu.memref_slice %arg24[%dma_start3A_120, %dma_start3A_121] : memref<10000x128xf32, #tpu.memory_space<vmem_shared>> -> memref<10000x128xf32, #tpu.memory_space<vmem_shared>>
    tpu.enqueue_indirect_dma source(%dma_start3A_116 : memref<100x128xf32, #tpu.memory_space<vmem>>) target(%dma_start3A_122 : memref<10000x128xf32, #tpu.memory_space<vmem_shared>>) offsets(%dma_start3A_119 : memref<100xi32, #tpu.memory_space<vmem>>) semaphore(%arg15 : memref<!tpu.dma_semaphore, #tpu.memory_space<semaphore_mem>>) {add = true}
    %run_scoped3A_123 = arith.constant 0 : i32
    "tpu.region"() ({
      %run_scoped3A_170 = tpu.sem_alloc : memref<!tpu.dma_semaphore, #tpu.memory_space<semaphore_mem>>
      %dma_start3A_171 = arith.constant 0 : i32
      %dma_start3A_172 = tpu.memref_slice %arg10[%run_scoped3A_123, %dma_start3A_171] : memref<3x100xi32, #tpu.memory_space<vmem>> -> memref<1x100xi32, #tpu.memory_space<vmem>>
      %dma_start3A_173 = tpu.memref_squeeze %dma_start3A_172 : memref<1x100xi32, #tpu.memory_space<vmem>> -> memref<100xi32, #tpu.memory_space<vmem>>
      %dma_start3A_174 = arith.constant 0 : i32
      %dma_start3A_175 = arith.constant 0 : i32
      %dma_start3A_176 = tpu.memref_slice %arg26[%dma_start3A_174, %dma_start3A_175] : memref<10000x16xf32, #tpu.memory_space<vmem_shared>> -> memref<10000x16xf32, #tpu.memory_space<vmem_shared>>
      tpu.enqueue_indirect_dma source(%arg25 : memref<100x16xf32, #tpu.memory_space<vmem>>) target(%dma_start3A_176 : memref<10000x16xf32, #tpu.memory_space<vmem_shared>>) offsets(%dma_start3A_173 : memref<100xi32, #tpu.memory_space<vmem>>) semaphore(%run_scoped3A_170 : memref<!tpu.dma_semaphore, #tpu.memory_space<semaphore_mem>>) {add = true}
      %dma_wait3A_177 = arith.constant 0 : i32
      %dma_wait3A_178 = tpu.memref_slice %arg10[%run_scoped3A_123, %dma_wait3A_177] : memref<3x100xi32, #tpu.memory_space<vmem>> -> memref<1x100xi32, #tpu.memory_space<vmem>>
      %dma_wait3A_179 = tpu.memref_squeeze %dma_wait3A_178 : memref<1x100xi32, #tpu.memory_space<vmem>> -> memref<100xi32, #tpu.memory_space<vmem>>
      %dma_wait3A_180 = arith.constant 0 : i32
      %dma_wait3A_181 = arith.constant 0 : i32
      %dma_wait3A_182 = tpu.memref_slice %arg26[%dma_wait3A_180, %dma_wait3A_181] : memref<10000x16xf32, #tpu.memory_space<vmem_shared>> -> memref<10000x16xf32, #tpu.memory_space<vmem_shared>>
      tpu.wait_indirect_dma semaphore(%run_scoped3A_170 : memref<!tpu.dma_semaphore, #tpu.memory_space<semaphore_mem>>) src(%arg25 : memref<100x16xf32, #tpu.memory_space<vmem>>) dst(%dma_wait3A_182 : memref<10000x16xf32, #tpu.memory_space<vmem_shared>>)
      tpu.yield
    }) : () -> ()
    %add3A_124 = arith.constant 99 : i32
    %add3A_125 = arith.constant 3 : i32
    %add3A_126 = arith.addi %add3A_124, %add3A_125 : i32
    %lt3A_127 = arith.constant 100 : i32
    %lt3A_128 = arith.cmpi slt, %add3A_126, %lt3A_127 : i32
    %convert_element_type3A_129 = arith.extui %lt3A_128 : i1 to i32
    %cond3A_130 = arith.constant 99 : i32
    %cond3A_131 = arith.constant 0 : i32
    %cond3A_132 = arith.cmpi ne, %convert_element_type3A_129, %cond3A_131 : i32
    scf.if %cond3A_132 {
      %add3A_170 = arith.constant 3 : i32
      %add3A_171 = arith.addi %cond3A_130, %add3A_170 : i32
      %dma_start3A_172 = arith.constant 0 : i32
      %dma_start3A_173 = arith.constant 0 : i32
      %dma_start3A_174 = tpu.memref_slice %arg9[%dma_start3A_172, %dma_start3A_173] : memref<3x100xi32, #tpu.memory_space<vmem>> -> memref<1x100xi32, #tpu.memory_space<vmem>>
      %dma_start3A_175 = tpu.memref_squeeze %dma_start3A_174 : memref<1x100xi32, #tpu.memory_space<vmem>> -> memref<100xi32, #tpu.memory_space<vmem>>
      %dma_start3A_176 = arith.constant 0 : i32
      %dma_start3A_177 = tpu.memref_slice %arg3[%add3A, %add3A_171, %dma_start3A_176] : memref<32x100x100xi32, #tpu.memory_space<hbm>> -> memref<1x1x100xi32, #tpu.memory_space<hbm>>
      %dma_start3A_178 = tpu.memref_squeeze %dma_start3A_177 : memref<1x1x100xi32, #tpu.memory_space<hbm>> -> memref<100xi32, #tpu.memory_space<hbm>>
      %dma_start3A_179 = arith.constant 0 : i32
      %dma_start3A_180 = tpu.memref_slice %arg9[%dma_start3A_172, %dma_start3A_179] : memref<3x100xi32, #tpu.memory_space<vmem>> -> memref<1x100xi32, #tpu.memory_space<vmem>>
      %dma_start3A_181 = tpu.memref_squeeze %dma_start3A_180 : memref<1x100xi32, #tpu.memory_space<vmem>> -> memref<100xi32, #tpu.memory_space<vmem>>
      %dma_start3A_182 = arith.constant 0 : i32
      %dma_start3A_183 = tpu.memref_slice %arg3[%add3A, %add3A_171, %dma_start3A_182] : memref<32x100x100xi32, #tpu.memory_space<hbm>> -> memref<1x1x100xi32, #tpu.memory_space<hbm>>
      %dma_start3A_184 = tpu.memref_squeeze %dma_start3A_183 : memref<1x1x100xi32, #tpu.memory_space<hbm>> -> memref<100xi32, #tpu.memory_space<hbm>>
      tpu.enqueue_dma source(%dma_start3A_184 : memref<100xi32, #tpu.memory_space<hbm>>) target(%dma_start3A_181 : memref<100xi32, #tpu.memory_space<vmem>>) target_semaphore(%arg18 : memref<!tpu.dma_semaphore, #tpu.memory_space<semaphore_mem>>)
    } else {
    }
    %ge3A = arith.constant 99 : i32
    %ge3A_133 = arith.constant 1 : i32
    %ge3A_134 = arith.cmpi sge, %ge3A, %ge3A_133 : i32
    %convert_element_type3A_135 = arith.extui %ge3A_134 : i1 to i32
    %cond3A_136 = arith.constant 0 : i32
    %cond3A_137 = arith.cmpi ne, %convert_element_type3A_135, %cond3A_136 : i32
    scf.if %cond3A_137 {
      %dma_wait3A_170 = arith.constant 2 : i32
      %dma_wait3A_171 = arith.constant 2 : i32
      %dma_wait3A_172 = arith.constant 0 : i32
      %dma_wait3A_173 = arith.constant 0 : i32
      %dma_wait3A_174 = tpu.memref_slice %arg11[%dma_wait3A_170, %dma_wait3A_172, %dma_wait3A_173] : memref<3x100x128xf32, #tpu.memory_space<vmem>> -> memref<1x100x128xf32, #tpu.memory_space<vmem>>
      %dma_wait3A_175 = tpu.memref_squeeze %dma_wait3A_174 : memref<1x100x128xf32, #tpu.memory_space<vmem>> -> memref<100x128xf32, #tpu.memory_space<vmem>>
      %dma_wait3A_176 = arith.constant 0 : i32
      %dma_wait3A_177 = tpu.memref_slice %arg10[%dma_wait3A_171, %dma_wait3A_176] : memref<3x100xi32, #tpu.memory_space<vmem>> -> memref<1x100xi32, #tpu.memory_space<vmem>>
      %dma_wait3A_178 = tpu.memref_squeeze %dma_wait3A_177 : memref<1x100xi32, #tpu.memory_space<vmem>> -> memref<100xi32, #tpu.memory_space<vmem>>
      %dma_wait3A_179 = arith.constant 0 : i32
      %dma_wait3A_180 = arith.constant 0 : i32
      %dma_wait3A_181 = tpu.memref_slice %arg24[%dma_wait3A_179, %dma_wait3A_180] : memref<10000x128xf32, #tpu.memory_space<vmem_shared>> -> memref<10000x128xf32, #tpu.memory_space<vmem_shared>>
      tpu.wait_indirect_dma semaphore(%arg17 : memref<!tpu.dma_semaphore, #tpu.memory_space<semaphore_mem>>) src(%dma_wait3A_175 : memref<100x128xf32, #tpu.memory_space<vmem>>) dst(%dma_wait3A_181 : memref<10000x128xf32, #tpu.memory_space<vmem_shared>>)
    } else {
    }
    %add3A_138 = arith.constant 99 : i32
    %add3A_139 = arith.constant 2 : i32
    %add3A_140 = arith.addi %add3A_138, %add3A_139 : i32
    %lt3A_141 = arith.constant 100 : i32
    %lt3A_142 = arith.cmpi slt, %add3A_140, %lt3A_141 : i32
    %convert_element_type3A_143 = arith.extui %lt3A_142 : i1 to i32
    %cond3A_144 = arith.constant 99 : i32
    %cond3A_145 = arith.constant 0 : i32
    %cond3A_146 = arith.cmpi ne, %convert_element_type3A_143, %cond3A_145 : i32
    scf.if %cond3A_146 {
      %add3A_170 = arith.constant 2 : i32
      %add3A_171 = arith.addi %cond3A_144, %add3A_170 : i32
      %dma_start3A_172 = arith.constant 2 : i32
      %dma_start3A_173 = arith.constant 0 : i32
      %dma_start3A_174 = tpu.memref_slice %arg10[%dma_start3A_172, %dma_start3A_173] : memref<3x100xi32, #tpu.memory_space<vmem>> -> memref<1x100xi32, #tpu.memory_space<vmem>>
      %dma_start3A_175 = tpu.memref_squeeze %dma_start3A_174 : memref<1x100xi32, #tpu.memory_space<vmem>> -> memref<100xi32, #tpu.memory_space<vmem>>
      %dma_start3A_176 = arith.constant 0 : i32
      %dma_start3A_177 = tpu.memref_slice %arg4[%add3A, %add3A_171, %dma_start3A_176] : memref<32x100x100xi32, #tpu.memory_space<hbm>> -> memref<1x1x100xi32, #tpu.memory_space<hbm>>
      %dma_start3A_178 = tpu.memref_squeeze %dma_start3A_177 : memref<1x1x100xi32, #tpu.memory_space<hbm>> -> memref<100xi32, #tpu.memory_space<hbm>>
      %dma_start3A_179 = arith.constant 0 : i32
      %dma_start3A_180 = tpu.memref_slice %arg10[%dma_start3A_172, %dma_start3A_179] : memref<3x100xi32, #tpu.memory_space<vmem>> -> memref<1x100xi32, #tpu.memory_space<vmem>>
      %dma_start3A_181 = tpu.memref_squeeze %dma_start3A_180 : memref<1x100xi32, #tpu.memory_space<vmem>> -> memref<100xi32, #tpu.memory_space<vmem>>
      %dma_start3A_182 = arith.constant 0 : i32
      %dma_start3A_183 = tpu.memref_slice %arg4[%add3A, %add3A_171, %dma_start3A_182] : memref<32x100x100xi32, #tpu.memory_space<hbm>> -> memref<1x1x100xi32, #tpu.memory_space<hbm>>
      %dma_start3A_184 = tpu.memref_squeeze %dma_start3A_183 : memref<1x1x100xi32, #tpu.memory_space<hbm>> -> memref<100xi32, #tpu.memory_space<hbm>>
      tpu.enqueue_dma source(%dma_start3A_184 : memref<100xi32, #tpu.memory_space<hbm>>) target(%dma_start3A_181 : memref<100xi32, #tpu.memory_space<vmem>>) target_semaphore(%arg23 : memref<!tpu.dma_semaphore, #tpu.memory_space<semaphore_mem>>)
      %dma_wait3A_185 = arith.constant 0 : i32
      %dma_wait3A_186 = arith.constant 2 : i32
      %dma_wait3A_187 = arith.constant 0 : i32
      %dma_wait3A_188 = tpu.memref_slice %arg9[%dma_wait3A_186, %dma_wait3A_187] : memref<3x100xi32, #tpu.memory_space<vmem>> -> memref<1x100xi32, #tpu.memory_space<vmem>>
      %dma_wait3A_189 = tpu.memref_squeeze %dma_wait3A_188 : memref<1x100xi32, #tpu.memory_space<vmem>> -> memref<100xi32, #tpu.memory_space<vmem>>
      %dma_wait3A_190 = arith.constant 0 : i32
      %dma_wait3A_191 = tpu.memref_slice %arg3[%add3A, %dma_wait3A_185, %dma_wait3A_190] : memref<32x100x100xi32, #tpu.memory_space<hbm>> -> memref<1x1x100xi32, #tpu.memory_space<hbm>>
      %dma_wait3A_192 = tpu.memref_squeeze %dma_wait3A_191 : memref<1x1x100xi32, #tpu.memory_space<hbm>> -> memref<100xi32, #tpu.memory_space<hbm>>
      %dma_wait3A_193 = arith.constant 0 : i32
      %dma_wait3A_194 = tpu.memref_slice %arg9[%dma_wait3A_186, %dma_wait3A_193] : memref<3x100xi32, #tpu.memory_space<vmem>> -> memref<1x100xi32, #tpu.memory_space<vmem>>
      %dma_wait3A_195 = tpu.memref_squeeze %dma_wait3A_194 : memref<1x100xi32, #tpu.memory_space<vmem>> -> memref<100xi32, #tpu.memory_space<vmem>>
      %dma_wait3A_196 = arith.constant 0 : i32
      %dma_wait3A_197 = tpu.memref_slice %arg3[%add3A, %dma_wait3A_185, %dma_wait3A_196] : memref<32x100x100xi32, #tpu.memory_space<hbm>> -> memref<1x1x100xi32, #tpu.memory_space<hbm>>
      %dma_wait3A_198 = tpu.memref_squeeze %dma_wait3A_197 : memref<1x1x100xi32, #tpu.memory_space<hbm>> -> memref<100xi32, #tpu.memory_space<hbm>>
      tpu.wait_dma2 semaphore(%arg20 : memref<!tpu.dma_semaphore, #tpu.memory_space<semaphore_mem>>) src(%dma_wait3A_198 : memref<100xi32, #tpu.memory_space<hbm>>) dst(%dma_wait3A_195 : memref<100xi32, #tpu.memory_space<vmem>>)
      %dma_start3A_199 = arith.constant 2 : i32
      %dma_start3A_200 = arith.constant 2 : i32
      %dma_start3A_201 = arith.constant 0 : i32
      %dma_start3A_202 = arith.constant 0 : i32
      %dma_start3A_203 = tpu.memref_slice %arg11[%dma_start3A_200, %dma_start3A_201, %dma_start3A_202] : memref<3x100x128xf32, #tpu.memory_space<vmem>> -> memref<1x100x128xf32, #tpu.memory_space<vmem>>
      %dma_start3A_204 = tpu.memref_squeeze %dma_start3A_203 : memref<1x100x128xf32, #tpu.memory_space<vmem>> -> memref<100x128xf32, #tpu.memory_space<vmem>>
      %dma_start3A_205 = arith.constant 0 : i32
      %dma_start3A_206 = tpu.memref_slice %arg9[%dma_start3A_199, %dma_start3A_205] : memref<3x100xi32, #tpu.memory_space<vmem>> -> memref<1x100xi32, #tpu.memory_space<vmem>>
      %dma_start3A_207 = tpu.memref_squeeze %dma_start3A_206 : memref<1x100xi32, #tpu.memory_space<vmem>> -> memref<100xi32, #tpu.memory_space<vmem>>
      %dma_start3A_208 = arith.constant 0 : i32
      %dma_start3A_209 = arith.constant 0 : i32
      %dma_start3A_210 = tpu.memref_slice %arg2[%dma_start3A_208, %dma_start3A_209] : memref<10000x128xf32, #tpu.memory_space<hbm>> -> memref<10000x128xf32, #tpu.memory_space<hbm>>
      tpu.enqueue_indirect_dma source(%dma_start3A_210 : memref<10000x128xf32, #tpu.memory_space<hbm>>) target(%dma_start3A_204 : memref<100x128xf32, #tpu.memory_space<vmem>>) offsets(%dma_start3A_207 : memref<100xi32, #tpu.memory_space<vmem>>) semaphore(%arg14 : memref<!tpu.dma_semaphore, #tpu.memory_space<semaphore_mem>>)
    } else {
    }
    %dma_wait3A_147 = arith.constant 0 : i32
    %dma_wait3A_148 = arith.constant 0 : i32
    %dma_wait3A_149 = arith.constant 0 : i32
    %dma_wait3A_150 = arith.constant 0 : i32
    %dma_wait3A_151 = tpu.memref_slice %arg11[%dma_wait3A_147, %dma_wait3A_149, %dma_wait3A_150] : memref<3x100x128xf32, #tpu.memory_space<vmem>> -> memref<1x100x128xf32, #tpu.memory_space<vmem>>
    %dma_wait3A_152 = tpu.memref_squeeze %dma_wait3A_151 : memref<1x100x128xf32, #tpu.memory_space<vmem>> -> memref<100x128xf32, #tpu.memory_space<vmem>>
    %dma_wait3A_153 = arith.constant 0 : i32
    %dma_wait3A_154 = tpu.memref_slice %arg10[%dma_wait3A_148, %dma_wait3A_153] : memref<3x100xi32, #tpu.memory_space<vmem>> -> memref<1x100xi32, #tpu.memory_space<vmem>>
    %dma_wait3A_155 = tpu.memref_squeeze %dma_wait3A_154 : memref<1x100xi32, #tpu.memory_space<vmem>> -> memref<100xi32, #tpu.memory_space<vmem>>
    %dma_wait3A_156 = arith.constant 0 : i32
    %dma_wait3A_157 = arith.constant 0 : i32
    %dma_wait3A_158 = tpu.memref_slice %arg24[%dma_wait3A_156, %dma_wait3A_157] : memref<10000x128xf32, #tpu.memory_space<vmem_shared>> -> memref<10000x128xf32, #tpu.memory_space<vmem_shared>>
    tpu.wait_indirect_dma semaphore(%arg15 : memref<!tpu.dma_semaphore, #tpu.memory_space<semaphore_mem>>) src(%dma_wait3A_152 : memref<100x128xf32, #tpu.memory_space<vmem>>) dst(%dma_wait3A_158 : memref<10000x128xf32, #tpu.memory_space<vmem_shared>>)
    %barrier3A_159 = arith.constant 0 : index
    tpu.barrier barrier_id(%barrier3A_159)
    %lt3A_160 = arith.constant 15 : i32
    %lt3A_161 = arith.cmpi slt, %arg1, %lt3A_160 : i32
    %convert_element_type3A_162 = arith.extui %lt3A_161 : i1 to i32
    %cond3A_163 = arith.constant 0 : i32
    %cond3A_164 = arith.cmpi ne, %convert_element_type3A_162, %cond3A_163 : i32
    scf.if %cond3A_164 {
      "tpu.region"() ({
        %run_scoped3A_170 = tpu.sem_alloc : memref<!tpu.dma_semaphore, #tpu.memory_space<semaphore_mem>>
        %dma_start3A_171 = arith.constant 0 : i32
        %dma_start3A_172 = tpu.memref_slice %arg7[%arg0, %mul3A_70, %dma_start3A_171] : memref<2x10000x128xf32, #tpu.memory_space<hbm>> -> memref<1x632x128xf32, #tpu.memory_space<hbm>>
        %dma_start3A_173 = tpu.memref_squeeze %dma_start3A_172 : memref<1x632x128xf32, #tpu.memory_space<hbm>> -> memref<632x128xf32, #tpu.memory_space<hbm>>
        %dma_start3A_174 = arith.constant 0 : i32
        %dma_start3A_175 = tpu.memref_slice %arg24[%mul3A_70, %dma_start3A_174] : memref<10000x128xf32, #tpu.memory_space<vmem_shared>> -> memref<632x128xf32, #tpu.memory_space<vmem_shared>>
        tpu.enqueue_dma source(%dma_start3A_175 : memref<632x128xf32, #tpu.memory_space<vmem_shared>>) target(%dma_start3A_173 : memref<632x128xf32, #tpu.memory_space<hbm>>) target_semaphore(%run_scoped3A_170 : memref<!tpu.dma_semaphore, #tpu.memory_space<semaphore_mem>>)
        %dma_wait3A_176 = arith.constant 0 : i32
        %dma_wait3A_177 = tpu.memref_slice %arg7[%arg0, %mul3A_70, %dma_wait3A_176] : memref<2x10000x128xf32, #tpu.memory_space<hbm>> -> memref<1x632x128xf32, #tpu.memory_space<hbm>>
        %dma_wait3A_178 = tpu.memref_squeeze %dma_wait3A_177 : memref<1x632x128xf32, #tpu.memory_space<hbm>> -> memref<632x128xf32, #tpu.memory_space<hbm>>
        %dma_wait3A_179 = arith.constant 0 : i32
        %dma_wait3A_180 = tpu.memref_slice %arg24[%mul3A_70, %dma_wait3A_179] : memref<10000x128xf32, #tpu.memory_space<vmem_shared>> -> memref<632x128xf32, #tpu.memory_space<vmem_shared>>
        tpu.wait_dma2 semaphore(%run_scoped3A_170 : memref<!tpu.dma_semaphore, #tpu.memory_space<semaphore_mem>>) src(%dma_wait3A_180 : memref<632x128xf32, #tpu.memory_space<vmem_shared>>) dst(%dma_wait3A_178 : memref<632x128xf32, #tpu.memory_space<hbm>>)
        tpu.yield
      }) : () -> ()
      "tpu.region"() ({
        %run_scoped3A_170 = tpu.sem_alloc : memref<!tpu.dma_semaphore, #tpu.memory_space<semaphore_mem>>
        %dma_start3A_171 = arith.constant 0 : i32
        %dma_start3A_172 = tpu.memref_slice %arg8[%arg0, %mul3A_70, %dma_start3A_171] : memref<2x10000x16xf32, #tpu.memory_space<hbm>> -> memref<1x632x16xf32, #tpu.memory_space<hbm>>
        %dma_start3A_173 = tpu.memref_squeeze %dma_start3A_172 : memref<1x632x16xf32, #tpu.memory_space<hbm>> -> memref<632x16xf32, #tpu.memory_space<hbm>>
        %dma_start3A_174 = arith.constant 0 : i32
        %dma_start3A_175 = tpu.memref_slice %arg26[%mul3A_70, %dma_start3A_174] : memref<10000x16xf32, #tpu.memory_space<vmem_shared>> -> memref<632x16xf32, #tpu.memory_space<vmem_shared>>
        tpu.enqueue_dma source(%dma_start3A_175 : memref<632x16xf32, #tpu.memory_space<vmem_shared>>) target(%dma_start3A_173 : memref<632x16xf32, #tpu.memory_space<hbm>>) target_semaphore(%run_scoped3A_170 : memref<!tpu.dma_semaphore, #tpu.memory_space<semaphore_mem>>)
        %dma_wait3A_176 = arith.constant 0 : i32
        %dma_wait3A_177 = tpu.memref_slice %arg8[%arg0, %mul3A_70, %dma_wait3A_176] : memref<2x10000x16xf32, #tpu.memory_space<hbm>> -> memref<1x632x16xf32, #tpu.memory_space<hbm>>
        %dma_wait3A_178 = tpu.memref_squeeze %dma_wait3A_177 : memref<1x632x16xf32, #tpu.memory_space<hbm>> -> memref<632x16xf32, #tpu.memory_space<hbm>>
        %dma_wait3A_179 = arith.constant 0 : i32
        %dma_wait3A_180 = tpu.memref_slice %arg26[%mul3A_70, %dma_wait3A_179] : memref<10000x16xf32, #tpu.memory_space<vmem_shared>> -> memref<632x16xf32, #tpu.memory_space<vmem_shared>>
        tpu.wait_dma2 semaphore(%run_scoped3A_170 : memref<!tpu.dma_semaphore, #tpu.memory_space<semaphore_mem>>) src(%dma_wait3A_180 : memref<632x16xf32, #tpu.memory_space<vmem_shared>>) dst(%dma_wait3A_178 : memref<632x16xf32, #tpu.memory_space<hbm>>)
        tpu.yield
      }) : () -> ()
    } else {
    }
    %eq3A_165 = arith.constant 15 : i32
    %eq3A_166 = arith.cmpi eq, %arg1, %eq3A_165 : i32
    %convert_element_type3A_167 = arith.extui %eq3A_166 : i1 to i32
    %cond3A_168 = arith.constant 0 : i32
    %cond3A_169 = arith.cmpi ne, %convert_element_type3A_167, %cond3A_168 : i32
    scf.if %cond3A_169 {
      "tpu.region"() ({
        %run_scoped3A_170 = tpu.sem_alloc : memref<!tpu.dma_semaphore, #tpu.memory_space<semaphore_mem>>
        %dma_start3A_171 = arith.constant 0 : i32
        %dma_start3A_172 = tpu.memref_slice %arg7[%arg0, %mul3A_70, %dma_start3A_171] : memref<2x10000x128xf32, #tpu.memory_space<hbm>> -> memref<1x520x128xf32, #tpu.memory_space<hbm>>
        %dma_start3A_173 = tpu.memref_squeeze %dma_start3A_172 : memref<1x520x128xf32, #tpu.memory_space<hbm>> -> memref<520x128xf32, #tpu.memory_space<hbm>>
        %dma_start3A_174 = arith.constant 0 : i32
        %dma_start3A_175 = tpu.memref_slice %arg24[%mul3A_70, %dma_start3A_174] : memref<10000x128xf32, #tpu.memory_space<vmem_shared>> -> memref<520x128xf32, #tpu.memory_space<vmem_shared>>
        tpu.enqueue_dma source(%dma_start3A_175 : memref<520x128xf32, #tpu.memory_space<vmem_shared>>) target(%dma_start3A_173 : memref<520x128xf32, #tpu.memory_space<hbm>>) target_semaphore(%run_scoped3A_170 : memref<!tpu.dma_semaphore, #tpu.memory_space<semaphore_mem>>)
        %dma_wait3A_176 = arith.constant 0 : i32
        %dma_wait3A_177 = tpu.memref_slice %arg7[%arg0, %mul3A_70, %dma_wait3A_176] : memref<2x10000x128xf32, #tpu.memory_space<hbm>> -> memref<1x520x128xf32, #tpu.memory_space<hbm>>
        %dma_wait3A_178 = tpu.memref_squeeze %dma_wait3A_177 : memref<1x520x128xf32, #tpu.memory_space<hbm>> -> memref<520x128xf32, #tpu.memory_space<hbm>>
        %dma_wait3A_179 = arith.constant 0 : i32
        %dma_wait3A_180 = tpu.memref_slice %arg24[%mul3A_70, %dma_wait3A_179] : memref<10000x128xf32, #tpu.memory_space<vmem_shared>> -> memref<520x128xf32, #tpu.memory_space<vmem_shared>>
        tpu.wait_dma2 semaphore(%run_scoped3A_170 : memref<!tpu.dma_semaphore, #tpu.memory_space<semaphore_mem>>) src(%dma_wait3A_180 : memref<520x128xf32, #tpu.memory_space<vmem_shared>>) dst(%dma_wait3A_178 : memref<520x128xf32, #tpu.memory_space<hbm>>)
        tpu.yield
      }) : () -> ()
      "tpu.region"() ({
        %run_scoped3A_170 = tpu.sem_alloc : memref<!tpu.dma_semaphore, #tpu.memory_space<semaphore_mem>>
        %dma_start3A_171 = arith.constant 0 : i32
        %dma_start3A_172 = tpu.memref_slice %arg8[%arg0, %mul3A_70, %dma_start3A_171] : memref<2x10000x16xf32, #tpu.memory_space<hbm>> -> memref<1x520x16xf32, #tpu.memory_space<hbm>>
        %dma_start3A_173 = tpu.memref_squeeze %dma_start3A_172 : memref<1x520x16xf32, #tpu.memory_space<hbm>> -> memref<520x16xf32, #tpu.memory_space<hbm>>
        %dma_start3A_174 = arith.constant 0 : i32
        %dma_start3A_175 = tpu.memref_slice %arg26[%mul3A_70, %dma_start3A_174] : memref<10000x16xf32, #tpu.memory_space<vmem_shared>> -> memref<520x16xf32, #tpu.memory_space<vmem_shared>>
        tpu.enqueue_dma source(%dma_start3A_175 : memref<520x16xf32, #tpu.memory_space<vmem_shared>>) target(%dma_start3A_173 : memref<520x16xf32, #tpu.memory_space<hbm>>) target_semaphore(%run_scoped3A_170 : memref<!tpu.dma_semaphore, #tpu.memory_space<semaphore_mem>>)
        %dma_wait3A_176 = arith.constant 0 : i32
        %dma_wait3A_177 = tpu.memref_slice %arg8[%arg0, %mul3A_70, %dma_wait3A_176] : memref<2x10000x16xf32, #tpu.memory_space<hbm>> -> memref<1x520x16xf32, #tpu.memory_space<hbm>>
        %dma_wait3A_178 = tpu.memref_squeeze %dma_wait3A_177 : memref<1x520x16xf32, #tpu.memory_space<hbm>> -> memref<520x16xf32, #tpu.memory_space<hbm>>
        %dma_wait3A_179 = arith.constant 0 : i32
        %dma_wait3A_180 = tpu.memref_slice %arg26[%mul3A_70, %dma_wait3A_179] : memref<10000x16xf32, #tpu.memory_space<vmem_shared>> -> memref<520x16xf32, #tpu.memory_space<vmem_shared>>
        tpu.wait_dma2 semaphore(%run_scoped3A_170 : memref<!tpu.dma_semaphore, #tpu.memory_space<semaphore_mem>>) src(%dma_wait3A_180 : memref<520x16xf32, #tpu.memory_space<vmem_shared>>) dst(%dma_wait3A_178 : memref<520x16xf32, #tpu.memory_space<hbm>>)
        tpu.yield
      }) : () -> ()
    } else {
    }
    return
  }
}

#map = affine_map<(d0, d1) -> (0, 0)>
#map1 = affine_map<(d0, d1) -> (0, 0, 0)>
module attributes {stable_mosaic.version = 14 : i64} {
  func.func @k(%arg0: i32, %arg1: i32, %arg2: memref<10000x128xf32, #tpu.memory_space<hbm>>, %arg3: memref<32x100x100xi32, #tpu.memory_space<hbm>>, %arg4: memref<32x100x100xi32, #tpu.memory_space<hbm>>, %arg5: memref<10000x128xf32, #tpu.memory_space<hbm>>, %arg6: memref<10000x16xf32, #tpu.memory_space<hbm>>, %arg7: memref<2x10000x128xf32, #tpu.memory_space<hbm>>, %arg8: memref<3x100xi32, #tpu.memory_space<vmem>>, %arg9: memref<3x100xi32, #tpu.memory_space<vmem>>, %arg10: memref<3x100x128xf32, #tpu.memory_space<vmem>>, %arg11: memref<!tpu.dma_semaphore, #tpu.memory_space<semaphore_mem>>, %arg12: memref<!tpu.dma_semaphore, #tpu.memory_space<semaphore_mem>>, %arg13: memref<!tpu.dma_semaphore, #tpu.memory_space<semaphore_mem>>, %arg14: memref<!tpu.dma_semaphore, #tpu.memory_space<semaphore_mem>>, %arg15: memref<!tpu.dma_semaphore, #tpu.memory_space<semaphore_mem>>, %arg16: memref<!tpu.dma_semaphore, #tpu.memory_space<semaphore_mem>>, %arg17: memref<!tpu.dma_semaphore, #tpu.memory_space<semaphore_mem>>, %arg18: memref<!tpu.dma_semaphore, #tpu.memory_space<semaphore_mem>>, %arg19: memref<!tpu.dma_semaphore, #tpu.memory_space<semaphore_mem>>, %arg20: memref<!tpu.dma_semaphore, #tpu.memory_space<semaphore_mem>>, %arg21: memref<!tpu.dma_semaphore, #tpu.memory_space<semaphore_mem>>, %arg22: memref<!tpu.dma_semaphore, #tpu.memory_space<semaphore_mem>>, %arg23: memref<10000x128xf32, #tpu.memory_space<vmem_shared>>) attributes {dimension_semantics = [#tpu.dimension_semantics<core_parallel>, #tpu.dimension_semantics<subcore_parallel>], iteration_bounds = array<i64: 2, 16>, scalar_prefetch = 0 : i64, scratch_operands = 16 : i64, tpu.core_type = #tpu.core_type<sc_vector_subcore>, window_params = [{transform_indices = #map}, {transform_indices = #map1}, {transform_indices = #map1}, {transform_indices = #map}, {transform_indices = #map}, {transform_indices = #map1}]} {
    %mul3A = arith.constant 16 : i32
    %mul3A_0 = arith.muli %arg0, %mul3A : i32
    %add3A = arith.addi %mul3A_0, %arg1 : i32
    %run_scoped3A = arith.constant 0 : i32
    %run_scoped3A_1 = arith.constant 0 : i32
    "tpu.region"() ({
      %run_scoped3A_164 = tpu.sem_alloc : memref<!tpu.dma_semaphore, #tpu.memory_space<semaphore_mem>>
      %dma_start3A_165 = arith.constant 0 : i32
      %dma_start3A_166 = tpu.memref_slice %arg8[%run_scoped3A_1, %dma_start3A_165] : memref<3x100xi32, #tpu.memory_space<vmem>> -> memref<1x100xi32, #tpu.memory_space<vmem>>
      %dma_start3A_167 = tpu.memref_squeeze %dma_start3A_166 : memref<1x100xi32, #tpu.memory_space<vmem>> -> memref<100xi32, #tpu.memory_space<vmem>>
      %dma_start3A_168 = arith.constant 0 : i32
      %dma_start3A_169 = tpu.memref_slice %arg3[%add3A, %run_scoped3A, %dma_start3A_168] : memref<32x100x100xi32, #tpu.memory_space<hbm>> -> memref<1x1x100xi32, #tpu.memory_space<hbm>>
      %dma_start3A_170 = tpu.memref_squeeze %dma_start3A_169 : memref<1x1x100xi32, #tpu.memory_space<hbm>> -> memref<100xi32, #tpu.memory_space<hbm>>
      %dma_start3A_171 = arith.constant 0 : i32
      %dma_start3A_172 = tpu.memref_slice %arg8[%run_scoped3A_1, %dma_start3A_171] : memref<3x100xi32, #tpu.memory_space<vmem>> -> memref<1x100xi32, #tpu.memory_space<vmem>>
      %dma_start3A_173 = tpu.memref_squeeze %dma_start3A_172 : memref<1x100xi32, #tpu.memory_space<vmem>> -> memref<100xi32, #tpu.memory_space<vmem>>
      %dma_start3A_174 = arith.constant 0 : i32
      %dma_start3A_175 = tpu.memref_slice %arg3[%add3A, %run_scoped3A, %dma_start3A_174] : memref<32x100x100xi32, #tpu.memory_space<hbm>> -> memref<1x1x100xi32, #tpu.memory_space<hbm>>
      %dma_start3A_176 = tpu.memref_squeeze %dma_start3A_175 : memref<1x1x100xi32, #tpu.memory_space<hbm>> -> memref<100xi32, #tpu.memory_space<hbm>>
      tpu.enqueue_dma source(%dma_start3A_176 : memref<100xi32, #tpu.memory_space<hbm>>) target(%dma_start3A_173 : memref<100xi32, #tpu.memory_space<vmem>>) target_semaphore(%run_scoped3A_164 : memref<!tpu.dma_semaphore, #tpu.memory_space<semaphore_mem>>)
      %dma_wait3A_177 = arith.constant 0 : i32
      %dma_wait3A_178 = tpu.memref_slice %arg8[%run_scoped3A_1, %dma_wait3A_177] : memref<3x100xi32, #tpu.memory_space<vmem>> -> memref<1x100xi32, #tpu.memory_space<vmem>>
      %dma_wait3A_179 = tpu.memref_squeeze %dma_wait3A_178 : memref<1x100xi32, #tpu.memory_space<vmem>> -> memref<100xi32, #tpu.memory_space<vmem>>
      %dma_wait3A_180 = arith.constant 0 : i32
      %dma_wait3A_181 = tpu.memref_slice %arg3[%add3A, %run_scoped3A, %dma_wait3A_180] : memref<32x100x100xi32, #tpu.memory_space<hbm>> -> memref<1x1x100xi32, #tpu.memory_space<hbm>>
      %dma_wait3A_182 = tpu.memref_squeeze %dma_wait3A_181 : memref<1x1x100xi32, #tpu.memory_space<hbm>> -> memref<100xi32, #tpu.memory_space<hbm>>
      %dma_wait3A_183 = arith.constant 0 : i32
      %dma_wait3A_184 = tpu.memref_slice %arg8[%run_scoped3A_1, %dma_wait3A_183] : memref<3x100xi32, #tpu.memory_space<vmem>> -> memref<1x100xi32, #tpu.memory_space<vmem>>
      %dma_wait3A_185 = tpu.memref_squeeze %dma_wait3A_184 : memref<1x100xi32, #tpu.memory_space<vmem>> -> memref<100xi32, #tpu.memory_space<vmem>>
      %dma_wait3A_186 = arith.constant 0 : i32
      %dma_wait3A_187 = tpu.memref_slice %arg3[%add3A, %run_scoped3A, %dma_wait3A_186] : memref<32x100x100xi32, #tpu.memory_space<hbm>> -> memref<1x1x100xi32, #tpu.memory_space<hbm>>
      %dma_wait3A_188 = tpu.memref_squeeze %dma_wait3A_187 : memref<1x1x100xi32, #tpu.memory_space<hbm>> -> memref<100xi32, #tpu.memory_space<hbm>>
      tpu.wait_dma2 semaphore(%run_scoped3A_164 : memref<!tpu.dma_semaphore, #tpu.memory_space<semaphore_mem>>) src(%dma_wait3A_188 : memref<100xi32, #tpu.memory_space<hbm>>) dst(%dma_wait3A_185 : memref<100xi32, #tpu.memory_space<vmem>>)
      tpu.yield
    }) : () -> ()
    %dma_start3A = arith.constant 0 : i32
    %dma_start3A_2 = arith.constant 0 : i32
    %dma_start3A_3 = arith.constant 0 : i32
    %dma_start3A_4 = arith.constant 0 : i32
    %dma_start3A_5 = tpu.memref_slice %arg10[%dma_start3A_2, %dma_start3A_3, %dma_start3A_4] : memref<3x100x128xf32, #tpu.memory_space<vmem>> -> memref<1x100x128xf32, #tpu.memory_space<vmem>>
    %dma_start3A_6 = tpu.memref_squeeze %dma_start3A_5 : memref<1x100x128xf32, #tpu.memory_space<vmem>> -> memref<100x128xf32, #tpu.memory_space<vmem>>
    %dma_start3A_7 = arith.constant 0 : i32
    %dma_start3A_8 = tpu.memref_slice %arg8[%dma_start3A, %dma_start3A_7] : memref<3x100xi32, #tpu.memory_space<vmem>> -> memref<1x100xi32, #tpu.memory_space<vmem>>
    %dma_start3A_9 = tpu.memref_squeeze %dma_start3A_8 : memref<1x100xi32, #tpu.memory_space<vmem>> -> memref<100xi32, #tpu.memory_space<vmem>>
    %dma_start3A_10 = arith.constant 0 : i32
    %dma_start3A_11 = arith.constant 0 : i32
    %dma_start3A_12 = tpu.memref_slice %arg2[%dma_start3A_10, %dma_start3A_11] : memref<10000x128xf32, #tpu.memory_space<hbm>> -> memref<10000x128xf32, #tpu.memory_space<hbm>>
    tpu.enqueue_indirect_dma source(%dma_start3A_12 : memref<10000x128xf32, #tpu.memory_space<hbm>>) target(%dma_start3A_6 : memref<100x128xf32, #tpu.memory_space<vmem>>) offsets(%dma_start3A_9 : memref<100xi32, #tpu.memory_space<vmem>>) semaphore(%arg11 : memref<!tpu.dma_semaphore, #tpu.memory_space<semaphore_mem>>)
    %run_scoped3A_13 = arith.constant 1 : i32
    %run_scoped3A_14 = arith.constant 1 : i32
    "tpu.region"() ({
      %run_scoped3A_164 = tpu.sem_alloc : memref<!tpu.dma_semaphore, #tpu.memory_space<semaphore_mem>>
      %dma_start3A_165 = arith.constant 0 : i32
      %dma_start3A_166 = tpu.memref_slice %arg8[%run_scoped3A_14, %dma_start3A_165] : memref<3x100xi32, #tpu.memory_space<vmem>> -> memref<1x100xi32, #tpu.memory_space<vmem>>
      %dma_start3A_167 = tpu.memref_squeeze %dma_start3A_166 : memref<1x100xi32, #tpu.memory_space<vmem>> -> memref<100xi32, #tpu.memory_space<vmem>>
      %dma_start3A_168 = arith.constant 0 : i32
      %dma_start3A_169 = tpu.memref_slice %arg3[%add3A, %run_scoped3A_13, %dma_start3A_168] : memref<32x100x100xi32, #tpu.memory_space<hbm>> -> memref<1x1x100xi32, #tpu.memory_space<hbm>>
      %dma_start3A_170 = tpu.memref_squeeze %dma_start3A_169 : memref<1x1x100xi32, #tpu.memory_space<hbm>> -> memref<100xi32, #tpu.memory_space<hbm>>
      %dma_start3A_171 = arith.constant 0 : i32
      %dma_start3A_172 = tpu.memref_slice %arg8[%run_scoped3A_14, %dma_start3A_171] : memref<3x100xi32, #tpu.memory_space<vmem>> -> memref<1x100xi32, #tpu.memory_space<vmem>>
      %dma_start3A_173 = tpu.memref_squeeze %dma_start3A_172 : memref<1x100xi32, #tpu.memory_space<vmem>> -> memref<100xi32, #tpu.memory_space<vmem>>
      %dma_start3A_174 = arith.constant 0 : i32
      %dma_start3A_175 = tpu.memref_slice %arg3[%add3A, %run_scoped3A_13, %dma_start3A_174] : memref<32x100x100xi32, #tpu.memory_space<hbm>> -> memref<1x1x100xi32, #tpu.memory_space<hbm>>
      %dma_start3A_176 = tpu.memref_squeeze %dma_start3A_175 : memref<1x1x100xi32, #tpu.memory_space<hbm>> -> memref<100xi32, #tpu.memory_space<hbm>>
      tpu.enqueue_dma source(%dma_start3A_176 : memref<100xi32, #tpu.memory_space<hbm>>) target(%dma_start3A_173 : memref<100xi32, #tpu.memory_space<vmem>>) target_semaphore(%run_scoped3A_164 : memref<!tpu.dma_semaphore, #tpu.memory_space<semaphore_mem>>)
      %dma_wait3A_177 = arith.constant 0 : i32
      %dma_wait3A_178 = tpu.memref_slice %arg8[%run_scoped3A_14, %dma_wait3A_177] : memref<3x100xi32, #tpu.memory_space<vmem>> -> memref<1x100xi32, #tpu.memory_space<vmem>>
      %dma_wait3A_179 = tpu.memref_squeeze %dma_wait3A_178 : memref<1x100xi32, #tpu.memory_space<vmem>> -> memref<100xi32, #tpu.memory_space<vmem>>
      %dma_wait3A_180 = arith.constant 0 : i32
      %dma_wait3A_181 = tpu.memref_slice %arg3[%add3A, %run_scoped3A_13, %dma_wait3A_180] : memref<32x100x100xi32, #tpu.memory_space<hbm>> -> memref<1x1x100xi32, #tpu.memory_space<hbm>>
      %dma_wait3A_182 = tpu.memref_squeeze %dma_wait3A_181 : memref<1x1x100xi32, #tpu.memory_space<hbm>> -> memref<100xi32, #tpu.memory_space<hbm>>
      %dma_wait3A_183 = arith.constant 0 : i32
      %dma_wait3A_184 = tpu.memref_slice %arg8[%run_scoped3A_14, %dma_wait3A_183] : memref<3x100xi32, #tpu.memory_space<vmem>> -> memref<1x100xi32, #tpu.memory_space<vmem>>
      %dma_wait3A_185 = tpu.memref_squeeze %dma_wait3A_184 : memref<1x100xi32, #tpu.memory_space<vmem>> -> memref<100xi32, #tpu.memory_space<vmem>>
      %dma_wait3A_186 = arith.constant 0 : i32
      %dma_wait3A_187 = tpu.memref_slice %arg3[%add3A, %run_scoped3A_13, %dma_wait3A_186] : memref<32x100x100xi32, #tpu.memory_space<hbm>> -> memref<1x1x100xi32, #tpu.memory_space<hbm>>
      %dma_wait3A_188 = tpu.memref_squeeze %dma_wait3A_187 : memref<1x1x100xi32, #tpu.memory_space<hbm>> -> memref<100xi32, #tpu.memory_space<hbm>>
      tpu.wait_dma2 semaphore(%run_scoped3A_164 : memref<!tpu.dma_semaphore, #tpu.memory_space<semaphore_mem>>) src(%dma_wait3A_188 : memref<100xi32, #tpu.memory_space<hbm>>) dst(%dma_wait3A_185 : memref<100xi32, #tpu.memory_space<vmem>>)
      tpu.yield
    }) : () -> ()
    %dma_start3A_15 = arith.constant 1 : i32
    %dma_start3A_16 = arith.constant 1 : i32
    %dma_start3A_17 = arith.constant 0 : i32
    %dma_start3A_18 = arith.constant 0 : i32
    %dma_start3A_19 = tpu.memref_slice %arg10[%dma_start3A_16, %dma_start3A_17, %dma_start3A_18] : memref<3x100x128xf32, #tpu.memory_space<vmem>> -> memref<1x100x128xf32, #tpu.memory_space<vmem>>
    %dma_start3A_20 = tpu.memref_squeeze %dma_start3A_19 : memref<1x100x128xf32, #tpu.memory_space<vmem>> -> memref<100x128xf32, #tpu.memory_space<vmem>>
    %dma_start3A_21 = arith.constant 0 : i32
    %dma_start3A_22 = tpu.memref_slice %arg8[%dma_start3A_15, %dma_start3A_21] : memref<3x100xi32, #tpu.memory_space<vmem>> -> memref<1x100xi32, #tpu.memory_space<vmem>>
    %dma_start3A_23 = tpu.memref_squeeze %dma_start3A_22 : memref<1x100xi32, #tpu.memory_space<vmem>> -> memref<100xi32, #tpu.memory_space<vmem>>
    %dma_start3A_24 = arith.constant 0 : i32
    %dma_start3A_25 = arith.constant 0 : i32
    %dma_start3A_26 = tpu.memref_slice %arg2[%dma_start3A_24, %dma_start3A_25] : memref<10000x128xf32, #tpu.memory_space<hbm>> -> memref<10000x128xf32, #tpu.memory_space<hbm>>
    tpu.enqueue_indirect_dma source(%dma_start3A_26 : memref<10000x128xf32, #tpu.memory_space<hbm>>) target(%dma_start3A_20 : memref<100x128xf32, #tpu.memory_space<vmem>>) offsets(%dma_start3A_23 : memref<100xi32, #tpu.memory_space<vmem>>) semaphore(%arg12 : memref<!tpu.dma_semaphore, #tpu.memory_space<semaphore_mem>>)
    %dma_start3A_27 = arith.constant 2 : i32
    %dma_start3A_28 = arith.constant 2 : i32
    %dma_start3A_29 = arith.constant 0 : i32
    %dma_start3A_30 = tpu.memref_slice %arg8[%dma_start3A_28, %dma_start3A_29] : memref<3x100xi32, #tpu.memory_space<vmem>> -> memref<1x100xi32, #tpu.memory_space<vmem>>
    %dma_start3A_31 = tpu.memref_squeeze %dma_start3A_30 : memref<1x100xi32, #tpu.memory_space<vmem>> -> memref<100xi32, #tpu.memory_space<vmem>>
    %dma_start3A_32 = arith.constant 0 : i32
    %dma_start3A_33 = tpu.memref_slice %arg3[%add3A, %dma_start3A_27, %dma_start3A_32] : memref<32x100x100xi32, #tpu.memory_space<hbm>> -> memref<1x1x100xi32, #tpu.memory_space<hbm>>
    %dma_start3A_34 = tpu.memref_squeeze %dma_start3A_33 : memref<1x1x100xi32, #tpu.memory_space<hbm>> -> memref<100xi32, #tpu.memory_space<hbm>>
    %dma_start3A_35 = arith.constant 0 : i32
    %dma_start3A_36 = tpu.memref_slice %arg8[%dma_start3A_28, %dma_start3A_35] : memref<3x100xi32, #tpu.memory_space<vmem>> -> memref<1x100xi32, #tpu.memory_space<vmem>>
    %dma_start3A_37 = tpu.memref_squeeze %dma_start3A_36 : memref<1x100xi32, #tpu.memory_space<vmem>> -> memref<100xi32, #tpu.memory_space<vmem>>
    %dma_start3A_38 = arith.constant 0 : i32
    %dma_start3A_39 = tpu.memref_slice %arg3[%add3A, %dma_start3A_27, %dma_start3A_38] : memref<32x100x100xi32, #tpu.memory_space<hbm>> -> memref<1x1x100xi32, #tpu.memory_space<hbm>>
    %dma_start3A_40 = tpu.memref_squeeze %dma_start3A_39 : memref<1x1x100xi32, #tpu.memory_space<hbm>> -> memref<100xi32, #tpu.memory_space<hbm>>
    tpu.enqueue_dma source(%dma_start3A_40 : memref<100xi32, #tpu.memory_space<hbm>>) target(%dma_start3A_37 : memref<100xi32, #tpu.memory_space<vmem>>) target_semaphore(%arg19 : memref<!tpu.dma_semaphore, #tpu.memory_space<semaphore_mem>>)
    %dma_start3A_41 = arith.constant 0 : i32
    %dma_start3A_42 = arith.constant 0 : i32
    %dma_start3A_43 = arith.constant 0 : i32
    %dma_start3A_44 = tpu.memref_slice %arg9[%dma_start3A_42, %dma_start3A_43] : memref<3x100xi32, #tpu.memory_space<vmem>> -> memref<1x100xi32, #tpu.memory_space<vmem>>
    %dma_start3A_45 = tpu.memref_squeeze %dma_start3A_44 : memref<1x100xi32, #tpu.memory_space<vmem>> -> memref<100xi32, #tpu.memory_space<vmem>>
    %dma_start3A_46 = arith.constant 0 : i32
    %dma_start3A_47 = tpu.memref_slice %arg4[%add3A, %dma_start3A_41, %dma_start3A_46] : memref<32x100x100xi32, #tpu.memory_space<hbm>> -> memref<1x1x100xi32, #tpu.memory_space<hbm>>
    %dma_start3A_48 = tpu.memref_squeeze %dma_start3A_47 : memref<1x1x100xi32, #tpu.memory_space<hbm>> -> memref<100xi32, #tpu.memory_space<hbm>>
    %dma_start3A_49 = arith.constant 0 : i32
    %dma_start3A_50 = tpu.memref_slice %arg9[%dma_start3A_42, %dma_start3A_49] : memref<3x100xi32, #tpu.memory_space<vmem>> -> memref<1x100xi32, #tpu.memory_space<vmem>>
    %dma_start3A_51 = tpu.memref_squeeze %dma_start3A_50 : memref<1x100xi32, #tpu.memory_space<vmem>> -> memref<100xi32, #tpu.memory_space<vmem>>
    %dma_start3A_52 = arith.constant 0 : i32
    %dma_start3A_53 = tpu.memref_slice %arg4[%add3A, %dma_start3A_41, %dma_start3A_52] : memref<32x100x100xi32, #tpu.memory_space<hbm>> -> memref<1x1x100xi32, #tpu.memory_space<hbm>>
    %dma_start3A_54 = tpu.memref_squeeze %dma_start3A_53 : memref<1x1x100xi32, #tpu.memory_space<hbm>> -> memref<100xi32, #tpu.memory_space<hbm>>
    tpu.enqueue_dma source(%dma_start3A_54 : memref<100xi32, #tpu.memory_space<hbm>>) target(%dma_start3A_51 : memref<100xi32, #tpu.memory_space<vmem>>) target_semaphore(%arg20 : memref<!tpu.dma_semaphore, #tpu.memory_space<semaphore_mem>>)
    %dma_start3A_55 = arith.constant 1 : i32
    %dma_start3A_56 = arith.constant 1 : i32
    %dma_start3A_57 = arith.constant 0 : i32
    %dma_start3A_58 = tpu.memref_slice %arg9[%dma_start3A_56, %dma_start3A_57] : memref<3x100xi32, #tpu.memory_space<vmem>> -> memref<1x100xi32, #tpu.memory_space<vmem>>
    %dma_start3A_59 = tpu.memref_squeeze %dma_start3A_58 : memref<1x100xi32, #tpu.memory_space<vmem>> -> memref<100xi32, #tpu.memory_space<vmem>>
    %dma_start3A_60 = arith.constant 0 : i32
    %dma_start3A_61 = tpu.memref_slice %arg4[%add3A, %dma_start3A_55, %dma_start3A_60] : memref<32x100x100xi32, #tpu.memory_space<hbm>> -> memref<1x1x100xi32, #tpu.memory_space<hbm>>
    %dma_start3A_62 = tpu.memref_squeeze %dma_start3A_61 : memref<1x1x100xi32, #tpu.memory_space<hbm>> -> memref<100xi32, #tpu.memory_space<hbm>>
    %dma_start3A_63 = arith.constant 0 : i32
    %dma_start3A_64 = tpu.memref_slice %arg9[%dma_start3A_56, %dma_start3A_63] : memref<3x100xi32, #tpu.memory_space<vmem>> -> memref<1x100xi32, #tpu.memory_space<vmem>>
    %dma_start3A_65 = tpu.memref_squeeze %dma_start3A_64 : memref<1x100xi32, #tpu.memory_space<vmem>> -> memref<100xi32, #tpu.memory_space<vmem>>
    %dma_start3A_66 = arith.constant 0 : i32
    %dma_start3A_67 = tpu.memref_slice %arg4[%add3A, %dma_start3A_55, %dma_start3A_66] : memref<32x100x100xi32, #tpu.memory_space<hbm>> -> memref<1x1x100xi32, #tpu.memory_space<hbm>>
    %dma_start3A_68 = tpu.memref_squeeze %dma_start3A_67 : memref<1x1x100xi32, #tpu.memory_space<hbm>> -> memref<100xi32, #tpu.memory_space<hbm>>
    tpu.enqueue_dma source(%dma_start3A_68 : memref<100xi32, #tpu.memory_space<hbm>>) target(%dma_start3A_65 : memref<100xi32, #tpu.memory_space<vmem>>) target_semaphore(%arg21 : memref<!tpu.dma_semaphore, #tpu.memory_space<semaphore_mem>>)
    %mul3A_69 = arith.constant 632 : i32
    %mul3A_70 = arith.muli %arg1, %mul3A_69 : i32
    %lt3A = arith.constant 15 : i32
    %lt3A_71 = arith.cmpi slt, %arg1, %lt3A : i32
    %convert_element_type3A = arith.extui %lt3A_71 : i1 to i32
    %cond3A = arith.constant 0 : i32
    %cond3A_72 = arith.cmpi ne, %convert_element_type3A, %cond3A : i32
    scf.if %cond3A_72 {
      "tpu.region"() ({
        %run_scoped3A_164 = tpu.sem_alloc : memref<!tpu.dma_semaphore, #tpu.memory_space<semaphore_mem>>
        %dma_start3A_165 = arith.constant 0 : i32
        %dma_start3A_166 = tpu.memref_slice %arg23[%mul3A_70, %dma_start3A_165] : memref<10000x128xf32, #tpu.memory_space<vmem_shared>> -> memref<632x128xf32, #tpu.memory_space<vmem_shared>>
        %dma_start3A_167 = arith.constant 0 : i32
        %dma_start3A_168 = tpu.memref_slice %arg5[%mul3A_70, %dma_start3A_167] : memref<10000x128xf32, #tpu.memory_space<hbm>> -> memref<632x128xf32, #tpu.memory_space<hbm>>
        tpu.enqueue_dma source(%dma_start3A_168 : memref<632x128xf32, #tpu.memory_space<hbm>>) target(%dma_start3A_166 : memref<632x128xf32, #tpu.memory_space<vmem_shared>>) target_semaphore(%run_scoped3A_164 : memref<!tpu.dma_semaphore, #tpu.memory_space<semaphore_mem>>)
        %dma_wait3A_169 = arith.constant 0 : i32
        %dma_wait3A_170 = tpu.memref_slice %arg23[%mul3A_70, %dma_wait3A_169] : memref<10000x128xf32, #tpu.memory_space<vmem_shared>> -> memref<632x128xf32, #tpu.memory_space<vmem_shared>>
        %dma_wait3A_171 = arith.constant 0 : i32
        %dma_wait3A_172 = tpu.memref_slice %arg5[%mul3A_70, %dma_wait3A_171] : memref<10000x128xf32, #tpu.memory_space<hbm>> -> memref<632x128xf32, #tpu.memory_space<hbm>>
        tpu.wait_dma2 semaphore(%run_scoped3A_164 : memref<!tpu.dma_semaphore, #tpu.memory_space<semaphore_mem>>) src(%dma_wait3A_172 : memref<632x128xf32, #tpu.memory_space<hbm>>) dst(%dma_wait3A_170 : memref<632x128xf32, #tpu.memory_space<vmem_shared>>)
        tpu.yield
      }) : () -> ()
    } else {
    }
    %eq3A = arith.constant 15 : i32
    %eq3A_73 = arith.cmpi eq, %arg1, %eq3A : i32
    %convert_element_type3A_74 = arith.extui %eq3A_73 : i1 to i32
    %cond3A_75 = arith.constant 0 : i32
    %cond3A_76 = arith.cmpi ne, %convert_element_type3A_74, %cond3A_75 : i32
    scf.if %cond3A_76 {
      "tpu.region"() ({
        %run_scoped3A_164 = tpu.sem_alloc : memref<!tpu.dma_semaphore, #tpu.memory_space<semaphore_mem>>
        %dma_start3A_165 = arith.constant 0 : i32
        %dma_start3A_166 = tpu.memref_slice %arg23[%mul3A_70, %dma_start3A_165] : memref<10000x128xf32, #tpu.memory_space<vmem_shared>> -> memref<520x128xf32, #tpu.memory_space<vmem_shared>>
        %dma_start3A_167 = arith.constant 0 : i32
        %dma_start3A_168 = tpu.memref_slice %arg5[%mul3A_70, %dma_start3A_167] : memref<10000x128xf32, #tpu.memory_space<hbm>> -> memref<520x128xf32, #tpu.memory_space<hbm>>
        tpu.enqueue_dma source(%dma_start3A_168 : memref<520x128xf32, #tpu.memory_space<hbm>>) target(%dma_start3A_166 : memref<520x128xf32, #tpu.memory_space<vmem_shared>>) target_semaphore(%run_scoped3A_164 : memref<!tpu.dma_semaphore, #tpu.memory_space<semaphore_mem>>)
        %dma_wait3A_169 = arith.constant 0 : i32
        %dma_wait3A_170 = tpu.memref_slice %arg23[%mul3A_70, %dma_wait3A_169] : memref<10000x128xf32, #tpu.memory_space<vmem_shared>> -> memref<520x128xf32, #tpu.memory_space<vmem_shared>>
        %dma_wait3A_171 = arith.constant 0 : i32
        %dma_wait3A_172 = tpu.memref_slice %arg5[%mul3A_70, %dma_wait3A_171] : memref<10000x128xf32, #tpu.memory_space<hbm>> -> memref<520x128xf32, #tpu.memory_space<hbm>>
        tpu.wait_dma2 semaphore(%run_scoped3A_164 : memref<!tpu.dma_semaphore, #tpu.memory_space<semaphore_mem>>) src(%dma_wait3A_172 : memref<520x128xf32, #tpu.memory_space<hbm>>) dst(%dma_wait3A_170 : memref<520x128xf32, #tpu.memory_space<vmem_shared>>)
        tpu.yield
      }) : () -> ()
    } else {
    }
    %barrier3A = arith.constant 0 : index
    tpu.barrier barrier_id(%barrier3A)
    %scan3A = arith.constant 0 : i32
    %scan3A_77 = arith.constant 33 : i32
    %scan3A_78 = arith.addi %scan3A, %scan3A_77 : i32
    %scan3A_79 = arith.constant 1 : i32
    scf.for %scan3A_164 = %scan3A to %scan3A_78 step %scan3A_79  : i32 {
      %mul3A_165 = arith.constant 1 : i32
      %mul3A_166 = arith.muli %scan3A_164, %mul3A_165 : i32
      %add3A_167 = arith.constant 0 : i32
      %add3A_168 = arith.addi %add3A_167, %mul3A_166 : i32
      %mul3A_169 = arith.constant 3 : i32
      %mul3A_170 = arith.muli %mul3A_169, %add3A_168 : i32
      %dma_wait3A_171 = arith.constant 0 : i32
      %dma_wait3A_172 = arith.constant 0 : i32
      %dma_wait3A_173 = arith.constant 0 : i32
      %dma_wait3A_174 = arith.constant 0 : i32
      %dma_wait3A_175 = tpu.memref_slice %arg10[%dma_wait3A_172, %dma_wait3A_173, %dma_wait3A_174] : memref<3x100x128xf32, #tpu.memory_space<vmem>> -> memref<1x100x128xf32, #tpu.memory_space<vmem>>
      %dma_wait3A_176 = tpu.memref_squeeze %dma_wait3A_175 : memref<1x100x128xf32, #tpu.memory_space<vmem>> -> memref<100x128xf32, #tpu.memory_space<vmem>>
      %dma_wait3A_177 = arith.constant 0 : i32
      %dma_wait3A_178 = tpu.memref_slice %arg8[%dma_wait3A_171, %dma_wait3A_177] : memref<3x100xi32, #tpu.memory_space<vmem>> -> memref<1x100xi32, #tpu.memory_space<vmem>>
      %dma_wait3A_179 = tpu.memref_squeeze %dma_wait3A_178 : memref<1x100xi32, #tpu.memory_space<vmem>> -> memref<100xi32, #tpu.memory_space<vmem>>
      %dma_wait3A_180 = arith.constant 0 : i32
      %dma_wait3A_181 = arith.constant 0 : i32
      %dma_wait3A_182 = tpu.memref_slice %arg2[%dma_wait3A_180, %dma_wait3A_181] : memref<10000x128xf32, #tpu.memory_space<hbm>> -> memref<10000x128xf32, #tpu.memory_space<hbm>>
      tpu.wait_indirect_dma semaphore(%arg11 : memref<!tpu.dma_semaphore, #tpu.memory_space<semaphore_mem>>) src(%dma_wait3A_182 : memref<10000x128xf32, #tpu.memory_space<hbm>>) dst(%dma_wait3A_176 : memref<100x128xf32, #tpu.memory_space<vmem>>)
      %dma_wait3A_183 = arith.constant 0 : i32
      %dma_wait3A_184 = arith.constant 0 : i32
      %dma_wait3A_185 = arith.constant 0 : i32
      %dma_wait3A_186 = tpu.memref_slice %arg9[%dma_wait3A_184, %dma_wait3A_185] : memref<3x100xi32, #tpu.memory_space<vmem>> -> memref<1x100xi32, #tpu.memory_space<vmem>>
      %dma_wait3A_187 = tpu.memref_squeeze %dma_wait3A_186 : memref<1x100xi32, #tpu.memory_space<vmem>> -> memref<100xi32, #tpu.memory_space<vmem>>
      %dma_wait3A_188 = arith.constant 0 : i32
      %dma_wait3A_189 = tpu.memref_slice %arg4[%add3A, %dma_wait3A_183, %dma_wait3A_188] : memref<32x100x100xi32, #tpu.memory_space<hbm>> -> memref<1x1x100xi32, #tpu.memory_space<hbm>>
      %dma_wait3A_190 = tpu.memref_squeeze %dma_wait3A_189 : memref<1x1x100xi32, #tpu.memory_space<hbm>> -> memref<100xi32, #tpu.memory_space<hbm>>
      %dma_wait3A_191 = arith.constant 0 : i32
      %dma_wait3A_192 = tpu.memref_slice %arg9[%dma_wait3A_184, %dma_wait3A_191] : memref<3x100xi32, #tpu.memory_space<vmem>> -> memref<1x100xi32, #tpu.memory_space<vmem>>
      %dma_wait3A_193 = tpu.memref_squeeze %dma_wait3A_192 : memref<1x100xi32, #tpu.memory_space<vmem>> -> memref<100xi32, #tpu.memory_space<vmem>>
      %dma_wait3A_194 = arith.constant 0 : i32
      %dma_wait3A_195 = tpu.memref_slice %arg4[%add3A, %dma_wait3A_183, %dma_wait3A_194] : memref<32x100x100xi32, #tpu.memory_space<hbm>> -> memref<1x1x100xi32, #tpu.memory_space<hbm>>
      %dma_wait3A_196 = tpu.memref_squeeze %dma_wait3A_195 : memref<1x1x100xi32, #tpu.memory_space<hbm>> -> memref<100xi32, #tpu.memory_space<hbm>>
      tpu.wait_dma2 semaphore(%arg20 : memref<!tpu.dma_semaphore, #tpu.memory_space<semaphore_mem>>) src(%dma_wait3A_196 : memref<100xi32, #tpu.memory_space<hbm>>) dst(%dma_wait3A_193 : memref<100xi32, #tpu.memory_space<vmem>>)
      %dma_start3A_197 = arith.constant 0 : i32
      %dma_start3A_198 = arith.constant 0 : i32
      %dma_start3A_199 = arith.constant 0 : i32
      %dma_start3A_200 = arith.constant 0 : i32
      %dma_start3A_201 = tpu.memref_slice %arg10[%dma_start3A_197, %dma_start3A_199, %dma_start3A_200] : memref<3x100x128xf32, #tpu.memory_space<vmem>> -> memref<1x100x128xf32, #tpu.memory_space<vmem>>
      %dma_start3A_202 = tpu.memref_squeeze %dma_start3A_201 : memref<1x100x128xf32, #tpu.memory_space<vmem>> -> memref<100x128xf32, #tpu.memory_space<vmem>>
      %dma_start3A_203 = arith.constant 0 : i32
      %dma_start3A_204 = tpu.memref_slice %arg9[%dma_start3A_198, %dma_start3A_203] : memref<3x100xi32, #tpu.memory_space<vmem>> -> memref<1x100xi32, #tpu.memory_space<vmem>>
      %dma_start3A_205 = tpu.memref_squeeze %dma_start3A_204 : memref<1x100xi32, #tpu.memory_space<vmem>> -> memref<100xi32, #tpu.memory_space<vmem>>
      %dma_start3A_206 = arith.constant 0 : i32
      %dma_start3A_207 = arith.constant 0 : i32
      %dma_start3A_208 = tpu.memref_slice %arg23[%dma_start3A_206, %dma_start3A_207] : memref<10000x128xf32, #tpu.memory_space<vmem_shared>> -> memref<10000x128xf32, #tpu.memory_space<vmem_shared>>
      tpu.enqueue_indirect_dma source(%dma_start3A_202 : memref<100x128xf32, #tpu.memory_space<vmem>>) target(%dma_start3A_208 : memref<10000x128xf32, #tpu.memory_space<vmem_shared>>) offsets(%dma_start3A_205 : memref<100xi32, #tpu.memory_space<vmem>>) semaphore(%arg14 : memref<!tpu.dma_semaphore, #tpu.memory_space<semaphore_mem>>) {add = true}
      %add3A_209 = arith.constant 3 : i32
      %add3A_210 = arith.addi %mul3A_170, %add3A_209 : i32
      %lt3A_211 = arith.constant 100 : i32
      %lt3A_212 = arith.cmpi slt, %add3A_210, %lt3A_211 : i32
      %convert_element_type3A_213 = arith.extui %lt3A_212 : i1 to i32
      %cond3A_214 = arith.constant 0 : i32
      %cond3A_215 = arith.cmpi ne, %convert_element_type3A_213, %cond3A_214 : i32
      scf.if %cond3A_215 {
        %add3A_350 = arith.constant 3 : i32
        %add3A_351 = arith.addi %mul3A_170, %add3A_350 : i32
        %dma_start3A_352 = arith.constant 0 : i32
        %dma_start3A_353 = arith.constant 0 : i32
        %dma_start3A_354 = tpu.memref_slice %arg8[%dma_start3A_352, %dma_start3A_353] : memref<3x100xi32, #tpu.memory_space<vmem>> -> memref<1x100xi32, #tpu.memory_space<vmem>>
        %dma_start3A_355 = tpu.memref_squeeze %dma_start3A_354 : memref<1x100xi32, #tpu.memory_space<vmem>> -> memref<100xi32, #tpu.memory_space<vmem>>
        %dma_start3A_356 = arith.constant 0 : i32
        %dma_start3A_357 = tpu.memref_slice %arg3[%add3A, %add3A_351, %dma_start3A_356] : memref<32x100x100xi32, #tpu.memory_space<hbm>> -> memref<1x1x100xi32, #tpu.memory_space<hbm>>
        %dma_start3A_358 = tpu.memref_squeeze %dma_start3A_357 : memref<1x1x100xi32, #tpu.memory_space<hbm>> -> memref<100xi32, #tpu.memory_space<hbm>>
        %dma_start3A_359 = arith.constant 0 : i32
        %dma_start3A_360 = tpu.memref_slice %arg8[%dma_start3A_352, %dma_start3A_359] : memref<3x100xi32, #tpu.memory_space<vmem>> -> memref<1x100xi32, #tpu.memory_space<vmem>>
        %dma_start3A_361 = tpu.memref_squeeze %dma_start3A_360 : memref<1x100xi32, #tpu.memory_space<vmem>> -> memref<100xi32, #tpu.memory_space<vmem>>
        %dma_start3A_362 = arith.constant 0 : i32
        %dma_start3A_363 = tpu.memref_slice %arg3[%add3A, %add3A_351, %dma_start3A_362] : memref<32x100x100xi32, #tpu.memory_space<hbm>> -> memref<1x1x100xi32, #tpu.memory_space<hbm>>
        %dma_start3A_364 = tpu.memref_squeeze %dma_start3A_363 : memref<1x1x100xi32, #tpu.memory_space<hbm>> -> memref<100xi32, #tpu.memory_space<hbm>>
        tpu.enqueue_dma source(%dma_start3A_364 : memref<100xi32, #tpu.memory_space<hbm>>) target(%dma_start3A_361 : memref<100xi32, #tpu.memory_space<vmem>>) target_semaphore(%arg17 : memref<!tpu.dma_semaphore, #tpu.memory_space<semaphore_mem>>)
      } else {
      }
      %ge3A_216 = arith.constant 1 : i32
      %ge3A_217 = arith.cmpi sge, %mul3A_170, %ge3A_216 : i32
      %convert_element_type3A_218 = arith.extui %ge3A_217 : i1 to i32
      %cond3A_219 = arith.constant 0 : i32
      %cond3A_220 = arith.cmpi ne, %convert_element_type3A_218, %cond3A_219 : i32
      scf.if %cond3A_220 {
        %dma_wait3A_350 = arith.constant 2 : i32
        %dma_wait3A_351 = arith.constant 2 : i32
        %dma_wait3A_352 = arith.constant 0 : i32
        %dma_wait3A_353 = arith.constant 0 : i32
        %dma_wait3A_354 = tpu.memref_slice %arg10[%dma_wait3A_350, %dma_wait3A_352, %dma_wait3A_353] : memref<3x100x128xf32, #tpu.memory_space<vmem>> -> memref<1x100x128xf32, #tpu.memory_space<vmem>>
        %dma_wait3A_355 = tpu.memref_squeeze %dma_wait3A_354 : memref<1x100x128xf32, #tpu.memory_space<vmem>> -> memref<100x128xf32, #tpu.memory_space<vmem>>
        %dma_wait3A_356 = arith.constant 0 : i32
        %dma_wait3A_357 = tpu.memref_slice %arg9[%dma_wait3A_351, %dma_wait3A_356] : memref<3x100xi32, #tpu.memory_space<vmem>> -> memref<1x100xi32, #tpu.memory_space<vmem>>
        %dma_wait3A_358 = tpu.memref_squeeze %dma_wait3A_357 : memref<1x100xi32, #tpu.memory_space<vmem>> -> memref<100xi32, #tpu.memory_space<vmem>>
        %dma_wait3A_359 = arith.constant 0 : i32
        %dma_wait3A_360 = arith.constant 0 : i32
        %dma_wait3A_361 = tpu.memref_slice %arg23[%dma_wait3A_359, %dma_wait3A_360] : memref<10000x128xf32, #tpu.memory_space<vmem_shared>> -> memref<10000x128xf32, #tpu.memory_space<vmem_shared>>
        tpu.wait_indirect_dma semaphore(%arg16 : memref<!tpu.dma_semaphore, #tpu.memory_space<semaphore_mem>>) src(%dma_wait3A_355 : memref<100x128xf32, #tpu.memory_space<vmem>>) dst(%dma_wait3A_361 : memref<10000x128xf32, #tpu.memory_space<vmem_shared>>)
      } else {
      }
      %add3A_221 = arith.constant 2 : i32
      %add3A_222 = arith.addi %mul3A_170, %add3A_221 : i32
      %lt3A_223 = arith.constant 100 : i32
      %lt3A_224 = arith.cmpi slt, %add3A_222, %lt3A_223 : i32
      %convert_element_type3A_225 = arith.extui %lt3A_224 : i1 to i32
      %cond3A_226 = arith.constant 0 : i32
      %cond3A_227 = arith.cmpi ne, %convert_element_type3A_225, %cond3A_226 : i32
      scf.if %cond3A_227 {
        %add3A_350 = arith.constant 2 : i32
        %add3A_351 = arith.addi %mul3A_170, %add3A_350 : i32
        %dma_start3A_352 = arith.constant 2 : i32
        %dma_start3A_353 = arith.constant 0 : i32
        %dma_start3A_354 = tpu.memref_slice %arg9[%dma_start3A_352, %dma_start3A_353] : memref<3x100xi32, #tpu.memory_space<vmem>> -> memref<1x100xi32, #tpu.memory_space<vmem>>
        %dma_start3A_355 = tpu.memref_squeeze %dma_start3A_354 : memref<1x100xi32, #tpu.memory_space<vmem>> -> memref<100xi32, #tpu.memory_space<vmem>>
        %dma_start3A_356 = arith.constant 0 : i32
        %dma_start3A_357 = tpu.memref_slice %arg4[%add3A, %add3A_351, %dma_start3A_356] : memref<32x100x100xi32, #tpu.memory_space<hbm>> -> memref<1x1x100xi32, #tpu.memory_space<hbm>>
        %dma_start3A_358 = tpu.memref_squeeze %dma_start3A_357 : memref<1x1x100xi32, #tpu.memory_space<hbm>> -> memref<100xi32, #tpu.memory_space<hbm>>
        %dma_start3A_359 = arith.constant 0 : i32
        %dma_start3A_360 = tpu.memref_slice %arg9[%dma_start3A_352, %dma_start3A_359] : memref<3x100xi32, #tpu.memory_space<vmem>> -> memref<1x100xi32, #tpu.memory_space<vmem>>
        %dma_start3A_361 = tpu.memref_squeeze %dma_start3A_360 : memref<1x100xi32, #tpu.memory_space<vmem>> -> memref<100xi32, #tpu.memory_space<vmem>>
        %dma_start3A_362 = arith.constant 0 : i32
        %dma_start3A_363 = tpu.memref_slice %arg4[%add3A, %add3A_351, %dma_start3A_362] : memref<32x100x100xi32, #tpu.memory_space<hbm>> -> memref<1x1x100xi32, #tpu.memory_space<hbm>>
        %dma_start3A_364 = tpu.memref_squeeze %dma_start3A_363 : memref<1x1x100xi32, #tpu.memory_space<hbm>> -> memref<100xi32, #tpu.memory_space<hbm>>
        tpu.enqueue_dma source(%dma_start3A_364 : memref<100xi32, #tpu.memory_space<hbm>>) target(%dma_start3A_361 : memref<100xi32, #tpu.memory_space<vmem>>) target_semaphore(%arg22 : memref<!tpu.dma_semaphore, #tpu.memory_space<semaphore_mem>>)
        %dma_wait3A_365 = arith.constant 0 : i32
        %dma_wait3A_366 = arith.constant 2 : i32
        %dma_wait3A_367 = arith.constant 0 : i32
        %dma_wait3A_368 = tpu.memref_slice %arg8[%dma_wait3A_366, %dma_wait3A_367] : memref<3x100xi32, #tpu.memory_space<vmem>> -> memref<1x100xi32, #tpu.memory_space<vmem>>
        %dma_wait3A_369 = tpu.memref_squeeze %dma_wait3A_368 : memref<1x100xi32, #tpu.memory_space<vmem>> -> memref<100xi32, #tpu.memory_space<vmem>>
        %dma_wait3A_370 = arith.constant 0 : i32
        %dma_wait3A_371 = tpu.memref_slice %arg3[%add3A, %dma_wait3A_365, %dma_wait3A_370] : memref<32x100x100xi32, #tpu.memory_space<hbm>> -> memref<1x1x100xi32, #tpu.memory_space<hbm>>
        %dma_wait3A_372 = tpu.memref_squeeze %dma_wait3A_371 : memref<1x1x100xi32, #tpu.memory_space<hbm>> -> memref<100xi32, #tpu.memory_space<hbm>>
        %dma_wait3A_373 = arith.constant 0 : i32
        %dma_wait3A_374 = tpu.memref_slice %arg8[%dma_wait3A_366, %dma_wait3A_373] : memref<3x100xi32, #tpu.memory_space<vmem>> -> memref<1x100xi32, #tpu.memory_space<vmem>>
        %dma_wait3A_375 = tpu.memref_squeeze %dma_wait3A_374 : memref<1x100xi32, #tpu.memory_space<vmem>> -> memref<100xi32, #tpu.memory_space<vmem>>
        %dma_wait3A_376 = arith.constant 0 : i32
        %dma_wait3A_377 = tpu.memref_slice %arg3[%add3A, %dma_wait3A_365, %dma_wait3A_376] : memref<32x100x100xi32, #tpu.memory_space<hbm>> -> memref<1x1x100xi32, #tpu.memory_space<hbm>>
        %dma_wait3A_378 = tpu.memref_squeeze %dma_wait3A_377 : memref<1x1x100xi32, #tpu.memory_space<hbm>> -> memref<100xi32, #tpu.memory_space<hbm>>
        tpu.wait_dma2 semaphore(%arg19 : memref<!tpu.dma_semaphore, #tpu.memory_space<semaphore_mem>>) src(%dma_wait3A_378 : memref<100xi32, #tpu.memory_space<hbm>>) dst(%dma_wait3A_375 : memref<100xi32, #tpu.memory_space<vmem>>)
        %dma_start3A_379 = arith.constant 2 : i32
        %dma_start3A_380 = arith.constant 2 : i32
        %dma_start3A_381 = arith.constant 0 : i32
        %dma_start3A_382 = arith.constant 0 : i32
        %dma_start3A_383 = tpu.memref_slice %arg10[%dma_start3A_380, %dma_start3A_381, %dma_start3A_382] : memref<3x100x128xf32, #tpu.memory_space<vmem>> -> memref<1x100x128xf32, #tpu.memory_space<vmem>>
        %dma_start3A_384 = tpu.memref_squeeze %dma_start3A_383 : memref<1x100x128xf32, #tpu.memory_space<vmem>> -> memref<100x128xf32, #tpu.memory_space<vmem>>
        %dma_start3A_385 = arith.constant 0 : i32
        %dma_start3A_386 = tpu.memref_slice %arg8[%dma_start3A_379, %dma_start3A_385] : memref<3x100xi32, #tpu.memory_space<vmem>> -> memref<1x100xi32, #tpu.memory_space<vmem>>
        %dma_start3A_387 = tpu.memref_squeeze %dma_start3A_386 : memref<1x100xi32, #tpu.memory_space<vmem>> -> memref<100xi32, #tpu.memory_space<vmem>>
        %dma_start3A_388 = arith.constant 0 : i32
        %dma_start3A_389 = arith.constant 0 : i32
        %dma_start3A_390 = tpu.memref_slice %arg2[%dma_start3A_388, %dma_start3A_389] : memref<10000x128xf32, #tpu.memory_space<hbm>> -> memref<10000x128xf32, #tpu.memory_space<hbm>>
        tpu.enqueue_indirect_dma source(%dma_start3A_390 : memref<10000x128xf32, #tpu.memory_space<hbm>>) target(%dma_start3A_384 : memref<100x128xf32, #tpu.memory_space<vmem>>) offsets(%dma_start3A_387 : memref<100xi32, #tpu.memory_space<vmem>>) semaphore(%arg13 : memref<!tpu.dma_semaphore, #tpu.memory_space<semaphore_mem>>)
      } else {
      }
      %mul3A_228 = arith.constant 3 : i32
      %mul3A_229 = arith.muli %mul3A_228, %add3A_168 : i32
      %add3A_230 = arith.constant 1 : i32
      %add3A_231 = arith.addi %mul3A_229, %add3A_230 : i32
      %dma_wait3A_232 = arith.constant 1 : i32
      %dma_wait3A_233 = arith.constant 1 : i32
      %dma_wait3A_234 = arith.constant 0 : i32
      %dma_wait3A_235 = arith.constant 0 : i32
      %dma_wait3A_236 = tpu.memref_slice %arg10[%dma_wait3A_233, %dma_wait3A_234, %dma_wait3A_235] : memref<3x100x128xf32, #tpu.memory_space<vmem>> -> memref<1x100x128xf32, #tpu.memory_space<vmem>>
      %dma_wait3A_237 = tpu.memref_squeeze %dma_wait3A_236 : memref<1x100x128xf32, #tpu.memory_space<vmem>> -> memref<100x128xf32, #tpu.memory_space<vmem>>
      %dma_wait3A_238 = arith.constant 0 : i32
      %dma_wait3A_239 = tpu.memref_slice %arg8[%dma_wait3A_232, %dma_wait3A_238] : memref<3x100xi32, #tpu.memory_space<vmem>> -> memref<1x100xi32, #tpu.memory_space<vmem>>
      %dma_wait3A_240 = tpu.memref_squeeze %dma_wait3A_239 : memref<1x100xi32, #tpu.memory_space<vmem>> -> memref<100xi32, #tpu.memory_space<vmem>>
      %dma_wait3A_241 = arith.constant 0 : i32
      %dma_wait3A_242 = arith.constant 0 : i32
      %dma_wait3A_243 = tpu.memref_slice %arg2[%dma_wait3A_241, %dma_wait3A_242] : memref<10000x128xf32, #tpu.memory_space<hbm>> -> memref<10000x128xf32, #tpu.memory_space<hbm>>
      tpu.wait_indirect_dma semaphore(%arg12 : memref<!tpu.dma_semaphore, #tpu.memory_space<semaphore_mem>>) src(%dma_wait3A_243 : memref<10000x128xf32, #tpu.memory_space<hbm>>) dst(%dma_wait3A_237 : memref<100x128xf32, #tpu.memory_space<vmem>>)
      %dma_wait3A_244 = arith.constant 0 : i32
      %dma_wait3A_245 = arith.constant 1 : i32
      %dma_wait3A_246 = arith.constant 0 : i32
      %dma_wait3A_247 = tpu.memref_slice %arg9[%dma_wait3A_245, %dma_wait3A_246] : memref<3x100xi32, #tpu.memory_space<vmem>> -> memref<1x100xi32, #tpu.memory_space<vmem>>
      %dma_wait3A_248 = tpu.memref_squeeze %dma_wait3A_247 : memref<1x100xi32, #tpu.memory_space<vmem>> -> memref<100xi32, #tpu.memory_space<vmem>>
      %dma_wait3A_249 = arith.constant 0 : i32
      %dma_wait3A_250 = tpu.memref_slice %arg4[%add3A, %dma_wait3A_244, %dma_wait3A_249] : memref<32x100x100xi32, #tpu.memory_space<hbm>> -> memref<1x1x100xi32, #tpu.memory_space<hbm>>
      %dma_wait3A_251 = tpu.memref_squeeze %dma_wait3A_250 : memref<1x1x100xi32, #tpu.memory_space<hbm>> -> memref<100xi32, #tpu.memory_space<hbm>>
      %dma_wait3A_252 = arith.constant 0 : i32
      %dma_wait3A_253 = tpu.memref_slice %arg9[%dma_wait3A_245, %dma_wait3A_252] : memref<3x100xi32, #tpu.memory_space<vmem>> -> memref<1x100xi32, #tpu.memory_space<vmem>>
      %dma_wait3A_254 = tpu.memref_squeeze %dma_wait3A_253 : memref<1x100xi32, #tpu.memory_space<vmem>> -> memref<100xi32, #tpu.memory_space<vmem>>
      %dma_wait3A_255 = arith.constant 0 : i32
      %dma_wait3A_256 = tpu.memref_slice %arg4[%add3A, %dma_wait3A_244, %dma_wait3A_255] : memref<32x100x100xi32, #tpu.memory_space<hbm>> -> memref<1x1x100xi32, #tpu.memory_space<hbm>>
      %dma_wait3A_257 = tpu.memref_squeeze %dma_wait3A_256 : memref<1x1x100xi32, #tpu.memory_space<hbm>> -> memref<100xi32, #tpu.memory_space<hbm>>
      tpu.wait_dma2 semaphore(%arg21 : memref<!tpu.dma_semaphore, #tpu.memory_space<semaphore_mem>>) src(%dma_wait3A_257 : memref<100xi32, #tpu.memory_space<hbm>>) dst(%dma_wait3A_254 : memref<100xi32, #tpu.memory_space<vmem>>)
      %dma_start3A_258 = arith.constant 1 : i32
      %dma_start3A_259 = arith.constant 1 : i32
      %dma_start3A_260 = arith.constant 0 : i32
      %dma_start3A_261 = arith.constant 0 : i32
      %dma_start3A_262 = tpu.memref_slice %arg10[%dma_start3A_258, %dma_start3A_260, %dma_start3A_261] : memref<3x100x128xf32, #tpu.memory_space<vmem>> -> memref<1x100x128xf32, #tpu.memory_space<vmem>>
      %dma_start3A_263 = tpu.memref_squeeze %dma_start3A_262 : memref<1x100x128xf32, #tpu.memory_space<vmem>> -> memref<100x128xf32, #tpu.memory_space<vmem>>
      %dma_start3A_264 = arith.constant 0 : i32
      %dma_start3A_265 = tpu.memref_slice %arg9[%dma_start3A_259, %dma_start3A_264] : memref<3x100xi32, #tpu.memory_space<vmem>> -> memref<1x100xi32, #tpu.memory_space<vmem>>
      %dma_start3A_266 = tpu.memref_squeeze %dma_start3A_265 : memref<1x100xi32, #tpu.memory_space<vmem>> -> memref<100xi32, #tpu.memory_space<vmem>>
      %dma_start3A_267 = arith.constant 0 : i32
      %dma_start3A_268 = arith.constant 0 : i32
      %dma_start3A_269 = tpu.memref_slice %arg23[%dma_start3A_267, %dma_start3A_268] : memref<10000x128xf32, #tpu.memory_space<vmem_shared>> -> memref<10000x128xf32, #tpu.memory_space<vmem_shared>>
      tpu.enqueue_indirect_dma source(%dma_start3A_263 : memref<100x128xf32, #tpu.memory_space<vmem>>) target(%dma_start3A_269 : memref<10000x128xf32, #tpu.memory_space<vmem_shared>>) offsets(%dma_start3A_266 : memref<100xi32, #tpu.memory_space<vmem>>) semaphore(%arg15 : memref<!tpu.dma_semaphore, #tpu.memory_space<semaphore_mem>>) {add = true}
      %add3A_270 = arith.constant 3 : i32
      %add3A_271 = arith.addi %add3A_231, %add3A_270 : i32
      %lt3A_272 = arith.constant 100 : i32
      %lt3A_273 = arith.cmpi slt, %add3A_271, %lt3A_272 : i32
      %convert_element_type3A_274 = arith.extui %lt3A_273 : i1 to i32
      %cond3A_275 = arith.constant 0 : i32
      %cond3A_276 = arith.cmpi ne, %convert_element_type3A_274, %cond3A_275 : i32
      scf.if %cond3A_276 {
        %add3A_350 = arith.constant 3 : i32
        %add3A_351 = arith.addi %add3A_231, %add3A_350 : i32
        %dma_start3A_352 = arith.constant 1 : i32
        %dma_start3A_353 = arith.constant 0 : i32
        %dma_start3A_354 = tpu.memref_slice %arg8[%dma_start3A_352, %dma_start3A_353] : memref<3x100xi32, #tpu.memory_space<vmem>> -> memref<1x100xi32, #tpu.memory_space<vmem>>
        %dma_start3A_355 = tpu.memref_squeeze %dma_start3A_354 : memref<1x100xi32, #tpu.memory_space<vmem>> -> memref<100xi32, #tpu.memory_space<vmem>>
        %dma_start3A_356 = arith.constant 0 : i32
        %dma_start3A_357 = tpu.memref_slice %arg3[%add3A, %add3A_351, %dma_start3A_356] : memref<32x100x100xi32, #tpu.memory_space<hbm>> -> memref<1x1x100xi32, #tpu.memory_space<hbm>>
        %dma_start3A_358 = tpu.memref_squeeze %dma_start3A_357 : memref<1x1x100xi32, #tpu.memory_space<hbm>> -> memref<100xi32, #tpu.memory_space<hbm>>
        %dma_start3A_359 = arith.constant 0 : i32
        %dma_start3A_360 = tpu.memref_slice %arg8[%dma_start3A_352, %dma_start3A_359] : memref<3x100xi32, #tpu.memory_space<vmem>> -> memref<1x100xi32, #tpu.memory_space<vmem>>
        %dma_start3A_361 = tpu.memref_squeeze %dma_start3A_360 : memref<1x100xi32, #tpu.memory_space<vmem>> -> memref<100xi32, #tpu.memory_space<vmem>>
        %dma_start3A_362 = arith.constant 0 : i32
        %dma_start3A_363 = tpu.memref_slice %arg3[%add3A, %add3A_351, %dma_start3A_362] : memref<32x100x100xi32, #tpu.memory_space<hbm>> -> memref<1x1x100xi32, #tpu.memory_space<hbm>>
        %dma_start3A_364 = tpu.memref_squeeze %dma_start3A_363 : memref<1x1x100xi32, #tpu.memory_space<hbm>> -> memref<100xi32, #tpu.memory_space<hbm>>
        tpu.enqueue_dma source(%dma_start3A_364 : memref<100xi32, #tpu.memory_space<hbm>>) target(%dma_start3A_361 : memref<100xi32, #tpu.memory_space<vmem>>) target_semaphore(%arg18 : memref<!tpu.dma_semaphore, #tpu.memory_space<semaphore_mem>>)
      } else {
      }
      %ge3A_277 = arith.constant 1 : i32
      %ge3A_278 = arith.cmpi sge, %add3A_231, %ge3A_277 : i32
      %convert_element_type3A_279 = arith.extui %ge3A_278 : i1 to i32
      %cond3A_280 = arith.constant 0 : i32
      %cond3A_281 = arith.cmpi ne, %convert_element_type3A_279, %cond3A_280 : i32
      scf.if %cond3A_281 {
        %dma_wait3A_350 = arith.constant 0 : i32
        %dma_wait3A_351 = arith.constant 0 : i32
        %dma_wait3A_352 = arith.constant 0 : i32
        %dma_wait3A_353 = arith.constant 0 : i32
        %dma_wait3A_354 = tpu.memref_slice %arg10[%dma_wait3A_350, %dma_wait3A_352, %dma_wait3A_353] : memref<3x100x128xf32, #tpu.memory_space<vmem>> -> memref<1x100x128xf32, #tpu.memory_space<vmem>>
        %dma_wait3A_355 = tpu.memref_squeeze %dma_wait3A_354 : memref<1x100x128xf32, #tpu.memory_space<vmem>> -> memref<100x128xf32, #tpu.memory_space<vmem>>
        %dma_wait3A_356 = arith.constant 0 : i32
        %dma_wait3A_357 = tpu.memref_slice %arg9[%dma_wait3A_351, %dma_wait3A_356] : memref<3x100xi32, #tpu.memory_space<vmem>> -> memref<1x100xi32, #tpu.memory_space<vmem>>
        %dma_wait3A_358 = tpu.memref_squeeze %dma_wait3A_357 : memref<1x100xi32, #tpu.memory_space<vmem>> -> memref<100xi32, #tpu.memory_space<vmem>>
        %dma_wait3A_359 = arith.constant 0 : i32
        %dma_wait3A_360 = arith.constant 0 : i32
        %dma_wait3A_361 = tpu.memref_slice %arg23[%dma_wait3A_359, %dma_wait3A_360] : memref<10000x128xf32, #tpu.memory_space<vmem_shared>> -> memref<10000x128xf32, #tpu.memory_space<vmem_shared>>
        tpu.wait_indirect_dma semaphore(%arg14 : memref<!tpu.dma_semaphore, #tpu.memory_space<semaphore_mem>>) src(%dma_wait3A_355 : memref<100x128xf32, #tpu.memory_space<vmem>>) dst(%dma_wait3A_361 : memref<10000x128xf32, #tpu.memory_space<vmem_shared>>)
      } else {
      }
      %add3A_282 = arith.constant 2 : i32
      %add3A_283 = arith.addi %add3A_231, %add3A_282 : i32
      %lt3A_284 = arith.constant 100 : i32
      %lt3A_285 = arith.cmpi slt, %add3A_283, %lt3A_284 : i32
      %convert_element_type3A_286 = arith.extui %lt3A_285 : i1 to i32
      %cond3A_287 = arith.constant 0 : i32
      %cond3A_288 = arith.cmpi ne, %convert_element_type3A_286, %cond3A_287 : i32
      scf.if %cond3A_288 {
        %add3A_350 = arith.constant 2 : i32
        %add3A_351 = arith.addi %add3A_231, %add3A_350 : i32
        %dma_start3A_352 = arith.constant 0 : i32
        %dma_start3A_353 = arith.constant 0 : i32
        %dma_start3A_354 = tpu.memref_slice %arg9[%dma_start3A_352, %dma_start3A_353] : memref<3x100xi32, #tpu.memory_space<vmem>> -> memref<1x100xi32, #tpu.memory_space<vmem>>
        %dma_start3A_355 = tpu.memref_squeeze %dma_start3A_354 : memref<1x100xi32, #tpu.memory_space<vmem>> -> memref<100xi32, #tpu.memory_space<vmem>>
        %dma_start3A_356 = arith.constant 0 : i32
        %dma_start3A_357 = tpu.memref_slice %arg4[%add3A, %add3A_351, %dma_start3A_356] : memref<32x100x100xi32, #tpu.memory_space<hbm>> -> memref<1x1x100xi32, #tpu.memory_space<hbm>>
        %dma_start3A_358 = tpu.memref_squeeze %dma_start3A_357 : memref<1x1x100xi32, #tpu.memory_space<hbm>> -> memref<100xi32, #tpu.memory_space<hbm>>
        %dma_start3A_359 = arith.constant 0 : i32
        %dma_start3A_360 = tpu.memref_slice %arg9[%dma_start3A_352, %dma_start3A_359] : memref<3x100xi32, #tpu.memory_space<vmem>> -> memref<1x100xi32, #tpu.memory_space<vmem>>
        %dma_start3A_361 = tpu.memref_squeeze %dma_start3A_360 : memref<1x100xi32, #tpu.memory_space<vmem>> -> memref<100xi32, #tpu.memory_space<vmem>>
        %dma_start3A_362 = arith.constant 0 : i32
        %dma_start3A_363 = tpu.memref_slice %arg4[%add3A, %add3A_351, %dma_start3A_362] : memref<32x100x100xi32, #tpu.memory_space<hbm>> -> memref<1x1x100xi32, #tpu.memory_space<hbm>>
        %dma_start3A_364 = tpu.memref_squeeze %dma_start3A_363 : memref<1x1x100xi32, #tpu.memory_space<hbm>> -> memref<100xi32, #tpu.memory_space<hbm>>
        tpu.enqueue_dma source(%dma_start3A_364 : memref<100xi32, #tpu.memory_space<hbm>>) target(%dma_start3A_361 : memref<100xi32, #tpu.memory_space<vmem>>) target_semaphore(%arg20 : memref<!tpu.dma_semaphore, #tpu.memory_space<semaphore_mem>>)
        %dma_wait3A_365 = arith.constant 0 : i32
        %dma_wait3A_366 = arith.constant 0 : i32
        %dma_wait3A_367 = arith.constant 0 : i32
        %dma_wait3A_368 = tpu.memref_slice %arg8[%dma_wait3A_366, %dma_wait3A_367] : memref<3x100xi32, #tpu.memory_space<vmem>> -> memref<1x100xi32, #tpu.memory_space<vmem>>
        %dma_wait3A_369 = tpu.memref_squeeze %dma_wait3A_368 : memref<1x100xi32, #tpu.memory_space<vmem>> -> memref<100xi32, #tpu.memory_space<vmem>>
        %dma_wait3A_370 = arith.constant 0 : i32
        %dma_wait3A_371 = tpu.memref_slice %arg3[%add3A, %dma_wait3A_365, %dma_wait3A_370] : memref<32x100x100xi32, #tpu.memory_space<hbm>> -> memref<1x1x100xi32, #tpu.memory_space<hbm>>
        %dma_wait3A_372 = tpu.memref_squeeze %dma_wait3A_371 : memref<1x1x100xi32, #tpu.memory_space<hbm>> -> memref<100xi32, #tpu.memory_space<hbm>>
        %dma_wait3A_373 = arith.constant 0 : i32
        %dma_wait3A_374 = tpu.memref_slice %arg8[%dma_wait3A_366, %dma_wait3A_373] : memref<3x100xi32, #tpu.memory_space<vmem>> -> memref<1x100xi32, #tpu.memory_space<vmem>>
        %dma_wait3A_375 = tpu.memref_squeeze %dma_wait3A_374 : memref<1x100xi32, #tpu.memory_space<vmem>> -> memref<100xi32, #tpu.memory_space<vmem>>
        %dma_wait3A_376 = arith.constant 0 : i32
        %dma_wait3A_377 = tpu.memref_slice %arg3[%add3A, %dma_wait3A_365, %dma_wait3A_376] : memref<32x100x100xi32, #tpu.memory_space<hbm>> -> memref<1x1x100xi32, #tpu.memory_space<hbm>>
        %dma_wait3A_378 = tpu.memref_squeeze %dma_wait3A_377 : memref<1x1x100xi32, #tpu.memory_space<hbm>> -> memref<100xi32, #tpu.memory_space<hbm>>
        tpu.wait_dma2 semaphore(%arg17 : memref<!tpu.dma_semaphore, #tpu.memory_space<semaphore_mem>>) src(%dma_wait3A_378 : memref<100xi32, #tpu.memory_space<hbm>>) dst(%dma_wait3A_375 : memref<100xi32, #tpu.memory_space<vmem>>)
        %dma_start3A_379 = arith.constant 0 : i32
        %dma_start3A_380 = arith.constant 0 : i32
        %dma_start3A_381 = arith.constant 0 : i32
        %dma_start3A_382 = arith.constant 0 : i32
        %dma_start3A_383 = tpu.memref_slice %arg10[%dma_start3A_380, %dma_start3A_381, %dma_start3A_382] : memref<3x100x128xf32, #tpu.memory_space<vmem>> -> memref<1x100x128xf32, #tpu.memory_space<vmem>>
        %dma_start3A_384 = tpu.memref_squeeze %dma_start3A_383 : memref<1x100x128xf32, #tpu.memory_space<vmem>> -> memref<100x128xf32, #tpu.memory_space<vmem>>
        %dma_start3A_385 = arith.constant 0 : i32
        %dma_start3A_386 = tpu.memref_slice %arg8[%dma_start3A_379, %dma_start3A_385] : memref<3x100xi32, #tpu.memory_space<vmem>> -> memref<1x100xi32, #tpu.memory_space<vmem>>
        %dma_start3A_387 = tpu.memref_squeeze %dma_start3A_386 : memref<1x100xi32, #tpu.memory_space<vmem>> -> memref<100xi32, #tpu.memory_space<vmem>>
        %dma_start3A_388 = arith.constant 0 : i32
        %dma_start3A_389 = arith.constant 0 : i32
        %dma_start3A_390 = tpu.memref_slice %arg2[%dma_start3A_388, %dma_start3A_389] : memref<10000x128xf32, #tpu.memory_space<hbm>> -> memref<10000x128xf32, #tpu.memory_space<hbm>>
        tpu.enqueue_indirect_dma source(%dma_start3A_390 : memref<10000x128xf32, #tpu.memory_space<hbm>>) target(%dma_start3A_384 : memref<100x128xf32, #tpu.memory_space<vmem>>) offsets(%dma_start3A_387 : memref<100xi32, #tpu.memory_space<vmem>>) semaphore(%arg11 : memref<!tpu.dma_semaphore, #tpu.memory_space<semaphore_mem>>)
      } else {
      }
      %mul3A_289 = arith.constant 3 : i32
      %mul3A_290 = arith.muli %mul3A_289, %add3A_168 : i32
      %add3A_291 = arith.constant 2 : i32
      %add3A_292 = arith.addi %mul3A_290, %add3A_291 : i32
      %dma_wait3A_293 = arith.constant 2 : i32
      %dma_wait3A_294 = arith.constant 2 : i32
      %dma_wait3A_295 = arith.constant 0 : i32
      %dma_wait3A_296 = arith.constant 0 : i32
      %dma_wait3A_297 = tpu.memref_slice %arg10[%dma_wait3A_294, %dma_wait3A_295, %dma_wait3A_296] : memref<3x100x128xf32, #tpu.memory_space<vmem>> -> memref<1x100x128xf32, #tpu.memory_space<vmem>>
      %dma_wait3A_298 = tpu.memref_squeeze %dma_wait3A_297 : memref<1x100x128xf32, #tpu.memory_space<vmem>> -> memref<100x128xf32, #tpu.memory_space<vmem>>
      %dma_wait3A_299 = arith.constant 0 : i32
      %dma_wait3A_300 = tpu.memref_slice %arg8[%dma_wait3A_293, %dma_wait3A_299] : memref<3x100xi32, #tpu.memory_space<vmem>> -> memref<1x100xi32, #tpu.memory_space<vmem>>
      %dma_wait3A_301 = tpu.memref_squeeze %dma_wait3A_300 : memref<1x100xi32, #tpu.memory_space<vmem>> -> memref<100xi32, #tpu.memory_space<vmem>>
      %dma_wait3A_302 = arith.constant 0 : i32
      %dma_wait3A_303 = arith.constant 0 : i32
      %dma_wait3A_304 = tpu.memref_slice %arg2[%dma_wait3A_302, %dma_wait3A_303] : memref<10000x128xf32, #tpu.memory_space<hbm>> -> memref<10000x128xf32, #tpu.memory_space<hbm>>
      tpu.wait_indirect_dma semaphore(%arg13 : memref<!tpu.dma_semaphore, #tpu.memory_space<semaphore_mem>>) src(%dma_wait3A_304 : memref<10000x128xf32, #tpu.memory_space<hbm>>) dst(%dma_wait3A_298 : memref<100x128xf32, #tpu.memory_space<vmem>>)
      %dma_wait3A_305 = arith.constant 0 : i32
      %dma_wait3A_306 = arith.constant 2 : i32
      %dma_wait3A_307 = arith.constant 0 : i32
      %dma_wait3A_308 = tpu.memref_slice %arg9[%dma_wait3A_306, %dma_wait3A_307] : memref<3x100xi32, #tpu.memory_space<vmem>> -> memref<1x100xi32, #tpu.memory_space<vmem>>
      %dma_wait3A_309 = tpu.memref_squeeze %dma_wait3A_308 : memref<1x100xi32, #tpu.memory_space<vmem>> -> memref<100xi32, #tpu.memory_space<vmem>>
      %dma_wait3A_310 = arith.constant 0 : i32
      %dma_wait3A_311 = tpu.memref_slice %arg4[%add3A, %dma_wait3A_305, %dma_wait3A_310] : memref<32x100x100xi32, #tpu.memory_space<hbm>> -> memref<1x1x100xi32, #tpu.memory_space<hbm>>
      %dma_wait3A_312 = tpu.memref_squeeze %dma_wait3A_311 : memref<1x1x100xi32, #tpu.memory_space<hbm>> -> memref<100xi32, #tpu.memory_space<hbm>>
      %dma_wait3A_313 = arith.constant 0 : i32
      %dma_wait3A_314 = tpu.memref_slice %arg9[%dma_wait3A_306, %dma_wait3A_313] : memref<3x100xi32, #tpu.memory_space<vmem>> -> memref<1x100xi32, #tpu.memory_space<vmem>>
      %dma_wait3A_315 = tpu.memref_squeeze %dma_wait3A_314 : memref<1x100xi32, #tpu.memory_space<vmem>> -> memref<100xi32, #tpu.memory_space<vmem>>
      %dma_wait3A_316 = arith.constant 0 : i32
      %dma_wait3A_317 = tpu.memref_slice %arg4[%add3A, %dma_wait3A_305, %dma_wait3A_316] : memref<32x100x100xi32, #tpu.memory_space<hbm>> -> memref<1x1x100xi32, #tpu.memory_space<hbm>>
      %dma_wait3A_318 = tpu.memref_squeeze %dma_wait3A_317 : memref<1x1x100xi32, #tpu.memory_space<hbm>> -> memref<100xi32, #tpu.memory_space<hbm>>
      tpu.wait_dma2 semaphore(%arg22 : memref<!tpu.dma_semaphore, #tpu.memory_space<semaphore_mem>>) src(%dma_wait3A_318 : memref<100xi32, #tpu.memory_space<hbm>>) dst(%dma_wait3A_315 : memref<100xi32, #tpu.memory_space<vmem>>)
      %dma_start3A_319 = arith.constant 2 : i32
      %dma_start3A_320 = arith.constant 2 : i32
      %dma_start3A_321 = arith.constant 0 : i32
      %dma_start3A_322 = arith.constant 0 : i32
      %dma_start3A_323 = tpu.memref_slice %arg10[%dma_start3A_319, %dma_start3A_321, %dma_start3A_322] : memref<3x100x128xf32, #tpu.memory_space<vmem>> -> memref<1x100x128xf32, #tpu.memory_space<vmem>>
      %dma_start3A_324 = tpu.memref_squeeze %dma_start3A_323 : memref<1x100x128xf32, #tpu.memory_space<vmem>> -> memref<100x128xf32, #tpu.memory_space<vmem>>
      %dma_start3A_325 = arith.constant 0 : i32
      %dma_start3A_326 = tpu.memref_slice %arg9[%dma_start3A_320, %dma_start3A_325] : memref<3x100xi32, #tpu.memory_space<vmem>> -> memref<1x100xi32, #tpu.memory_space<vmem>>
      %dma_start3A_327 = tpu.memref_squeeze %dma_start3A_326 : memref<1x100xi32, #tpu.memory_space<vmem>> -> memref<100xi32, #tpu.memory_space<vmem>>
      %dma_start3A_328 = arith.constant 0 : i32
      %dma_start3A_329 = arith.constant 0 : i32
      %dma_start3A_330 = tpu.memref_slice %arg23[%dma_start3A_328, %dma_start3A_329] : memref<10000x128xf32, #tpu.memory_space<vmem_shared>> -> memref<10000x128xf32, #tpu.memory_space<vmem_shared>>
      tpu.enqueue_indirect_dma source(%dma_start3A_324 : memref<100x128xf32, #tpu.memory_space<vmem>>) target(%dma_start3A_330 : memref<10000x128xf32, #tpu.memory_space<vmem_shared>>) offsets(%dma_start3A_327 : memref<100xi32, #tpu.memory_space<vmem>>) semaphore(%arg16 : memref<!tpu.dma_semaphore, #tpu.memory_space<semaphore_mem>>) {add = true}
      %add3A_331 = arith.constant 3 : i32
      %add3A_332 = arith.addi %add3A_292, %add3A_331 : i32
      %lt3A_333 = arith.constant 100 : i32
      %lt3A_334 = arith.cmpi slt, %add3A_332, %lt3A_333 : i32
      %convert_element_type3A_335 = arith.extui %lt3A_334 : i1 to i32
      %cond3A_336 = arith.constant 0 : i32
      %cond3A_337 = arith.cmpi ne, %convert_element_type3A_335, %cond3A_336 : i32
      scf.if %cond3A_337 {
        %add3A_350 = arith.constant 3 : i32
        %add3A_351 = arith.addi %add3A_292, %add3A_350 : i32
        %dma_start3A_352 = arith.constant 2 : i32
        %dma_start3A_353 = arith.constant 0 : i32
        %dma_start3A_354 = tpu.memref_slice %arg8[%dma_start3A_352, %dma_start3A_353] : memref<3x100xi32, #tpu.memory_space<vmem>> -> memref<1x100xi32, #tpu.memory_space<vmem>>
        %dma_start3A_355 = tpu.memref_squeeze %dma_start3A_354 : memref<1x100xi32, #tpu.memory_space<vmem>> -> memref<100xi32, #tpu.memory_space<vmem>>
        %dma_start3A_356 = arith.constant 0 : i32
        %dma_start3A_357 = tpu.memref_slice %arg3[%add3A, %add3A_351, %dma_start3A_356] : memref<32x100x100xi32, #tpu.memory_space<hbm>> -> memref<1x1x100xi32, #tpu.memory_space<hbm>>
        %dma_start3A_358 = tpu.memref_squeeze %dma_start3A_357 : memref<1x1x100xi32, #tpu.memory_space<hbm>> -> memref<100xi32, #tpu.memory_space<hbm>>
        %dma_start3A_359 = arith.constant 0 : i32
        %dma_start3A_360 = tpu.memref_slice %arg8[%dma_start3A_352, %dma_start3A_359] : memref<3x100xi32, #tpu.memory_space<vmem>> -> memref<1x100xi32, #tpu.memory_space<vmem>>
        %dma_start3A_361 = tpu.memref_squeeze %dma_start3A_360 : memref<1x100xi32, #tpu.memory_space<vmem>> -> memref<100xi32, #tpu.memory_space<vmem>>
        %dma_start3A_362 = arith.constant 0 : i32
        %dma_start3A_363 = tpu.memref_slice %arg3[%add3A, %add3A_351, %dma_start3A_362] : memref<32x100x100xi32, #tpu.memory_space<hbm>> -> memref<1x1x100xi32, #tpu.memory_space<hbm>>
        %dma_start3A_364 = tpu.memref_squeeze %dma_start3A_363 : memref<1x1x100xi32, #tpu.memory_space<hbm>> -> memref<100xi32, #tpu.memory_space<hbm>>
        tpu.enqueue_dma source(%dma_start3A_364 : memref<100xi32, #tpu.memory_space<hbm>>) target(%dma_start3A_361 : memref<100xi32, #tpu.memory_space<vmem>>) target_semaphore(%arg19 : memref<!tpu.dma_semaphore, #tpu.memory_space<semaphore_mem>>)
      } else {
      }
      %ge3A_338 = arith.constant 1 : i32
      %ge3A_339 = arith.cmpi sge, %add3A_292, %ge3A_338 : i32
      %convert_element_type3A_340 = arith.extui %ge3A_339 : i1 to i32
      %cond3A_341 = arith.constant 0 : i32
      %cond3A_342 = arith.cmpi ne, %convert_element_type3A_340, %cond3A_341 : i32
      scf.if %cond3A_342 {
        %dma_wait3A_350 = arith.constant 1 : i32
        %dma_wait3A_351 = arith.constant 1 : i32
        %dma_wait3A_352 = arith.constant 0 : i32
        %dma_wait3A_353 = arith.constant 0 : i32
        %dma_wait3A_354 = tpu.memref_slice %arg10[%dma_wait3A_350, %dma_wait3A_352, %dma_wait3A_353] : memref<3x100x128xf32, #tpu.memory_space<vmem>> -> memref<1x100x128xf32, #tpu.memory_space<vmem>>
        %dma_wait3A_355 = tpu.memref_squeeze %dma_wait3A_354 : memref<1x100x128xf32, #tpu.memory_space<vmem>> -> memref<100x128xf32, #tpu.memory_space<vmem>>
        %dma_wait3A_356 = arith.constant 0 : i32
        %dma_wait3A_357 = tpu.memref_slice %arg9[%dma_wait3A_351, %dma_wait3A_356] : memref<3x100xi32, #tpu.memory_space<vmem>> -> memref<1x100xi32, #tpu.memory_space<vmem>>
        %dma_wait3A_358 = tpu.memref_squeeze %dma_wait3A_357 : memref<1x100xi32, #tpu.memory_space<vmem>> -> memref<100xi32, #tpu.memory_space<vmem>>
        %dma_wait3A_359 = arith.constant 0 : i32
        %dma_wait3A_360 = arith.constant 0 : i32
        %dma_wait3A_361 = tpu.memref_slice %arg23[%dma_wait3A_359, %dma_wait3A_360] : memref<10000x128xf32, #tpu.memory_space<vmem_shared>> -> memref<10000x128xf32, #tpu.memory_space<vmem_shared>>
        tpu.wait_indirect_dma semaphore(%arg15 : memref<!tpu.dma_semaphore, #tpu.memory_space<semaphore_mem>>) src(%dma_wait3A_355 : memref<100x128xf32, #tpu.memory_space<vmem>>) dst(%dma_wait3A_361 : memref<10000x128xf32, #tpu.memory_space<vmem_shared>>)
      } else {
      }
      %add3A_343 = arith.constant 2 : i32
      %add3A_344 = arith.addi %add3A_292, %add3A_343 : i32
      %lt3A_345 = arith.constant 100 : i32
      %lt3A_346 = arith.cmpi slt, %add3A_344, %lt3A_345 : i32
      %convert_element_type3A_347 = arith.extui %lt3A_346 : i1 to i32
      %cond3A_348 = arith.constant 0 : i32
      %cond3A_349 = arith.cmpi ne, %convert_element_type3A_347, %cond3A_348 : i32
      scf.if %cond3A_349 {
        %add3A_350 = arith.constant 2 : i32
        %add3A_351 = arith.addi %add3A_292, %add3A_350 : i32
        %dma_start3A_352 = arith.constant 1 : i32
        %dma_start3A_353 = arith.constant 0 : i32
        %dma_start3A_354 = tpu.memref_slice %arg9[%dma_start3A_352, %dma_start3A_353] : memref<3x100xi32, #tpu.memory_space<vmem>> -> memref<1x100xi32, #tpu.memory_space<vmem>>
        %dma_start3A_355 = tpu.memref_squeeze %dma_start3A_354 : memref<1x100xi32, #tpu.memory_space<vmem>> -> memref<100xi32, #tpu.memory_space<vmem>>
        %dma_start3A_356 = arith.constant 0 : i32
        %dma_start3A_357 = tpu.memref_slice %arg4[%add3A, %add3A_351, %dma_start3A_356] : memref<32x100x100xi32, #tpu.memory_space<hbm>> -> memref<1x1x100xi32, #tpu.memory_space<hbm>>
        %dma_start3A_358 = tpu.memref_squeeze %dma_start3A_357 : memref<1x1x100xi32, #tpu.memory_space<hbm>> -> memref<100xi32, #tpu.memory_space<hbm>>
        %dma_start3A_359 = arith.constant 0 : i32
        %dma_start3A_360 = tpu.memref_slice %arg9[%dma_start3A_352, %dma_start3A_359] : memref<3x100xi32, #tpu.memory_space<vmem>> -> memref<1x100xi32, #tpu.memory_space<vmem>>
        %dma_start3A_361 = tpu.memref_squeeze %dma_start3A_360 : memref<1x100xi32, #tpu.memory_space<vmem>> -> memref<100xi32, #tpu.memory_space<vmem>>
        %dma_start3A_362 = arith.constant 0 : i32
        %dma_start3A_363 = tpu.memref_slice %arg4[%add3A, %add3A_351, %dma_start3A_362] : memref<32x100x100xi32, #tpu.memory_space<hbm>> -> memref<1x1x100xi32, #tpu.memory_space<hbm>>
        %dma_start3A_364 = tpu.memref_squeeze %dma_start3A_363 : memref<1x1x100xi32, #tpu.memory_space<hbm>> -> memref<100xi32, #tpu.memory_space<hbm>>
        tpu.enqueue_dma source(%dma_start3A_364 : memref<100xi32, #tpu.memory_space<hbm>>) target(%dma_start3A_361 : memref<100xi32, #tpu.memory_space<vmem>>) target_semaphore(%arg21 : memref<!tpu.dma_semaphore, #tpu.memory_space<semaphore_mem>>)
        %dma_wait3A_365 = arith.constant 0 : i32
        %dma_wait3A_366 = arith.constant 1 : i32
        %dma_wait3A_367 = arith.constant 0 : i32
        %dma_wait3A_368 = tpu.memref_slice %arg8[%dma_wait3A_366, %dma_wait3A_367] : memref<3x100xi32, #tpu.memory_space<vmem>> -> memref<1x100xi32, #tpu.memory_space<vmem>>
        %dma_wait3A_369 = tpu.memref_squeeze %dma_wait3A_368 : memref<1x100xi32, #tpu.memory_space<vmem>> -> memref<100xi32, #tpu.memory_space<vmem>>
        %dma_wait3A_370 = arith.constant 0 : i32
        %dma_wait3A_371 = tpu.memref_slice %arg3[%add3A, %dma_wait3A_365, %dma_wait3A_370] : memref<32x100x100xi32, #tpu.memory_space<hbm>> -> memref<1x1x100xi32, #tpu.memory_space<hbm>>
        %dma_wait3A_372 = tpu.memref_squeeze %dma_wait3A_371 : memref<1x1x100xi32, #tpu.memory_space<hbm>> -> memref<100xi32, #tpu.memory_space<hbm>>
        %dma_wait3A_373 = arith.constant 0 : i32
        %dma_wait3A_374 = tpu.memref_slice %arg8[%dma_wait3A_366, %dma_wait3A_373] : memref<3x100xi32, #tpu.memory_space<vmem>> -> memref<1x100xi32, #tpu.memory_space<vmem>>
        %dma_wait3A_375 = tpu.memref_squeeze %dma_wait3A_374 : memref<1x100xi32, #tpu.memory_space<vmem>> -> memref<100xi32, #tpu.memory_space<vmem>>
        %dma_wait3A_376 = arith.constant 0 : i32
        %dma_wait3A_377 = tpu.memref_slice %arg3[%add3A, %dma_wait3A_365, %dma_wait3A_376] : memref<32x100x100xi32, #tpu.memory_space<hbm>> -> memref<1x1x100xi32, #tpu.memory_space<hbm>>
        %dma_wait3A_378 = tpu.memref_squeeze %dma_wait3A_377 : memref<1x1x100xi32, #tpu.memory_space<hbm>> -> memref<100xi32, #tpu.memory_space<hbm>>
        tpu.wait_dma2 semaphore(%arg18 : memref<!tpu.dma_semaphore, #tpu.memory_space<semaphore_mem>>) src(%dma_wait3A_378 : memref<100xi32, #tpu.memory_space<hbm>>) dst(%dma_wait3A_375 : memref<100xi32, #tpu.memory_space<vmem>>)
        %dma_start3A_379 = arith.constant 1 : i32
        %dma_start3A_380 = arith.constant 1 : i32
        %dma_start3A_381 = arith.constant 0 : i32
        %dma_start3A_382 = arith.constant 0 : i32
        %dma_start3A_383 = tpu.memref_slice %arg10[%dma_start3A_380, %dma_start3A_381, %dma_start3A_382] : memref<3x100x128xf32, #tpu.memory_space<vmem>> -> memref<1x100x128xf32, #tpu.memory_space<vmem>>
        %dma_start3A_384 = tpu.memref_squeeze %dma_start3A_383 : memref<1x100x128xf32, #tpu.memory_space<vmem>> -> memref<100x128xf32, #tpu.memory_space<vmem>>
        %dma_start3A_385 = arith.constant 0 : i32
        %dma_start3A_386 = tpu.memref_slice %arg8[%dma_start3A_379, %dma_start3A_385] : memref<3x100xi32, #tpu.memory_space<vmem>> -> memref<1x100xi32, #tpu.memory_space<vmem>>
        %dma_start3A_387 = tpu.memref_squeeze %dma_start3A_386 : memref<1x100xi32, #tpu.memory_space<vmem>> -> memref<100xi32, #tpu.memory_space<vmem>>
        %dma_start3A_388 = arith.constant 0 : i32
        %dma_start3A_389 = arith.constant 0 : i32
        %dma_start3A_390 = tpu.memref_slice %arg2[%dma_start3A_388, %dma_start3A_389] : memref<10000x128xf32, #tpu.memory_space<hbm>> -> memref<10000x128xf32, #tpu.memory_space<hbm>>
        tpu.enqueue_indirect_dma source(%dma_start3A_390 : memref<10000x128xf32, #tpu.memory_space<hbm>>) target(%dma_start3A_384 : memref<100x128xf32, #tpu.memory_space<vmem>>) offsets(%dma_start3A_387 : memref<100xi32, #tpu.memory_space<vmem>>) semaphore(%arg12 : memref<!tpu.dma_semaphore, #tpu.memory_space<semaphore_mem>>)
      } else {
      }
    }
    %scan3A_80 = arith.constant 33 : i32
    %dma_wait3A = arith.constant 0 : i32
    %dma_wait3A_81 = arith.constant 0 : i32
    %dma_wait3A_82 = arith.constant 0 : i32
    %dma_wait3A_83 = arith.constant 0 : i32
    %dma_wait3A_84 = tpu.memref_slice %arg10[%dma_wait3A_81, %dma_wait3A_82, %dma_wait3A_83] : memref<3x100x128xf32, #tpu.memory_space<vmem>> -> memref<1x100x128xf32, #tpu.memory_space<vmem>>
    %dma_wait3A_85 = tpu.memref_squeeze %dma_wait3A_84 : memref<1x100x128xf32, #tpu.memory_space<vmem>> -> memref<100x128xf32, #tpu.memory_space<vmem>>
    %dma_wait3A_86 = arith.constant 0 : i32
    %dma_wait3A_87 = tpu.memref_slice %arg8[%dma_wait3A, %dma_wait3A_86] : memref<3x100xi32, #tpu.memory_space<vmem>> -> memref<1x100xi32, #tpu.memory_space<vmem>>
    %dma_wait3A_88 = tpu.memref_squeeze %dma_wait3A_87 : memref<1x100xi32, #tpu.memory_space<vmem>> -> memref<100xi32, #tpu.memory_space<vmem>>
    %dma_wait3A_89 = arith.constant 0 : i32
    %dma_wait3A_90 = arith.constant 0 : i32
    %dma_wait3A_91 = tpu.memref_slice %arg2[%dma_wait3A_89, %dma_wait3A_90] : memref<10000x128xf32, #tpu.memory_space<hbm>> -> memref<10000x128xf32, #tpu.memory_space<hbm>>
    tpu.wait_indirect_dma semaphore(%arg11 : memref<!tpu.dma_semaphore, #tpu.memory_space<semaphore_mem>>) src(%dma_wait3A_91 : memref<10000x128xf32, #tpu.memory_space<hbm>>) dst(%dma_wait3A_85 : memref<100x128xf32, #tpu.memory_space<vmem>>)
    %dma_wait3A_92 = arith.constant 0 : i32
    %dma_wait3A_93 = arith.constant 0 : i32
    %dma_wait3A_94 = arith.constant 0 : i32
    %dma_wait3A_95 = tpu.memref_slice %arg9[%dma_wait3A_93, %dma_wait3A_94] : memref<3x100xi32, #tpu.memory_space<vmem>> -> memref<1x100xi32, #tpu.memory_space<vmem>>
    %dma_wait3A_96 = tpu.memref_squeeze %dma_wait3A_95 : memref<1x100xi32, #tpu.memory_space<vmem>> -> memref<100xi32, #tpu.memory_space<vmem>>
    %dma_wait3A_97 = arith.constant 0 : i32
    %dma_wait3A_98 = tpu.memref_slice %arg4[%add3A, %dma_wait3A_92, %dma_wait3A_97] : memref<32x100x100xi32, #tpu.memory_space<hbm>> -> memref<1x1x100xi32, #tpu.memory_space<hbm>>
    %dma_wait3A_99 = tpu.memref_squeeze %dma_wait3A_98 : memref<1x1x100xi32, #tpu.memory_space<hbm>> -> memref<100xi32, #tpu.memory_space<hbm>>
    %dma_wait3A_100 = arith.constant 0 : i32
    %dma_wait3A_101 = tpu.memref_slice %arg9[%dma_wait3A_93, %dma_wait3A_100] : memref<3x100xi32, #tpu.memory_space<vmem>> -> memref<1x100xi32, #tpu.memory_space<vmem>>
    %dma_wait3A_102 = tpu.memref_squeeze %dma_wait3A_101 : memref<1x100xi32, #tpu.memory_space<vmem>> -> memref<100xi32, #tpu.memory_space<vmem>>
    %dma_wait3A_103 = arith.constant 0 : i32
    %dma_wait3A_104 = tpu.memref_slice %arg4[%add3A, %dma_wait3A_92, %dma_wait3A_103] : memref<32x100x100xi32, #tpu.memory_space<hbm>> -> memref<1x1x100xi32, #tpu.memory_space<hbm>>
    %dma_wait3A_105 = tpu.memref_squeeze %dma_wait3A_104 : memref<1x1x100xi32, #tpu.memory_space<hbm>> -> memref<100xi32, #tpu.memory_space<hbm>>
    tpu.wait_dma2 semaphore(%arg20 : memref<!tpu.dma_semaphore, #tpu.memory_space<semaphore_mem>>) src(%dma_wait3A_105 : memref<100xi32, #tpu.memory_space<hbm>>) dst(%dma_wait3A_102 : memref<100xi32, #tpu.memory_space<vmem>>)
    %dma_start3A_106 = arith.constant 0 : i32
    %dma_start3A_107 = arith.constant 0 : i32
    %dma_start3A_108 = arith.constant 0 : i32
    %dma_start3A_109 = arith.constant 0 : i32
    %dma_start3A_110 = tpu.memref_slice %arg10[%dma_start3A_106, %dma_start3A_108, %dma_start3A_109] : memref<3x100x128xf32, #tpu.memory_space<vmem>> -> memref<1x100x128xf32, #tpu.memory_space<vmem>>
    %dma_start3A_111 = tpu.memref_squeeze %dma_start3A_110 : memref<1x100x128xf32, #tpu.memory_space<vmem>> -> memref<100x128xf32, #tpu.memory_space<vmem>>
    %dma_start3A_112 = arith.constant 0 : i32
    %dma_start3A_113 = tpu.memref_slice %arg9[%dma_start3A_107, %dma_start3A_112] : memref<3x100xi32, #tpu.memory_space<vmem>> -> memref<1x100xi32, #tpu.memory_space<vmem>>
    %dma_start3A_114 = tpu.memref_squeeze %dma_start3A_113 : memref<1x100xi32, #tpu.memory_space<vmem>> -> memref<100xi32, #tpu.memory_space<vmem>>
    %dma_start3A_115 = arith.constant 0 : i32
    %dma_start3A_116 = arith.constant 0 : i32
    %dma_start3A_117 = tpu.memref_slice %arg23[%dma_start3A_115, %dma_start3A_116] : memref<10000x128xf32, #tpu.memory_space<vmem_shared>> -> memref<10000x128xf32, #tpu.memory_space<vmem_shared>>
    tpu.enqueue_indirect_dma source(%dma_start3A_111 : memref<100x128xf32, #tpu.memory_space<vmem>>) target(%dma_start3A_117 : memref<10000x128xf32, #tpu.memory_space<vmem_shared>>) offsets(%dma_start3A_114 : memref<100xi32, #tpu.memory_space<vmem>>) semaphore(%arg14 : memref<!tpu.dma_semaphore, #tpu.memory_space<semaphore_mem>>) {add = true}
    %add3A_118 = arith.constant 99 : i32
    %add3A_119 = arith.constant 3 : i32
    %add3A_120 = arith.addi %add3A_118, %add3A_119 : i32
    %lt3A_121 = arith.constant 100 : i32
    %lt3A_122 = arith.cmpi slt, %add3A_120, %lt3A_121 : i32
    %convert_element_type3A_123 = arith.extui %lt3A_122 : i1 to i32
    %cond3A_124 = arith.constant 99 : i32
    %cond3A_125 = arith.constant 0 : i32
    %cond3A_126 = arith.cmpi ne, %convert_element_type3A_123, %cond3A_125 : i32
    scf.if %cond3A_126 {
      %add3A_164 = arith.constant 3 : i32
      %add3A_165 = arith.addi %cond3A_124, %add3A_164 : i32
      %dma_start3A_166 = arith.constant 0 : i32
      %dma_start3A_167 = arith.constant 0 : i32
      %dma_start3A_168 = tpu.memref_slice %arg8[%dma_start3A_166, %dma_start3A_167] : memref<3x100xi32, #tpu.memory_space<vmem>> -> memref<1x100xi32, #tpu.memory_space<vmem>>
      %dma_start3A_169 = tpu.memref_squeeze %dma_start3A_168 : memref<1x100xi32, #tpu.memory_space<vmem>> -> memref<100xi32, #tpu.memory_space<vmem>>
      %dma_start3A_170 = arith.constant 0 : i32
      %dma_start3A_171 = tpu.memref_slice %arg3[%add3A, %add3A_165, %dma_start3A_170] : memref<32x100x100xi32, #tpu.memory_space<hbm>> -> memref<1x1x100xi32, #tpu.memory_space<hbm>>
      %dma_start3A_172 = tpu.memref_squeeze %dma_start3A_171 : memref<1x1x100xi32, #tpu.memory_space<hbm>> -> memref<100xi32, #tpu.memory_space<hbm>>
      %dma_start3A_173 = arith.constant 0 : i32
      %dma_start3A_174 = tpu.memref_slice %arg8[%dma_start3A_166, %dma_start3A_173] : memref<3x100xi32, #tpu.memory_space<vmem>> -> memref<1x100xi32, #tpu.memory_space<vmem>>
      %dma_start3A_175 = tpu.memref_squeeze %dma_start3A_174 : memref<1x100xi32, #tpu.memory_space<vmem>> -> memref<100xi32, #tpu.memory_space<vmem>>
      %dma_start3A_176 = arith.constant 0 : i32
      %dma_start3A_177 = tpu.memref_slice %arg3[%add3A, %add3A_165, %dma_start3A_176] : memref<32x100x100xi32, #tpu.memory_space<hbm>> -> memref<1x1x100xi32, #tpu.memory_space<hbm>>
      %dma_start3A_178 = tpu.memref_squeeze %dma_start3A_177 : memref<1x1x100xi32, #tpu.memory_space<hbm>> -> memref<100xi32, #tpu.memory_space<hbm>>
      tpu.enqueue_dma source(%dma_start3A_178 : memref<100xi32, #tpu.memory_space<hbm>>) target(%dma_start3A_175 : memref<100xi32, #tpu.memory_space<vmem>>) target_semaphore(%arg17 : memref<!tpu.dma_semaphore, #tpu.memory_space<semaphore_mem>>)
    } else {
    }
    %ge3A = arith.constant 99 : i32
    %ge3A_127 = arith.constant 1 : i32
    %ge3A_128 = arith.cmpi sge, %ge3A, %ge3A_127 : i32
    %convert_element_type3A_129 = arith.extui %ge3A_128 : i1 to i32
    %cond3A_130 = arith.constant 0 : i32
    %cond3A_131 = arith.cmpi ne, %convert_element_type3A_129, %cond3A_130 : i32
    scf.if %cond3A_131 {
      %dma_wait3A_164 = arith.constant 2 : i32
      %dma_wait3A_165 = arith.constant 2 : i32
      %dma_wait3A_166 = arith.constant 0 : i32
      %dma_wait3A_167 = arith.constant 0 : i32
      %dma_wait3A_168 = tpu.memref_slice %arg10[%dma_wait3A_164, %dma_wait3A_166, %dma_wait3A_167] : memref<3x100x128xf32, #tpu.memory_space<vmem>> -> memref<1x100x128xf32, #tpu.memory_space<vmem>>
      %dma_wait3A_169 = tpu.memref_squeeze %dma_wait3A_168 : memref<1x100x128xf32, #tpu.memory_space<vmem>> -> memref<100x128xf32, #tpu.memory_space<vmem>>
      %dma_wait3A_170 = arith.constant 0 : i32
      %dma_wait3A_171 = tpu.memref_slice %arg9[%dma_wait3A_165, %dma_wait3A_170] : memref<3x100xi32, #tpu.memory_space<vmem>> -> memref<1x100xi32, #tpu.memory_space<vmem>>
      %dma_wait3A_172 = tpu.memref_squeeze %dma_wait3A_171 : memref<1x100xi32, #tpu.memory_space<vmem>> -> memref<100xi32, #tpu.memory_space<vmem>>
      %dma_wait3A_173 = arith.constant 0 : i32
      %dma_wait3A_174 = arith.constant 0 : i32
      %dma_wait3A_175 = tpu.memref_slice %arg23[%dma_wait3A_173, %dma_wait3A_174] : memref<10000x128xf32, #tpu.memory_space<vmem_shared>> -> memref<10000x128xf32, #tpu.memory_space<vmem_shared>>
      tpu.wait_indirect_dma semaphore(%arg16 : memref<!tpu.dma_semaphore, #tpu.memory_space<semaphore_mem>>) src(%dma_wait3A_169 : memref<100x128xf32, #tpu.memory_space<vmem>>) dst(%dma_wait3A_175 : memref<10000x128xf32, #tpu.memory_space<vmem_shared>>)
    } else {
    }
    %add3A_132 = arith.constant 99 : i32
    %add3A_133 = arith.constant 2 : i32
    %add3A_134 = arith.addi %add3A_132, %add3A_133 : i32
    %lt3A_135 = arith.constant 100 : i32
    %lt3A_136 = arith.cmpi slt, %add3A_134, %lt3A_135 : i32
    %convert_element_type3A_137 = arith.extui %lt3A_136 : i1 to i32
    %cond3A_138 = arith.constant 99 : i32
    %cond3A_139 = arith.constant 0 : i32
    %cond3A_140 = arith.cmpi ne, %convert_element_type3A_137, %cond3A_139 : i32
    scf.if %cond3A_140 {
      %add3A_164 = arith.constant 2 : i32
      %add3A_165 = arith.addi %cond3A_138, %add3A_164 : i32
      %dma_start3A_166 = arith.constant 2 : i32
      %dma_start3A_167 = arith.constant 0 : i32
      %dma_start3A_168 = tpu.memref_slice %arg9[%dma_start3A_166, %dma_start3A_167] : memref<3x100xi32, #tpu.memory_space<vmem>> -> memref<1x100xi32, #tpu.memory_space<vmem>>
      %dma_start3A_169 = tpu.memref_squeeze %dma_start3A_168 : memref<1x100xi32, #tpu.memory_space<vmem>> -> memref<100xi32, #tpu.memory_space<vmem>>
      %dma_start3A_170 = arith.constant 0 : i32
      %dma_start3A_171 = tpu.memref_slice %arg4[%add3A, %add3A_165, %dma_start3A_170] : memref<32x100x100xi32, #tpu.memory_space<hbm>> -> memref<1x1x100xi32, #tpu.memory_space<hbm>>
      %dma_start3A_172 = tpu.memref_squeeze %dma_start3A_171 : memref<1x1x100xi32, #tpu.memory_space<hbm>> -> memref<100xi32, #tpu.memory_space<hbm>>
      %dma_start3A_173 = arith.constant 0 : i32
      %dma_start3A_174 = tpu.memref_slice %arg9[%dma_start3A_166, %dma_start3A_173] : memref<3x100xi32, #tpu.memory_space<vmem>> -> memref<1x100xi32, #tpu.memory_space<vmem>>
      %dma_start3A_175 = tpu.memref_squeeze %dma_start3A_174 : memref<1x100xi32, #tpu.memory_space<vmem>> -> memref<100xi32, #tpu.memory_space<vmem>>
      %dma_start3A_176 = arith.constant 0 : i32
      %dma_start3A_177 = tpu.memref_slice %arg4[%add3A, %add3A_165, %dma_start3A_176] : memref<32x100x100xi32, #tpu.memory_space<hbm>> -> memref<1x1x100xi32, #tpu.memory_space<hbm>>
      %dma_start3A_178 = tpu.memref_squeeze %dma_start3A_177 : memref<1x1x100xi32, #tpu.memory_space<hbm>> -> memref<100xi32, #tpu.memory_space<hbm>>
      tpu.enqueue_dma source(%dma_start3A_178 : memref<100xi32, #tpu.memory_space<hbm>>) target(%dma_start3A_175 : memref<100xi32, #tpu.memory_space<vmem>>) target_semaphore(%arg22 : memref<!tpu.dma_semaphore, #tpu.memory_space<semaphore_mem>>)
      %dma_wait3A_179 = arith.constant 0 : i32
      %dma_wait3A_180 = arith.constant 2 : i32
      %dma_wait3A_181 = arith.constant 0 : i32
      %dma_wait3A_182 = tpu.memref_slice %arg8[%dma_wait3A_180, %dma_wait3A_181] : memref<3x100xi32, #tpu.memory_space<vmem>> -> memref<1x100xi32, #tpu.memory_space<vmem>>
      %dma_wait3A_183 = tpu.memref_squeeze %dma_wait3A_182 : memref<1x100xi32, #tpu.memory_space<vmem>> -> memref<100xi32, #tpu.memory_space<vmem>>
      %dma_wait3A_184 = arith.constant 0 : i32
      %dma_wait3A_185 = tpu.memref_slice %arg3[%add3A, %dma_wait3A_179, %dma_wait3A_184] : memref<32x100x100xi32, #tpu.memory_space<hbm>> -> memref<1x1x100xi32, #tpu.memory_space<hbm>>
      %dma_wait3A_186 = tpu.memref_squeeze %dma_wait3A_185 : memref<1x1x100xi32, #tpu.memory_space<hbm>> -> memref<100xi32, #tpu.memory_space<hbm>>
      %dma_wait3A_187 = arith.constant 0 : i32
      %dma_wait3A_188 = tpu.memref_slice %arg8[%dma_wait3A_180, %dma_wait3A_187] : memref<3x100xi32, #tpu.memory_space<vmem>> -> memref<1x100xi32, #tpu.memory_space<vmem>>
      %dma_wait3A_189 = tpu.memref_squeeze %dma_wait3A_188 : memref<1x100xi32, #tpu.memory_space<vmem>> -> memref<100xi32, #tpu.memory_space<vmem>>
      %dma_wait3A_190 = arith.constant 0 : i32
      %dma_wait3A_191 = tpu.memref_slice %arg3[%add3A, %dma_wait3A_179, %dma_wait3A_190] : memref<32x100x100xi32, #tpu.memory_space<hbm>> -> memref<1x1x100xi32, #tpu.memory_space<hbm>>
      %dma_wait3A_192 = tpu.memref_squeeze %dma_wait3A_191 : memref<1x1x100xi32, #tpu.memory_space<hbm>> -> memref<100xi32, #tpu.memory_space<hbm>>
      tpu.wait_dma2 semaphore(%arg19 : memref<!tpu.dma_semaphore, #tpu.memory_space<semaphore_mem>>) src(%dma_wait3A_192 : memref<100xi32, #tpu.memory_space<hbm>>) dst(%dma_wait3A_189 : memref<100xi32, #tpu.memory_space<vmem>>)
      %dma_start3A_193 = arith.constant 2 : i32
      %dma_start3A_194 = arith.constant 2 : i32
      %dma_start3A_195 = arith.constant 0 : i32
      %dma_start3A_196 = arith.constant 0 : i32
      %dma_start3A_197 = tpu.memref_slice %arg10[%dma_start3A_194, %dma_start3A_195, %dma_start3A_196] : memref<3x100x128xf32, #tpu.memory_space<vmem>> -> memref<1x100x128xf32, #tpu.memory_space<vmem>>
      %dma_start3A_198 = tpu.memref_squeeze %dma_start3A_197 : memref<1x100x128xf32, #tpu.memory_space<vmem>> -> memref<100x128xf32, #tpu.memory_space<vmem>>
      %dma_start3A_199 = arith.constant 0 : i32
      %dma_start3A_200 = tpu.memref_slice %arg8[%dma_start3A_193, %dma_start3A_199] : memref<3x100xi32, #tpu.memory_space<vmem>> -> memref<1x100xi32, #tpu.memory_space<vmem>>
      %dma_start3A_201 = tpu.memref_squeeze %dma_start3A_200 : memref<1x100xi32, #tpu.memory_space<vmem>> -> memref<100xi32, #tpu.memory_space<vmem>>
      %dma_start3A_202 = arith.constant 0 : i32
      %dma_start3A_203 = arith.constant 0 : i32
      %dma_start3A_204 = tpu.memref_slice %arg2[%dma_start3A_202, %dma_start3A_203] : memref<10000x128xf32, #tpu.memory_space<hbm>> -> memref<10000x128xf32, #tpu.memory_space<hbm>>
      tpu.enqueue_indirect_dma source(%dma_start3A_204 : memref<10000x128xf32, #tpu.memory_space<hbm>>) target(%dma_start3A_198 : memref<100x128xf32, #tpu.memory_space<vmem>>) offsets(%dma_start3A_201 : memref<100xi32, #tpu.memory_space<vmem>>) semaphore(%arg13 : memref<!tpu.dma_semaphore, #tpu.memory_space<semaphore_mem>>)
    } else {
    }
    %dma_wait3A_141 = arith.constant 0 : i32
    %dma_wait3A_142 = arith.constant 0 : i32
    %dma_wait3A_143 = arith.constant 0 : i32
    %dma_wait3A_144 = arith.constant 0 : i32
    %dma_wait3A_145 = tpu.memref_slice %arg10[%dma_wait3A_141, %dma_wait3A_143, %dma_wait3A_144] : memref<3x100x128xf32, #tpu.memory_space<vmem>> -> memref<1x100x128xf32, #tpu.memory_space<vmem>>
    %dma_wait3A_146 = tpu.memref_squeeze %dma_wait3A_145 : memref<1x100x128xf32, #tpu.memory_space<vmem>> -> memref<100x128xf32, #tpu.memory_space<vmem>>
    %dma_wait3A_147 = arith.constant 0 : i32
    %dma_wait3A_148 = tpu.memref_slice %arg9[%dma_wait3A_142, %dma_wait3A_147] : memref<3x100xi32, #tpu.memory_space<vmem>> -> memref<1x100xi32, #tpu.memory_space<vmem>>
    %dma_wait3A_149 = tpu.memref_squeeze %dma_wait3A_148 : memref<1x100xi32, #tpu.memory_space<vmem>> -> memref<100xi32, #tpu.memory_space<vmem>>
    %dma_wait3A_150 = arith.constant 0 : i32
    %dma_wait3A_151 = arith.constant 0 : i32
    %dma_wait3A_152 = tpu.memref_slice %arg23[%dma_wait3A_150, %dma_wait3A_151] : memref<10000x128xf32, #tpu.memory_space<vmem_shared>> -> memref<10000x128xf32, #tpu.memory_space<vmem_shared>>
    tpu.wait_indirect_dma semaphore(%arg14 : memref<!tpu.dma_semaphore, #tpu.memory_space<semaphore_mem>>) src(%dma_wait3A_146 : memref<100x128xf32, #tpu.memory_space<vmem>>) dst(%dma_wait3A_152 : memref<10000x128xf32, #tpu.memory_space<vmem_shared>>)
    %barrier3A_153 = arith.constant 0 : index
    tpu.barrier barrier_id(%barrier3A_153)
    %lt3A_154 = arith.constant 15 : i32
    %lt3A_155 = arith.cmpi slt, %arg1, %lt3A_154 : i32
    %convert_element_type3A_156 = arith.extui %lt3A_155 : i1 to i32
    %cond3A_157 = arith.constant 0 : i32
    %cond3A_158 = arith.cmpi ne, %convert_element_type3A_156, %cond3A_157 : i32
    scf.if %cond3A_158 {
      "tpu.region"() ({
        %run_scoped3A_164 = tpu.sem_alloc : memref<!tpu.dma_semaphore, #tpu.memory_space<semaphore_mem>>
        %dma_start3A_165 = arith.constant 0 : i32
        %dma_start3A_166 = tpu.memref_slice %arg7[%arg0, %mul3A_70, %dma_start3A_165] : memref<2x10000x128xf32, #tpu.memory_space<hbm>> -> memref<1x632x128xf32, #tpu.memory_space<hbm>>
        %dma_start3A_167 = tpu.memref_squeeze %dma_start3A_166 : memref<1x632x128xf32, #tpu.memory_space<hbm>> -> memref<632x128xf32, #tpu.memory_space<hbm>>
        %dma_start3A_168 = arith.constant 0 : i32
        %dma_start3A_169 = tpu.memref_slice %arg23[%mul3A_70, %dma_start3A_168] : memref<10000x128xf32, #tpu.memory_space<vmem_shared>> -> memref<632x128xf32, #tpu.memory_space<vmem_shared>>
        tpu.enqueue_dma source(%dma_start3A_169 : memref<632x128xf32, #tpu.memory_space<vmem_shared>>) target(%dma_start3A_167 : memref<632x128xf32, #tpu.memory_space<hbm>>) target_semaphore(%run_scoped3A_164 : memref<!tpu.dma_semaphore, #tpu.memory_space<semaphore_mem>>)
        %dma_wait3A_170 = arith.constant 0 : i32
        %dma_wait3A_171 = tpu.memref_slice %arg7[%arg0, %mul3A_70, %dma_wait3A_170] : memref<2x10000x128xf32, #tpu.memory_space<hbm>> -> memref<1x632x128xf32, #tpu.memory_space<hbm>>
        %dma_wait3A_172 = tpu.memref_squeeze %dma_wait3A_171 : memref<1x632x128xf32, #tpu.memory_space<hbm>> -> memref<632x128xf32, #tpu.memory_space<hbm>>
        %dma_wait3A_173 = arith.constant 0 : i32
        %dma_wait3A_174 = tpu.memref_slice %arg23[%mul3A_70, %dma_wait3A_173] : memref<10000x128xf32, #tpu.memory_space<vmem_shared>> -> memref<632x128xf32, #tpu.memory_space<vmem_shared>>
        tpu.wait_dma2 semaphore(%run_scoped3A_164 : memref<!tpu.dma_semaphore, #tpu.memory_space<semaphore_mem>>) src(%dma_wait3A_174 : memref<632x128xf32, #tpu.memory_space<vmem_shared>>) dst(%dma_wait3A_172 : memref<632x128xf32, #tpu.memory_space<hbm>>)
        tpu.yield
      }) : () -> ()
    } else {
    }
    %eq3A_159 = arith.constant 15 : i32
    %eq3A_160 = arith.cmpi eq, %arg1, %eq3A_159 : i32
    %convert_element_type3A_161 = arith.extui %eq3A_160 : i1 to i32
    %cond3A_162 = arith.constant 0 : i32
    %cond3A_163 = arith.cmpi ne, %convert_element_type3A_161, %cond3A_162 : i32
    scf.if %cond3A_163 {
      "tpu.region"() ({
        %run_scoped3A_164 = tpu.sem_alloc : memref<!tpu.dma_semaphore, #tpu.memory_space<semaphore_mem>>
        %dma_start3A_165 = arith.constant 0 : i32
        %dma_start3A_166 = tpu.memref_slice %arg7[%arg0, %mul3A_70, %dma_start3A_165] : memref<2x10000x128xf32, #tpu.memory_space<hbm>> -> memref<1x520x128xf32, #tpu.memory_space<hbm>>
        %dma_start3A_167 = tpu.memref_squeeze %dma_start3A_166 : memref<1x520x128xf32, #tpu.memory_space<hbm>> -> memref<520x128xf32, #tpu.memory_space<hbm>>
        %dma_start3A_168 = arith.constant 0 : i32
        %dma_start3A_169 = tpu.memref_slice %arg23[%mul3A_70, %dma_start3A_168] : memref<10000x128xf32, #tpu.memory_space<vmem_shared>> -> memref<520x128xf32, #tpu.memory_space<vmem_shared>>
        tpu.enqueue_dma source(%dma_start3A_169 : memref<520x128xf32, #tpu.memory_space<vmem_shared>>) target(%dma_start3A_167 : memref<520x128xf32, #tpu.memory_space<hbm>>) target_semaphore(%run_scoped3A_164 : memref<!tpu.dma_semaphore, #tpu.memory_space<semaphore_mem>>)
        %dma_wait3A_170 = arith.constant 0 : i32
        %dma_wait3A_171 = tpu.memref_slice %arg7[%arg0, %mul3A_70, %dma_wait3A_170] : memref<2x10000x128xf32, #tpu.memory_space<hbm>> -> memref<1x520x128xf32, #tpu.memory_space<hbm>>
        %dma_wait3A_172 = tpu.memref_squeeze %dma_wait3A_171 : memref<1x520x128xf32, #tpu.memory_space<hbm>> -> memref<520x128xf32, #tpu.memory_space<hbm>>
        %dma_wait3A_173 = arith.constant 0 : i32
        %dma_wait3A_174 = tpu.memref_slice %arg23[%mul3A_70, %dma_wait3A_173] : memref<10000x128xf32, #tpu.memory_space<vmem_shared>> -> memref<520x128xf32, #tpu.memory_space<vmem_shared>>
        tpu.wait_dma2 semaphore(%run_scoped3A_164 : memref<!tpu.dma_semaphore, #tpu.memory_space<semaphore_mem>>) src(%dma_wait3A_174 : memref<520x128xf32, #tpu.memory_space<vmem_shared>>) dst(%dma_wait3A_172 : memref<520x128xf32, #tpu.memory_space<hbm>>)
        tpu.yield
      }) : () -> ()
    } else {
    }
    return
  }
}

module attributes {stable_mosaic.version = 14 : i64} {
  func.func @body(%arg0: i32, %arg1: memref<1000x128xf32, #tpu.memory_space<vmem>>, %arg2: memref<128x128xf32, #tpu.memory_space<vmem>>, %arg3: memref<1x128xf32, #tpu.memory_space<vmem>>, %arg4: memref<1000x128xf32, #tpu.memory_space<vmem>>) attributes {dimension_semantics = [#tpu.dimension_semantics<arbitrary>], iteration_bounds = array<i64: 10>, scalar_prefetch = 0 : i64, scratch_operands = 0 : i64, tpu.core_type = #tpu.core_type<tc>, window_params = [{transform_indices = @transform_0, window_bounds = array<i64: 1000, 128>}, {pipeline_mode = #tpu.pipeline_mode<synchronous>, transform_indices = @transform_1, window_bounds = array<i64: 128, 128>}, {pipeline_mode = #tpu.pipeline_mode<synchronous>, transform_indices = @transform_2, window_bounds = array<i64: 1, 128>}, {transform_indices = @transform_3, window_bounds = array<i64: 1000, 128>}]} {
    %get3A = arith.constant 0 : index
    %get3A_0 = arith.constant 0 : index
    %get3A_1 = vector.load %arg1[%get3A, %get3A_0] : memref<1000x128xf32, #tpu.memory_space<vmem>>, vector<1000x128xf32>
    %get3A_2 = arith.constant 0 : index
    %get3A_3 = arith.constant 0 : index
    %get3A_4 = vector.load %arg2[%get3A_2, %get3A_3] : memref<128x128xf32, #tpu.memory_space<vmem>>, vector<128x128xf32>
    %dot_general3A = arith.constant dense<0.000000e+00> : vector<1000x128xf32>
    %dot_general3A_5 = tpu.matmul %get3A_1, %get3A_4, %dot_general3A {dimension_numbers = #tpu.dot_dimension_numbers<[1], [0], [0], [1], [0, 0, 1, 1], [], []>, transpose_lhs_hint = false} : vector<1000x128xf32>, vector<128x128xf32>, vector<1000x128xf32> -> vector<1000x128xf32>
    %get3A_6 = arith.constant 0 : index
    %get3A_7 = arith.constant 0 : index
    %get3A_8 = vector.load %arg3[%get3A_6, %get3A_7] : memref<1x128xf32, #tpu.memory_space<vmem>>, vector<1x128xf32>
    %add3A = vector.broadcast %get3A_8 : vector<1x128xf32> to vector<1000x128xf32>
    %add3A_9 = arith.addf %dot_general3A_5, %add3A : vector<1000x128xf32>
    %swap3A = arith.constant 0 : index
    %swap3A_10 = arith.constant 0 : index
    %swap3A_11 = vector.load %arg4[%swap3A, %swap3A_10] : memref<1000x128xf32, #tpu.memory_space<vmem>>, vector<1000x128xf32>
    tpu.vector_store %arg4[%swap3A, %swap3A_10], %add3A_9 {strides = array<i32>} : memref<1000x128xf32, #tpu.memory_space<vmem>>, vector<1000x128xf32>,
    return
  }
  func.func @transform_0(%arg0: i32) -> (i32, i32) {
    %c0_i32 = arith.constant 0 : i32
    %c0_i32_0 = arith.constant 0 : i32
    return %arg0, %c0_i32 : i32, i32
  }
  func.func @transform_1(%arg0: i32) -> (i32, i32) {
    %c0_i32 = arith.constant 0 : i32
    %c0_i32_0 = arith.constant 0 : i32
    %c0_i32_1 = arith.constant 0 : i32
    return %c0_i32, %c0_i32_0 : i32, i32
  }
  func.func @transform_2(%arg0: i32) -> (i32, i32) {
    %c0_i32 = arith.constant 0 : i32
    %c0_i32_0 = arith.constant 0 : i32
    %c0_i32_1 = arith.constant 0 : i32
    return %c0_i32, %c0_i32_0 : i32, i32
  }
  func.func @transform_3(%arg0: i32) -> (i32, i32) {
    %c0_i32 = arith.constant 0 : i32
    %c0_i32_0 = arith.constant 0 : i32
    return %arg0, %c0_i32 : i32, i32
  }
}

module attributes {stable_mosaic.version = 14 : i64} {
  func.func @body(%arg0: i32, %arg1: memref<1000x128xf32, #tpu.memory_space<vmem>>, %arg2: memref<2x1000x128xf32, #tpu.memory_space<vmem>>, %arg3: memref<2x1000x16xf32, #tpu.memory_space<vmem>>, %arg4: memref<128x128xf32, #tpu.memory_space<vmem>>, %arg5: memref<1000x128xf32, #tpu.memory_space<vmem>>) attributes {dimension_semantics = [#tpu.dimension_semantics<arbitrary>], iteration_bounds = array<i64: 10>, scalar_prefetch = 0 : i64, scratch_operands = 0 : i64, tpu.core_type = #tpu.core_type<tc>, window_params = [{transform_indices = @transform_0, window_bounds = array<i64: 1000, 128>}, {transform_indices = @transform_1, window_bounds = array<i64: 2, 1000, 128>}, {transform_indices = @transform_2, window_bounds = array<i64: 2, 1000, 16>}, {pipeline_mode = #tpu.pipeline_mode<synchronous>, transform_indices = @transform_3, window_bounds = array<i64: 128, 128>}, {transform_indices = @transform_4, window_bounds = array<i64: 1000, 128>}]} {
    %get3A = arith.constant 0 : index
    %get3A_0 = arith.constant 0 : index
    %get3A_1 = arith.constant 0 : index
    %get3A_2 = vector.load %arg3[%get3A, %get3A_0, %get3A_1] : memref<2x1000x16xf32, #tpu.memory_space<vmem>>, vector<1x1000x16xf32>
    %get3A_3 = vector.shape_cast %get3A_2 : vector<1x1000x16xf32> to vector<1000x16xf32>
    %get3A_4 = arith.constant 1 : index
    %get3A_5 = arith.constant 0 : index
    %get3A_6 = arith.constant 0 : index
    %get3A_7 = vector.load %arg3[%get3A_4, %get3A_5, %get3A_6] : memref<2x1000x16xf32, #tpu.memory_space<vmem>>, vector<1x1000x16xf32>
    %get3A_8 = vector.shape_cast %get3A_7 : vector<1x1000x16xf32> to vector<1000x16xf32>
    %add3A = arith.addf %get3A_3, %get3A_8 : vector<1000x16xf32>
    %slice3A = vector.extract_strided_slice %add3A {offsets = [0, 0], sizes = [1000, 1], strides = [1, 1]} : vector<1000x16xf32> to vector<1000x1xf32>
    %max3A = arith.constant 1.000000e+00 : f32
    %max3A_9 = vector.broadcast %max3A : f32 to vector<1000x1xf32>
    %max3A_10 = arith.maximumf %slice3A, %max3A_9 : vector<1000x1xf32>
    %div3A = arith.constant 1.000000e+00 : f32
    %div3A_11 = vector.broadcast %div3A : f32 to vector<1000x1xf32>
    %div3A_12 = arith.divf %div3A_11, %max3A_10 : vector<1000x1xf32>
    %get3A_13 = arith.constant 0 : index
    %get3A_14 = arith.constant 0 : index
    %get3A_15 = arith.constant 0 : index
    %get3A_16 = vector.load %arg2[%get3A_13, %get3A_14, %get3A_15] : memref<2x1000x128xf32, #tpu.memory_space<vmem>>, vector<1x1000x128xf32>
    %get3A_17 = vector.shape_cast %get3A_16 : vector<1x1000x128xf32> to vector<1000x128xf32>
    %get3A_18 = arith.constant 1 : index
    %get3A_19 = arith.constant 0 : index
    %get3A_20 = arith.constant 0 : index
    %get3A_21 = vector.load %arg2[%get3A_18, %get3A_19, %get3A_20] : memref<2x1000x128xf32, #tpu.memory_space<vmem>>, vector<1x1000x128xf32>
    %get3A_22 = vector.shape_cast %get3A_21 : vector<1x1000x128xf32> to vector<1000x128xf32>
    %add3A_23 = arith.addf %get3A_17, %get3A_22 : vector<1000x128xf32>
    %mul3A = vector.broadcast %div3A_12 : vector<1000x1xf32> to vector<1000x128xf32>
    %mul3A_24 = arith.mulf %add3A_23, %mul3A : vector<1000x128xf32>
    %get3A_25 = arith.constant 0 : index
    %get3A_26 = arith.constant 0 : index
    %get3A_27 = vector.load %arg1[%get3A_25, %get3A_26] : memref<1000x128xf32, #tpu.memory_space<vmem>>, vector<1000x128xf32>
    %get3A_28 = arith.constant 0 : index
    %get3A_29 = arith.constant 0 : index
    %get3A_30 = vector.load %arg4[%get3A_28, %get3A_29] : memref<128x128xf32, #tpu.memory_space<vmem>>, vector<128x128xf32>
    %dot_general3A = arith.constant dense<0.000000e+00> : vector<1000x128xf32>
    %dot_general3A_31 = tpu.matmul %mul3A_24, %get3A_30, %dot_general3A {dimension_numbers = #tpu.dot_dimension_numbers<[1], [0], [0], [1], [0, 0, 1, 1], [], []>, transpose_lhs_hint = false} : vector<1000x128xf32>, vector<128x128xf32>, vector<1000x128xf32> -> vector<1000x128xf32>
    %add3A_32 = arith.addf %get3A_27, %dot_general3A_31 : vector<1000x128xf32>
    %max3A_33 = arith.constant 0.000000e+00 : f32
    %max3A_34 = vector.broadcast %max3A_33 : f32 to vector<1000x128xf32>
    %max3A_35 = arith.maximumf %add3A_32, %max3A_34 : vector<1000x128xf32>
    %swap3A = arith.constant 0 : index
    %swap3A_36 = arith.constant 0 : index
    %swap3A_37 = vector.load %arg5[%swap3A, %swap3A_36] : memref<1000x128xf32, #tpu.memory_space<vmem>>, vector<1000x128xf32>
    tpu.vector_store %arg5[%swap3A, %swap3A_36], %max3A_35 {strides = array<i32>} : memref<1000x128xf32, #tpu.memory_space<vmem>>, vector<1000x128xf32>,
    return
  }
  func.func @transform_0(%arg0: i32) -> (i32, i32) {
    %c0_i32 = arith.constant 0 : i32
    %c0_i32_0 = arith.constant 0 : i32
    return %arg0, %c0_i32 : i32, i32
  }
  func.func @transform_1(%arg0: i32) -> (i32, i32, i32) {
    %c0_i32 = arith.constant 0 : i32
    %c0_i32_0 = arith.constant 0 : i32
    %c0_i32_1 = arith.constant 0 : i32
    return %c0_i32, %arg0, %c0_i32_0 : i32, i32, i32
  }
  func.func @transform_2(%arg0: i32) -> (i32, i32, i32) {
    %c0_i32 = arith.constant 0 : i32
    %c0_i32_0 = arith.constant 0 : i32
    %c0_i32_1 = arith.constant 0 : i32
    return %c0_i32, %arg0, %c0_i32_0 : i32, i32, i32
  }
  func.func @transform_3(%arg0: i32) -> (i32, i32) {
    %c0_i32 = arith.constant 0 : i32
    %c0_i32_0 = arith.constant 0 : i32
    %c0_i32_1 = arith.constant 0 : i32
    return %c0_i32, %c0_i32_0 : i32, i32
  }
  func.func @transform_4(%arg0: i32) -> (i32, i32) {
    %c0_i32 = arith.constant 0 : i32
    %c0_i32_0 = arith.constant 0 : i32
    return %arg0, %c0_i32 : i32, i32
  }
}

module attributes {stable_mosaic.version = 14 : i64} {
  func.func @body(%arg0: i32, %arg1: memref<1000x128xf32, #tpu.memory_space<vmem>>, %arg2: memref<2x1000x128xf32, #tpu.memory_space<vmem>>, %arg3: memref<2x1000x16xf32, #tpu.memory_space<vmem>>, %arg4: memref<128x128xf32, #tpu.memory_space<vmem>>, %arg5: memref<1000x128xf32, #tpu.memory_space<vmem>>) attributes {dimension_semantics = [#tpu.dimension_semantics<arbitrary>], iteration_bounds = array<i64: 10>, scalar_prefetch = 0 : i64, scratch_operands = 0 : i64, tpu.core_type = #tpu.core_type<tc>, window_params = [{transform_indices = @transform_0, window_bounds = array<i64: 1000, 128>}, {transform_indices = @transform_1, window_bounds = array<i64: 2, 1000, 128>}, {transform_indices = @transform_2, window_bounds = array<i64: 2, 1000, 16>}, {pipeline_mode = #tpu.pipeline_mode<synchronous>, transform_indices = @transform_3, window_bounds = array<i64: 128, 128>}, {transform_indices = @transform_4, window_bounds = array<i64: 1000, 128>}]} {
    %get3A = arith.constant 0 : index
    %get3A_0 = arith.constant 0 : index
    %get3A_1 = arith.constant 0 : index
    %get3A_2 = vector.load %arg3[%get3A, %get3A_0, %get3A_1] : memref<2x1000x16xf32, #tpu.memory_space<vmem>>, vector<1x1000x16xf32>
    %get3A_3 = vector.shape_cast %get3A_2 : vector<1x1000x16xf32> to vector<1000x16xf32>
    %get3A_4 = arith.constant 1 : index
    %get3A_5 = arith.constant 0 : index
    %get3A_6 = arith.constant 0 : index
    %get3A_7 = vector.load %arg3[%get3A_4, %get3A_5, %get3A_6] : memref<2x1000x16xf32, #tpu.memory_space<vmem>>, vector<1x1000x16xf32>
    %get3A_8 = vector.shape_cast %get3A_7 : vector<1x1000x16xf32> to vector<1000x16xf32>
    %add3A = arith.addf %get3A_3, %get3A_8 : vector<1000x16xf32>
    %slice3A = vector.extract_strided_slice %add3A {offsets = [0, 0], sizes = [1000, 1], strides = [1, 1]} : vector<1000x16xf32> to vector<1000x1xf32>
    %max3A = arith.constant 1.000000e+00 : f32
    %max3A_9 = vector.broadcast %max3A : f32 to vector<1000x1xf32>
    %max3A_10 = arith.maximumf %slice3A, %max3A_9 : vector<1000x1xf32>
    %div3A = arith.constant 1.000000e+00 : f32
    %div3A_11 = vector.broadcast %div3A : f32 to vector<1000x1xf32>
    %div3A_12 = arith.divf %div3A_11, %max3A_10 : vector<1000x1xf32>
    %get3A_13 = arith.constant 0 : index
    %get3A_14 = arith.constant 0 : index
    %get3A_15 = arith.constant 0 : index
    %get3A_16 = vector.load %arg2[%get3A_13, %get3A_14, %get3A_15] : memref<2x1000x128xf32, #tpu.memory_space<vmem>>, vector<1x1000x128xf32>
    %get3A_17 = vector.shape_cast %get3A_16 : vector<1x1000x128xf32> to vector<1000x128xf32>
    %get3A_18 = arith.constant 1 : index
    %get3A_19 = arith.constant 0 : index
    %get3A_20 = arith.constant 0 : index
    %get3A_21 = vector.load %arg2[%get3A_18, %get3A_19, %get3A_20] : memref<2x1000x128xf32, #tpu.memory_space<vmem>>, vector<1x1000x128xf32>
    %get3A_22 = vector.shape_cast %get3A_21 : vector<1x1000x128xf32> to vector<1000x128xf32>
    %add3A_23 = arith.addf %get3A_17, %get3A_22 : vector<1000x128xf32>
    %mul3A = vector.broadcast %div3A_12 : vector<1000x1xf32> to vector<1000x128xf32>
    %mul3A_24 = arith.mulf %add3A_23, %mul3A : vector<1000x128xf32>
    %get3A_25 = arith.constant 0 : index
    %get3A_26 = arith.constant 0 : index
    %get3A_27 = vector.load %arg1[%get3A_25, %get3A_26] : memref<1000x128xf32, #tpu.memory_space<vmem>>, vector<1000x128xf32>
    %get3A_28 = arith.constant 0 : index
    %get3A_29 = arith.constant 0 : index
    %get3A_30 = vector.load %arg4[%get3A_28, %get3A_29] : memref<128x128xf32, #tpu.memory_space<vmem>>, vector<128x128xf32>
    %dot_general3A = arith.constant dense<0.000000e+00> : vector<1000x128xf32>
    %dot_general3A_31 = tpu.matmul %mul3A_24, %get3A_30, %dot_general3A {dimension_numbers = #tpu.dot_dimension_numbers<[1], [0], [0], [1], [0, 0, 1, 1], [], []>, transpose_lhs_hint = false} : vector<1000x128xf32>, vector<128x128xf32>, vector<1000x128xf32> -> vector<1000x128xf32>
    %add3A_32 = arith.addf %get3A_27, %dot_general3A_31 : vector<1000x128xf32>
    %swap3A = arith.constant 0 : index
    %swap3A_33 = arith.constant 0 : index
    %swap3A_34 = vector.load %arg5[%swap3A, %swap3A_33] : memref<1000x128xf32, #tpu.memory_space<vmem>>, vector<1000x128xf32>
    tpu.vector_store %arg5[%swap3A, %swap3A_33], %add3A_32 {strides = array<i32>} : memref<1000x128xf32, #tpu.memory_space<vmem>>, vector<1000x128xf32>,
    return
  }
  func.func @transform_0(%arg0: i32) -> (i32, i32) {
    %c0_i32 = arith.constant 0 : i32
    %c0_i32_0 = arith.constant 0 : i32
    return %arg0, %c0_i32 : i32, i32
  }
  func.func @transform_1(%arg0: i32) -> (i32, i32, i32) {
    %c0_i32 = arith.constant 0 : i32
    %c0_i32_0 = arith.constant 0 : i32
    %c0_i32_1 = arith.constant 0 : i32
    return %c0_i32, %arg0, %c0_i32_0 : i32, i32, i32
  }
  func.func @transform_2(%arg0: i32) -> (i32, i32, i32) {
    %c0_i32 = arith.constant 0 : i32
    %c0_i32_0 = arith.constant 0 : i32
    %c0_i32_1 = arith.constant 0 : i32
    return %c0_i32, %arg0, %c0_i32_0 : i32, i32, i32
  }
  func.func @transform_3(%arg0: i32) -> (i32, i32) {
    %c0_i32 = arith.constant 0 : i32
    %c0_i32_0 = arith.constant 0 : i32
    %c0_i32_1 = arith.constant 0 : i32
    return %c0_i32, %c0_i32_0 : i32, i32
  }
  func.func @transform_4(%arg0: i32) -> (i32, i32) {
    %c0_i32 = arith.constant 0 : i32
    %c0_i32_0 = arith.constant 0 : i32
    return %arg0, %c0_i32 : i32, i32
  }
}

</mosaic_0001>

<sc_bundles>
// kernel: kernel.11.cloned.1.call-start
scs
__scs_entry_jumppad:
0x0: {  	(pc) =	sbr.rel $0x88, $3  }
0x1: {  	(tag) =	ssettag $0x0;
	lr =	simm.s32 $0x1  }
0x2: {  	[smem:$0x3F99] =	sst lr;
	_ =	strace $0xD0000000  }
0x3: {  	_ = 	snop  }
0x4: {  	_ = 	snop  }
0x5: {  	_ = 	snop  }
0x6: {  	_ = 	snop  }
0x7: {  	_ = 	snop  }
__scs_overlays_trampoline_lowered:
0x8: {  	[smem:$0x3FA8] =	sst s0  }
0x9: {  	[smem:$0x3FA9] =	sst s1  }
0xa: {  	[smem:$0x3FAA] =	sst s2  }
0xb: {  	[smem:$0x3FAB] =	sst s3  }
0xc: {  	[smem:$0x3FAC] =	sst s4  }
0xd: {  	[smem:$0x3FAD] =	sst s5  }
0xe: {  	[smem:$0x3FAE] =	sst s6  }
0xf: {  	[smem:$0x3FAF] =	sst s7  }
0x10: {  	[smem:$0x3FB0] =	sst s8  }
0x11: {  	[smem:$0x3FB1] =	sst s9;
	s0 =	simm.s32 @!p0 $0x0  }
0x12: {  	s1 =	sld [smem:$0x3F97];
	s0 =	simm.s32 @p0 $0x1  }
0x13: {  	[smem:$0x3FB2] =	sst s0;
	s0 =	simm.s32 @!p1 $0x0  }
0x14: {  	s2 =	sld [smem:$0x3F96];
	s0 =	simm.s32 @p1 $0x1  }
0x15: {  	[smem:$0x3FB3] =	sst s0;
	s0 =	simm.s32 @!p2 $0x0  }
0x16: {  	s3 =	sld [smem:$0x3FDB];
	s0 =	simm.s32 @p2 $0x1  }
0x17: {  	s4 =	simm.s32 $0x1BF5;
	[smem:$0x3FB5] =	sst s0  }
0x18: {  	s0 =	sld [smem:$0x3F98];
	_ =	swait.ge [sflag:s4], $0x0  }
0x19: {  	s7 =	sld [smem:$0x3F99]  }
0x1a: {  	s8 =	sadd.s32 $0xFFFFE003, lr  }
0x1b: {  	s9 =	sadd.s32 $0xFFFFFEF7, lr;
	s5 =	simm.s32 $0xFFFFFFFF;
	p2 =	slt.u32 s8, $0xFFFFF086  }
0x1c: {  	p1 =	slt.u32 s9, $0xF7A;
	s5 =	simm.s32 @!p2 $0x0  }
0x1d: {  	s5 =	simm.s32 @p1 $0x1;
	p0 =	seq.s32 s7, s2  }
0x1e: {  	s7 =	smul.u32 @!p0 $0xF7A, s2;
	p2 =	seq.s32 @!p0 s5, $0x0  }
0x1f: {  	s9 =	smul.u32 $0xF7A, s1;
	s8 =	simm.s32 @!p0 $0x1BF5;
	p2 =	por !p2, p0  }
0x20: {  	[sflag:s8] =	ssyncset.s32 @!p0 $0xFFFFF086;
	s6 =	sadd.s32 @!p0 s3, s7;
	s7 =	simm.s32 @!p0 $0x108  }
0x21: {  	s3 =	sadd.s32 s3, s9;
	s6 =	sadd.s32 @!p0 $0x88, s6;
	s7 =	simm.s32 @p2 $0x1082  }
0x22: {  	[simem:s7], [sflag:s8] =	dma.local @!p0 [hbm:s6], $0xF7A  }
0x23: {  	s9 =	sor.u32 $0xD0000000, s2;
	s6 =	simm.s32 $0x108;
	_ =	swait.ge @!p0 [sflag:s8], $0x0  }
0x24: {  	s3 =	sadd.s32 $0x88, s3;
	s6 =	simm.s32 @!p1 $0x1082;
	[sflag:s4] =	ssyncset.s32 $0xFFFFF086  }
0x25: {  	[simem:s6], [sflag:s4] =	dma.local [hbm:s3], $0xF7A  }
0x26: {  	[smem:$0x3F99] =	sst s1;
	(tag) =	ssettag s2;
	_ =	strace s9  }
0x27: {  	s1 =	sld [smem:$0x3FA9]  }
0x28: {  	s2 =	sld [smem:$0x3FAA]  }
0x29: {  	s4 =	sld [smem:$0x3FAC]  }
0x2a: {  	p0 =	seq.s32 s5, $0x0;
	s5 =	sld [smem:$0x3FAD]  }
0x2b: {  	s6 =	sld [smem:$0x3FAE]  }
0x2c: {  	s7 =	sld [smem:$0x3FAF]  }
0x2d: {  	s3 =	simm.s32 $0x108;
	s8 =	sld [smem:$0x3FB0]  }
0x2e: {  	s3 =	simm.s32 @!p0 $0x1082;
	s9 =	sld [smem:$0x3FB1]  }
0x2f: {  	lr =	sadd.s32 s0, s3;
	s0 =	sld [smem:$0x3FA8]  }
0x30: {  	s3 =	sld [smem:$0x3FAB]  }
0x31: {  	[smem:$0x3FB4] =	sst s10  }
0x32: {  	s10 =	sld [smem:$0x3FB2];
	_ =	sdelay $0x3  }
0x33: {  	p0 =	seq.s32 s10, $0x1;
	s10 =	sld [smem:$0x3FB4];
	_ =	sdelay $0x3  }
0x34: {  	[smem:$0x3FB4] =	sst s10  }
0x35: {  	s10 =	sld [smem:$0x3FB3];
	_ =	sdelay $0x3  }
0x36: {  	p1 =	seq.s32 s10, $0x1;
	s10 =	sld [smem:$0x3FB4];
	_ =	sdelay $0x3  }
0x37: {  	[smem:$0x3FB4] =	sst s10  }
0x38: {  	s10 =	sld [smem:$0x3FB5]  }
0x39: {  	_ = 	snop;
	(pc) =	sbr.ind lr, $3  }
0x3a: {  	_ = 	snop  }
0x3b: {  	_ = 	snop  }
0x3c: {  	p2 =	seq.s32 s10, $0x1;
	s10 =	sld [smem:$0x3FB4]  }
0x3d: {  	_ =	shalt  }
0x3e: {  	_ =	shalt  }
0x3f: {  	_ =	shalt  }
0x40: {  	_ =	shalt  }
0x41: {  	_ =	shalt  }
0x42: {  	_ =	shalt  }
0x43: {  	_ =	shalt  }
0x44: {  	_ =	shalt  }
0x45: {  	_ =	shalt  }
0x46: {  	_ =	shalt  }
0x47: {  	_ =	shalt  }
0x48: {  	_ =	shalt  }
0x49: {  	_ =	shalt  }
0x4a: {  	_ =	shalt  }
0x4b: {  	_ =	shalt  }
0x4c: {  	_ =	shalt  }
0x4d: {  	_ =	shalt  }
0x4e: {  	_ =	shalt  }
0x4f: {  	_ =	shalt  }
0x50: {  	_ =	shalt  }
0x51: {  	_ =	shalt  }
0x52: {  	_ =	shalt  }
0x53: {  	_ =	shalt  }
0x54: {  	_ =	shalt  }
0x55: {  	_ =	shalt  }
0x56: {  	_ =	shalt  }
0x57: {  	_ =	shalt  }
0x58: {  	_ =	shalt  }
0x59: {  	_ =	shalt  }
0x5a: {  	_ =	shalt  }
0x5b: {  	_ =	shalt  }
0x5c: {  	_ =	shalt  }
0x5d: {  	_ =	shalt  }
0x5e: {  	_ =	shalt  }
0x5f: {  	_ =	shalt  }
0x60: {  	_ =	shalt  }
0x61: {  	_ =	shalt  }
0x62: {  	_ =	shalt  }
0x63: {  	_ =	shalt  }
0x64: {  	_ =	shalt  }
0x65: {  	_ =	shalt  }
0x66: {  	_ =	shalt  }
0x67: {  	_ =	shalt  }
0x68: {  	_ =	shalt  }
0x69: {  	_ =	shalt  }
0x6a: {  	_ =	shalt  }
0x6b: {  	_ =	shalt  }
0x6c: {  	_ =	shalt  }
0x6d: {  	_ =	shalt  }
0x6e: {  	_ =	shalt  }
0x6f: {  	_ =	shalt  }
0x70: {  	_ =	shalt  }
0x71: {  	_ =	shalt  }
0x72: {  	_ =	shalt  }
0x73: {  	_ =	shalt  }
0x74: {  	_ =	shalt  }
0x75: {  	_ =	shalt  }
0x76: {  	_ =	shalt  }
0x77: {  	_ =	shalt  }
0x78: {  	_ =	shalt  }
0x79: {  	_ =	shalt  }
0x7a: {  	_ =	shalt  }
0x7b: {  	_ =	shalt  }
0x7c: {  	_ =	shalt  }
0x7d: {  	_ =	shalt  }
0x7e: {  	_ =	shalt  }
0x7f: {  	_ =	shalt  }
0x80: {  	_ =	shalt  }
0x81: {  	_ =	shalt  }
0x82: {  	_ =	shalt  }
0x83: {  	_ =	shalt  }
0x84: {  	_ =	shalt  }
0x85: {  	_ =	shalt  }
0x86: {  	_ =	shalt  }
0x87: {  	_ =	shalt  }
.Lfunc_end0:
.L_simem_size_0:
called_computation.1_lowered:
.L_overlay_start_0:
0x88: {  	s2 =	sld [smem:$0x3FD9]  }
0x89: {  	s3 =	sld [smem:$0x3FFE];
	_ =	sdelay $0x1  }
0x8a: {  	s1 =	srdreg.scid  }
0x8b: {  	s0 =	sand.u32 $0x1, s1  }
0x8c: {  	s17 =	sshll.u32 s0, $0xA;
	s2 =	sadd.s32 s3, s2  }
0x8d: {  	s2 =	sadd.s32 s2, s17  }
0x8e: {  	[smem:$0x3FC0] =	sst s2  }
0x8f: {  	_ = 	snop  }
0x90: {  	s2 =	sld [smem:$0x3FD0];
	(tm) =	ssettm $0x1  }
0x91: {  	s18 =	sld [smem:$0x3FFB];
	_ =	sdelay $0x3  }
0x92: {  	_ =	strace s18  }
0x93: {  	s3 =	sld [smem:$0x3FFC];
	_ =	sdelay $0x3  }
0x94: {  	_ =	strace s3  }
0x95: {  	s3 =	sld [smem:$0x3FFD];
	_ =	sdelay $0x3  }
0x96: {  	_ =	strace s3  }
0x97: {  	_ =	strace $0x8FFFFFFF  }
0x98: {  	s19 =	sld [smem:$0x3FDB];
	_ =	sdelay $0x1  }
0x99: {  	s4 =	simm.s32 $_scs_section_size  }
0x9a: {  	s5 =	simm.s32 $_size__tile_overlayer_lowered;
	s6 =	simm.s32 $_tile_overlayer_lowered  }
0x9b: {  	s22 =	simm.s32 $0x1BFF;
	s21 =	sshll.u32 s6, $0x1;
	s3 =	sadd.s32 s4, s19  }
0x9c: {  	s7 =	simm.s32 $0x0;
	s20 =	sshll.u32 s5, $0x1;
	s5 =	sadd.s32 s21, s3  }
0x9d: {  	[timem:s7], [sflag:s22] =	dma.local [hbm:s5], s20  }
0x9e: {  	_ =	swait.ge [sflag:s22], s20  }
0x9f: {  	s4 =	ssub.s32 $0x0, s20;
	[sflag:s22] =	ssyncset.done $0x0  }
0xa0: {  	[sflag:s22] =	ssyncadd.s32 s4;
	_ =	sdelay $0x1  }
0xa1: {  	s23 =	simm.s32 $0x1B8B  }
0xa2: {  	_ =	swait.ge [sflag:s23], $0x1  }
0xa3: {  	[sflag:s23] =	ssyncset.done $0x0  }
0xa4: {  	s25 =	simm.s32 $0x1B8E;
	s24 =	sld [smem:$0x3FFE];
	[sflag:s23] =	ssyncadd.s32 $0xFFFFFFFF  }
0xa5: {  	s26 =	simm.s32 $execute0_lowered;
	[smem:$0x3FD2] =	sst s25  }
0xa6: {  	s5 =	sshll.u32 s26, $0x1;
	_ =	strace $0x80000049;
	[dreg:$0x1] =	wrdreg $0xFFFFFFFF  }
0xa7: {  	s28 =	simm.s32 $_size_execute0_lowered;
	s3 =	sadd.s32 s3, s5;
	[dreg:$0x0] =	wrdreg $0x0  }
0xa8: {  	s5 =	sshll.u32 s28, $0x1;
	[dreg:$0x2] =	wrdreg s3  }
0xa9: {  	[dreg:$0x3] =	wrdreg s5  }
0xaa: {  	[dreg:$0x4] =	wrdreg $0xC0  }
0xab: {  	_ =	task [dreg:s7], $0x5FFFF  }
0xac: {  	[dreg:$0x1] =	wrdreg $0xFFFFFFFF  }
0xad: {  	[dreg:$0x0] =	wrdreg $0x60  }
0xae: {  	[dreg:$0x2] =	wrdreg s24  }
0xaf: {  	[dreg:$0x3] =	wrdreg s2  }
0xb0: {  	[dreg:$0x4] =	wrdreg $0x98700  }
0xb1: {  	[dreg:$0x5] =	wrdreg $0x9  }
0xb2: {  	_ =	task.clear_ibuf [dreg:s7], $0x6FFFF;
	_ =	strace $0x90000049  }
0xb3: {  	s29 =	simm.s32 $0x9;
	_ =	strace $0x8000004B  }
0xb4: {  	_ =	swait.ge [sflag:s29], $0x1  }
0xb5: {  	[sflag:s29] =	ssyncadd.s32 $0xFFFFFFFF  }
0xb6: {  	_ =	strace $0x9000004B  }
0xb7: {  	_ =	sfence  }
0xb8: {  	s30 =	sld [smem:$0x0];
	_ =	sdelay $0x2  }
0xb9: {  	s31 =	sshll.u32 s1, $0xD;
	s1 =	sshrl.u32 s1, $0x2  }
0xba: {  	s3 =	sand.u32 $0x4000, s31;
	s1 =	sadd.s32 s1, s30  }
0xbb: {  	s0 =	sor.u32 s3, s0;
	s1 =	sshll.u32 s1, $0x11  }
0xbc: {  	s0 =	sor.u32 s1, s0  }
0xbd: {  	s0 =	sadd.s32 $0x8F2B, s0  }
0xbe: {  	[sflag:s0] =	ssyncadd.remote.s32 $0x1  }
0xbf: {  	_ =	sfence.sel $0xFFFF  }
0xc0: {  	[dreg:$0x0] =	wrdreg $0xFFFFFFFF;
	(pc) =	sbr.abs _section_cstart, $3  }
0xc1: {  	[dreg:$0x1] =	wrdreg $0xFFFFFFFF  }
0xc2: {  	_ =	task.clear_ibuf [dreg:s7], $0x2FFFF;
	_ =	strace $0x9FFFFFFF  }
0xc3: {  	(tm) =	ssettm $0x7FFFFFFF  }
tec
execute0_lowered:
.L_overlay_start_1:
0x0: {  	(tag) =	ssettag $0x1  }
0x1: {  	s0 =	rddreg [dreg:$0x0]  }
0x2: {  	s2 =	rddreg [dreg:$0x1]  }
0x3: {  	s1 =	rddreg [dreg:$0x2]  }
0x4: {  	s3 =	srdreg.scid;
	s6 =	stileid.u32  }
0x5: {  	s29 =	simm.s32 $0x3470;
	s30 =	simm.s32 $0xD0;
	s31 =	simm.s32 $0x138  }
0x6: {  	s7 =	sand.u32 $0x1, s3;
	s3 =	simm.s32 $0x0;
	s26 =	smul.u32 $0x13C00, s6  }
0x7: {  	s12 =	sadd.s32 $0x2000, s0;
	s16 =	smul.u32 $0x28A0, s6;
	s17 =	sadd.s32 $0x128400, s1  }
0x8: {  	p0 =	seq.s32 s6, $0xF;
	s4 =	sshll.u32 s7, $0x4;
	s28 =	smul.u32 $0x138800, s7  }
0x9: {  	[smem:$0x7FF] =	sst s3;
	s9 =	ssub.s32 $0x2, s7;
	s7 =	smul.u32 $0x28A00, s7  }
0xa: {  	s5 =	sor.u32 s6, s4;
	_ =	strace $0x8000004A;
	s4 =	sadd.s32 $0x1B800, s0  }
0xb: {  	s10 =	sshrl.u32 s9, $0x1;
	s14 =	sshrl.u32 s26, $0x3;
	s15 =	sadd.s32 s26, s1  }
0xc: {  	[dreg:$0xb] =	wrdreg s17;
	s17 =	simm.s32 $0x5;
	s8 =	smul.u32 $0x28A0, s5  }
0xd: {  	s5 =	sadd.s32 $0xC400, s0;
	s0 =	sadd.s32 $0xC1A00, s0;
	s9 =	ssub.s32 s9, s10  }
0xe: {  	[dreg:$0x9] =	wrdreg s15;
	s18 =	sadd.s32 s26, s28;
	s7 =	sadd.s32 s16, s7  }
0xf: {  	s15 =	simm.s32 $0x3;
	s16 =	simm.s32 $0xC;
	s19 =	sadd.s32 $0x1A0, s7  }
0x10: {  	s20 =	smax.u32 s9, $0x1;
	s22 =	sadd.s32 $0xD0, s7;
	s23 =	sadd.s32 $0x208, s7  }
0x11: {  	s9 =	simm.s32 $0x208;
	s11 =	sadd.s32 $0x68, s8;
	s8 =	sshrl.u32 s8, $0x3  }
0x12: {  	[dreg:$0xf] =	wrdreg s20;
	s21 =	sshrl.u32 s19, $0x3;
	s24 =	sshrl.u32 s22, $0x3  }
0x13: {  	s20 =	smov.u32 s12;
	s22 =	smov.u32 s5;
	s13 =	sadd.s32 s5, s8  }
0x14: {  	s25 =	sshrl.u32 s11, $0x3;
	s8 =	sadd.s32 s12, s8;
	[dreg:$0x4] =	wrdreg s13  }
0x15: {  	s11 =	sadd.s32 s5, s25;
	s13 =	sadd.s32 $0x1A, s13;
	[dreg:$0x7] =	wrdreg s8  }
0x16: {  	s10 =	sadd.s32 s12, s25;
	s8 =	sshrl.u32 s28, $0x3;
	[dreg:$0x5] =	wrdreg s11  }
0x17: {  	s25 =	sshrl.u32 s23, $0x3;
	s28 =	sadd.s32 $0x138, s7;
	[dreg:$0x6] =	wrdreg s13  }
0x18: {  	s7 =	simm.s32 $0x2;
	s23 =	simm.s32 $0x8;
	[dreg:$0x8] =	wrdreg s10  }
0x19: {  	s10 =	sadd.s32 s2, s14;
	s2 =	sadd.s32 $0x25080, s2;
	[dreg:$0x13] =	wrdreg s28  }
0x1a: {  	s26 =	sadd.s32 s25, s5;
	s25 =	simm.s32 $0x64;
	[dreg:$0xa] =	wrdreg s10  }
0x1b: {  	s11 =	simm.s32 $0x6670;
	s13 =	simm.s32 $0x4;
	[dreg:$0xc] =	wrdreg s2  }
0x1c: {  	s14 =	simm.s32 $0x7;
	s2 =	sshrl.u32 s18, $0x3;
	[dreg:$0x12] =	wrdreg s26  }
0x1d: {  	s26 =	simm.s32 $0x270;
	s2 =	sadd.s32 s0, s2;
	s0 =	sadd.s32 s0, s8  }
.Ltmp0:
0x1e: {  	[dreg:$0xd] =	wrdreg s2;
	s0 =	sadd.s32 $0x25080, s0;
	(pc) =	sbr.rel .LBB2_1-.Ltmp0, $4  }
0x1f: {  	s10 =	simm.s32 $0x9;
	s2 =	sadd.s32 s21, s12;
	[dreg:$0xe] =	wrdreg s0  }
0x20: {  	s18 =	simm.s32 $0x0;
	s8 =	simm.s32 $0xA;
	[dreg:$0x10] =	wrdreg s2  }
0x21: {  	s0 =	sadd.s32 s21, s5;
	s21 =	sadd.s32 s24, s12;
	s2 =	simm.s32 $0x1  }
0x22: {  	s12 =	simm.s32 $0xB;
	[dreg:$0x11] =	wrdreg s0;
	s0 =	simm.s32 $0x1A0  }
.LBB2_4:
0x23: {  	_ =	swait.ge [sflag:s17], $0x3200  }
0x24: {  	[sflag:s17] =	ssyncset.done $0x0  }
0x25: {  	[sflag:s17] =	ssyncadd.s32 $0xFFFFCE00  }
0x26: {  	_ =	swait.ge [sflag:s2], $0x3200  }
0x27: {  	[sflag:s2] =	ssyncset.done $0x0  }
0x28: {  	[sflag:s2] =	ssyncadd.s32 $0xFFFFCE00  }
0x29: {  	_ =	swait.ge [sflag:s8], $0x68  }
0x2a: {  	[sflag:s8] =	ssyncset.done $0x0  }
0x2b: {  	s5 =	simm.s32 $0x6;
	[sflag:s8] =	ssyncadd.s32 $0xFFFFFF98  }
0x2c: {  	[spmem:s1] =	stream.indirect.scatter.add.f32 [tilespmem:s26], [sflag:$0x4], $0x80, s31, s25, $0xb8;
	[tilespmem:$0x1D0F0] =	vst v63  }
0x2d: {  	_ =	swait.ge [sflag:s5], $0x3200  }
0x2e: {  	[sflag:s5] =	ssyncset.done $0x0  }
0x2f: {  	[sflag:s5] =	ssyncadd.s32 $0xFFFFCE00  }
0x30: {  	_ =	swait.ge [sflag:s13], $0x3200  }
0x31: {  	[sflag:s13] =	ssyncset.done $0x0  }
0x32: {  	[sflag:s13] =	ssyncadd.s32 $0xFFFFCE00  }
0x33: {  	[bflag:$0x0] =	sbarrier.arrive $0xFFFF  }
0x34: {  	s6 =	rddreg [dreg:$0xe]  }
0x35: {  	s5 =	simm.s32 @p0 $0x1FCD;
	s18 =	rddreg [dreg:$0x15]  }
0x36: {  	[hbm:s6], [sflag:s5] =	dma.local @p0 [spmem:s18], $0x2080  }
0x37: {  	s5 =	simm.s32 @p0 $0xD  }
0x38: {  	_ =	swait.ge @p0 [sflag:s5], $0x2080  }
0x39: {  	s6 =	rddreg [dreg:$0x16]  }
0x3a: {  	[sflag:s5] =	ssyncset.done @p0 $0x0;
	s18 =	rddreg [dreg:$0x17]  }
0x3b: {  	[sflag:s5] =	ssyncadd.s32 @p0 $0xFFFFDF80;
	s5 =	rddreg [dreg:$0xd]  }
0x3c: {  	[hbm:s5], [sflag:s6] =	dma.local @!p0 [spmem:s18], $0x2780  }
0x3d: {  	s5 =	simm.s32 @!p0 $0xD  }
0x3e: {  	_ =	swait.ge @!p0 [sflag:s5], $0x2780  }
0x3f: {  	s24 =	rddreg [dreg:$0x14]  }
0x40: {  	s28 =	rddreg [dreg:$0xf];
	s18 =	sadd.s32 $0x1, s24  }
0x41: {  	p1 =	sne.s32 s18, s28  }
.Ltmp1:
0x42: {  	_ = 	snop;
	(pc) =	sbr.rel @!p1 .LBB2_5-.Ltmp1, $3  }
0x43: {  	_ =	sdelay $0x1  }
0x44: {  	[sflag:s5] =	ssyncset.done @!p0 $0x0  }
0x45: {  	[sflag:s5] =	ssyncadd.s32 @!p0 $0xFFFFD880  }
.LBB2_1:
0x46: {  	[dreg:$0x14] =	wrdreg s18  }
0x47: {  	s5 =	rddreg [dreg:$0x4];
	s6 =	simm.s32 $0xD  }
0x48: {  	[tilespmem:s3], [sflag:$0xD] =	stream.linear.gather [hbm4b:s5+s3], $0x68, $0x38;
	[tilespmem:$0x1D0F0] =	vst v63  }
0x49: {  	_ =	swait.ge [sflag:s6], $0x68  }
0x4a: {  	[sflag:s6] =	ssyncset.done $0x0  }
0x4b: {  	[sflag:s6] =	ssyncadd.s32 $0xFFFFFF98  }
0x4c: {  	[tilespmem:s26], [sflag:$0x1] =	stream.indirect.gather [hbm4b:s4+s25], $0x80, s3, s25, $0xb8;
	[tilespmem:$0x1D0F0] =	vst v63  }
0x4d: {  	s28 =	simm.s32 $0x68;
	s24 =	rddreg [dreg:$0x5]  }
0x4e: {  	[tilespmem:s28], [sflag:$0xD] =	stream.linear.gather [hbm4b:s24+s3], $0x68, $0x38;
	[tilespmem:$0x1D0F0] =	vst v63  }
0x4f: {  	_ =	swait.ge [sflag:s6], $0x68  }
0x50: {  	s19 =	rddreg [dreg:$0x6]  }
0x51: {  	[sflag:s6] =	ssyncset.done $0x0;
	s24 =	rddreg [dreg:$0x7]  }
0x52: {  	s5 =	rddreg [dreg:$0xb];
	[sflag:s6] =	ssyncadd.s32 $0xFFFFFF98  }
0x53: {  	[tilespmem:s29], [sflag:$0x2] =	stream.indirect.gather [hbm4b:s4+s25], $0x80, s28, s25, $0xb8;
	[tilespmem:$0x1D0F0] =	vst v63  }
0x54: {  	s6 =	sshrl.u32 @p0 s5, $0x3;
	s5 =	rddreg [dreg:$0xc]  }
0x55: {  	[tilespmem:s30], [sflag:$0x9] =	stream.linear.gather [hbm4b:s19+s3], $0x68, $0x38;
	[tilespmem:$0x1D0F0] =	vst v63  }
0x56: {  	s28 =	rddreg [dreg:$0x8]  }
0x57: {  	[tilespmem:s31], [sflag:$0xA] =	stream.linear.gather [hbm4b:s24+s3], $0x68, $0x38;
	[tilespmem:$0x1D0F0] =	vst v63  }
0x58: {  	s18 =	simm.s32 @p0 $0x1FCD;
	[dreg:$0x15] =	wrdreg s6  }
0x59: {  	[tilespmem:s0], [sflag:$0xB] =	stream.linear.gather [hbm4b:s28+s3], $0x68, $0x38;
	[tilespmem:$0x1D0F0] =	vst v63  }
0x5a: {  	[spmem:s6], [sflag:s18] =	dma.local @p0 [hbm:s5], $0x2080  }
0x5b: {  	s18 =	simm.s32 @p0 $0xD;
	s5 =	stileid.u32  }
0x5c: {  	_ =	swait.ge @p0 [sflag:s18], $0x2080;
	s24 =	sshll.u32 @!p0 s5, $0x6  }
0x5d: {  	[sflag:s18] =	ssyncset.done @p0 $0x0;
	s6 =	sor.u32 @!p0 $0x1C0D, s24;
	s5 =	rddreg [dreg:$0x9]  }
0x5e: {  	[sflag:s18] =	ssyncadd.s32 @p0 $0xFFFFDF80;
	s18 =	sshrl.u32 @!p0 s5, $0x3;
	s5 =	rddreg [dreg:$0xa]  }
0x5f: {  	[dreg:$0x16] =	wrdreg s6  }
0x60: {  	[dreg:$0x17] =	wrdreg s18  }
0x61: {  	[spmem:s18], [sflag:s6] =	dma.local @!p0 [hbm:s5], $0x2780  }
0x62: {  	s18 =	simm.s32 @!p0 $0xD  }
0x63: {  	_ =	swait.ge @!p0 [sflag:s18], $0x2780  }
0x64: {  	[sflag:s18] =	ssyncset.done @!p0 $0x0  }
0x65: {  	[sflag:s18] =	ssyncadd.s32 @!p0 $0xFFFFD880  }
0x66: {  	[bflag:$0x0] =	sbarrier.arrive $0xFFFF  }
0x67: {  	s18 =	simm.s32 $0x0;
	s24 =	rddreg [dreg:$0x13]  }
.LBB2_2:
0x68: {  	_ =	swait.ge [sflag:s2], $0x3200  }
0x69: {  	[sflag:s2] =	ssyncset.done $0x0  }
0x6a: {  	[sflag:s2] =	ssyncadd.s32 $0xFFFFCE00  }
0x6b: {  	_ =	swait.ge [sflag:s8], $0x68  }
0x6c: {  	[sflag:s8] =	ssyncset.done $0x0  }
0x6d: {  	s28 =	sshrl.u32 s24, $0x3;
	[sflag:s8] =	ssyncadd.s32 $0xFFFFFF98  }
0x6e: {  	[spmem:s1] =	stream.indirect.scatter.add.f32 [tilespmem:s26], [sflag:$0x4], $0x80, s31, s25, $0xb8;
	[tilespmem:$0x1D0F0] =	vst v63  }
0x6f: {  	p1 =	seq.s32 s18, $0x0;
	s5 =	sadd.s32 s22, s28  }
0x70: {  	[tilespmem:s3], [sflag:$0x7] =	stream.linear.gather [hbm4b:s5+s3], $0x68, $0x38;
	[tilespmem:$0x1D0F0] =	vst v63  }
0x71: {  	s5 =	simm.s32 @!p1 $0x6  }
0x72: {  	_ =	swait.ge @!p1 [sflag:s5], $0x3200  }
0x73: {  	[sflag:s5] =	ssyncset.done @!p1 $0x0  }
0x74: {  	s19 =	sadd.s32 s18, s21;
	[sflag:s5] =	ssyncadd.s32 @!p1 $0xFFFFCE00  }
0x75: {  	[tilespmem:s9], [sflag:$0xC] =	stream.linear.gather [hbm4b:s19+s3], $0x68, $0x38;
	[tilespmem:$0x1D0F0] =	vst v63  }
0x76: {  	_ =	swait.ge [sflag:s10], $0x68  }
0x77: {  	[sflag:s10] =	ssyncset.done $0x0  }
0x78: {  	[sflag:s10] =	ssyncadd.s32 $0xFFFFFF98  }
0x79: {  	[tilespmem:s11], [sflag:$0x3] =	stream.indirect.gather [hbm4b:s4+s25], $0x80, s30, s25, $0xb8;
	[tilespmem:$0x1D0F0] =	vst v63  }
0x7a: {  	_ =	swait.ge [sflag:s7], $0x3200  }
0x7b: {  	[sflag:s7] =	ssyncset.done $0x0  }
0x7c: {  	[sflag:s7] =	ssyncadd.s32 $0xFFFFCE00  }
0x7d: {  	_ =	swait.ge [sflag:s12], $0x68  }
0x7e: {  	[sflag:s12] =	ssyncset.done $0x0  }
0x7f: {  	p1 =	seq.s32 s18, $0x4E0;
	s5 =	rddreg [dreg:$0x11];
	[sflag:s12] =	ssyncadd.s32 $0xFFFFFF98  }
0x80: {  	[spmem:s1] =	stream.indirect.scatter.add.f32 [tilespmem:s29], [sflag:$0x5], $0x80, s0, s25, $0xb8;
	[tilespmem:$0x1D0F0] =	vst v63  }
0x81: {  	s6 =	simm.s32 @!p1 $0x0;
	s19 =	simm.s32 @!p1 $0x68;
	s5 =	sadd.s32 @!p1 s18, s5  }
0x82: {  	[tilespmem:s19], [sflag:$0x8] =	stream.linear.gather @!p1 [hbm4b:s5+s6], $0x68, $0x38;
	[tilespmem:$0x1D0F0] =	vst v63  }
0x83: {  	_ =	swait.ge [sflag:s13], $0x3200  }
0x84: {  	[sflag:s13] =	ssyncset.done $0x0  }
0x85: {  	s28 =	sadd.s32 s20, s28;
	[sflag:s13] =	ssyncadd.s32 $0xFFFFCE00  }
0x86: {  	[tilespmem:s31], [sflag:$0xA] =	stream.linear.gather [hbm4b:s28+s3], $0x68, $0x38;
	[tilespmem:$0x1D0F0] =	vst v63  }
0x87: {  	_ =	swait.ge [sflag:s14], $0x68  }
0x88: {  	[sflag:s14] =	ssyncset.done $0x0  }
0x89: {  	[sflag:s14] =	ssyncadd.s32 $0xFFFFFF98  }
0x8a: {  	[tilespmem:s26], [sflag:$0x1] =	stream.indirect.gather [hbm4b:s4+s25], $0x80, s3, s25, $0xb8;
	[tilespmem:$0x1D0F0] =	vst v63  }
0x8b: {  	_ =	swait.ge [sflag:s15], $0x3200  }
0x8c: {  	[sflag:s15] =	ssyncset.done $0x0  }
.Ltmp2:
0x8d: {  	[sflag:s15] =	ssyncadd.s32 $0xFFFFCE00;
	(pc) =	sbr.rel @p1 .LBB2_4-.Ltmp2, $4  }
0x8e: {  	_ =	swait.ge [sflag:s16], $0x68  }
0x8f: {  	[sflag:s16] =	ssyncset.done $0x0  }
0x90: {  	[sflag:s16] =	ssyncadd.s32 $0xFFFFFF98  }
0x91: {  	[spmem:s1] =	stream.indirect.scatter.add.f32 [tilespmem:s11], [sflag:$0x6], $0x80, s9, s25, $0xb8;
	[tilespmem:$0x1D0F0] =	vst v63  }
0x92: {  	s5 =	rddreg [dreg:$0x12]  }
0x93: {  	s5 =	sadd.s32 s18, s5  }
0x94: {  	[tilespmem:s30], [sflag:$0x9] =	stream.linear.gather [hbm4b:s5+s3], $0x68, $0x38;
	[tilespmem:$0x1D0F0] =	vst v63  }
0x95: {  	_ =	swait.ge [sflag:s17], $0x3200  }
0x96: {  	[sflag:s17] =	ssyncset.done $0x0;
	s19 =	rddreg [dreg:$0x10]  }
0x97: {  	[sflag:s17] =	ssyncadd.s32 $0xFFFFCE00;
	s5 =	sadd.s32 s18, s19  }
0x98: {  	[tilespmem:s0], [sflag:$0xB] =	stream.linear.gather [hbm4b:s5+s3], $0x68, $0x38;
	[tilespmem:$0x1D0F0] =	vst v63  }
.Ltmp3:
0x99: {  	_ = 	snop;
	(pc) =	sbr.rel .LBB2_2-.Ltmp3, $4  }
0x9a: {  	_ =	swait.ge [sflag:s23], $0x68  }
0x9b: {  	s28 =	simm.s32 $0x68;
	[sflag:s23] =	ssyncset.done $0x0  }
0x9c: {  	s24 =	sadd.s32 $0x138, s24;
	s18 =	sadd.s32 $0x27, s18;
	[sflag:s23] =	ssyncadd.s32 $0xFFFFFF98  }
0x9d: {  	[tilespmem:s29], [sflag:$0x2] =	stream.indirect.gather [hbm4b:s4+s25], $0x80, s28, s25, $0xb8;
	[tilespmem:$0x1D0F0] =	vst v63  }
.LBB2_5:
0x9e: {  	_ =	sfence.sel $0x180000  }
0x9f: {  	[bflag:$0x0] =	sbarrier.arrive $0xFFFF  }
0xa0: {  	_ =	strace $0x9000004A  }
0xa1: {  	s0 =	stileid.u32;
	[bflag:$0x2] =	sbarrier.arrive $0xFFFF  }
0xa2: {  	p0 =	sne.s32 s0, $0x0;
	s0 =	rddreg [dreg:$0x3]  }
0xa3: {  	s0 =	sadd.s32 @!p0 $0x100000, s0  }
0xa4: {  	[sflag:s0] =	ssyncadd.tile.s32 @!p0 $0x1;
	_ =	shalt  }
.Lfunc_end2:
_tile_overlayer_lowered:
.L_overlay_start_2:
0xa5: {  	(tag) =	ssettag $0x2  }
0xa6: {  	s0 =	rddreg [dreg:$0x0];
	s2 =	stileid.u32  }
0xa7: {  	s1 =	rddreg [dreg:$0x1];
	p0 =	sne.s32 s2, $0x0  }
0xa8: {  	s3 =	rddreg [dreg:$0x2];
	[bflag:$0x3] =	sbarrier.arrive $0xFFFF;
	s2 =	simm.s32 @!p0 $0x1C0D  }
0xa9: {  	[timem:s3], [sflag:s2] =	dma.local @!p0 [hbm:s0], s1  }
0xaa: {  	s0 =	simm.s32 @!p0 $0xD  }
0xab: {  	_ =	swait.ge @!p0 [sflag:s0], s1  }
0xac: {  	s1 =	ssub.s32 @!p0 $0x0, s1;
	[sflag:s0] =	ssyncset.done @!p0 $0x0  }
0xad: {  	[sflag:s0] =	ssyncadd.s32 @!p0 s1  }
0xae: {  	[bflag:$0x3] =	sbarrier.arrive $0xFFFF  }
0xaf: {  	_ =	shalt  }

// kernel: kernel.8.cloned.1.call-start
scs
__scs_entry_jumppad:
0x0: {  	(pc) =	sbr.rel $0x88, $3  }
0x1: {  	(tag) =	ssettag $0x0;
	lr =	simm.s32 $0x1  }
0x2: {  	[smem:$0x3F99] =	sst lr;
	_ =	strace $0xD0000000  }
0x3: {  	_ = 	snop  }
0x4: {  	_ = 	snop  }
0x5: {  	_ = 	snop  }
0x6: {  	_ = 	snop  }
0x7: {  	_ = 	snop  }
__scs_overlays_trampoline_lowered:
0x8: {  	[smem:$0x3FA8] =	sst s0  }
0x9: {  	[smem:$0x3FA9] =	sst s1  }
0xa: {  	[smem:$0x3FAA] =	sst s2  }
0xb: {  	[smem:$0x3FAB] =	sst s3  }
0xc: {  	[smem:$0x3FAC] =	sst s4  }
0xd: {  	[smem:$0x3FAD] =	sst s5  }
0xe: {  	[smem:$0x3FAE] =	sst s6  }
0xf: {  	[smem:$0x3FAF] =	sst s7  }
0x10: {  	[smem:$0x3FB0] =	sst s8  }
0x11: {  	[smem:$0x3FB1] =	sst s9;
	s0 =	simm.s32 @!p0 $0x0  }
0x12: {  	s1 =	sld [smem:$0x3F97];
	s0 =	simm.s32 @p0 $0x1  }
0x13: {  	[smem:$0x3FB2] =	sst s0;
	s0 =	simm.s32 @!p1 $0x0  }
0x14: {  	s2 =	sld [smem:$0x3F96];
	s0 =	simm.s32 @p1 $0x1  }
0x15: {  	[smem:$0x3FB3] =	sst s0;
	s0 =	simm.s32 @!p2 $0x0  }
0x16: {  	s3 =	sld [smem:$0x3FDB];
	s0 =	simm.s32 @p2 $0x1  }
0x17: {  	s4 =	simm.s32 $0x1BF5;
	[smem:$0x3FB5] =	sst s0  }
0x18: {  	s0 =	sld [smem:$0x3F98];
	_ =	swait.ge [sflag:s4], $0x0  }
0x19: {  	s7 =	sld [smem:$0x3F99]  }
0x1a: {  	s8 =	sadd.s32 $0xFFFFE003, lr  }
0x1b: {  	s9 =	sadd.s32 $0xFFFFFEF7, lr;
	s5 =	simm.s32 $0xFFFFFFFF;
	p2 =	slt.u32 s8, $0xFFFFF086  }
0x1c: {  	p1 =	slt.u32 s9, $0xF7A;
	s5 =	simm.s32 @!p2 $0x0  }
0x1d: {  	s5 =	simm.s32 @p1 $0x1;
	p0 =	seq.s32 s7, s2  }
0x1e: {  	s7 =	smul.u32 @!p0 $0xF7A, s2;
	p2 =	seq.s32 @!p0 s5, $0x0  }
0x1f: {  	s9 =	smul.u32 $0xF7A, s1;
	s8 =	simm.s32 @!p0 $0x1BF5;
	p2 =	por !p2, p0  }
0x20: {  	[sflag:s8] =	ssyncset.s32 @!p0 $0xFFFFF086;
	s6 =	sadd.s32 @!p0 s3, s7;
	s7 =	simm.s32 @!p0 $0x108  }
0x21: {  	s3 =	sadd.s32 s3, s9;
	s6 =	sadd.s32 @!p0 $0x88, s6;
	s7 =	simm.s32 @p2 $0x1082  }
0x22: {  	[simem:s7], [sflag:s8] =	dma.local @!p0 [hbm:s6], $0xF7A  }
0x23: {  	s9 =	sor.u32 $0xD0000000, s2;
	s6 =	simm.s32 $0x108;
	_ =	swait.ge @!p0 [sflag:s8], $0x0  }
0x24: {  	s3 =	sadd.s32 $0x88, s3;
	s6 =	simm.s32 @!p1 $0x1082;
	[sflag:s4] =	ssyncset.s32 $0xFFFFF086  }
0x25: {  	[simem:s6], [sflag:s4] =	dma.local [hbm:s3], $0xF7A  }
0x26: {  	[smem:$0x3F99] =	sst s1;
	(tag) =	ssettag s2;
	_ =	strace s9  }
0x27: {  	s1 =	sld [smem:$0x3FA9]  }
0x28: {  	s2 =	sld [smem:$0x3FAA]  }
0x29: {  	s4 =	sld [smem:$0x3FAC]  }
0x2a: {  	p0 =	seq.s32 s5, $0x0;
	s5 =	sld [smem:$0x3FAD]  }
0x2b: {  	s6 =	sld [smem:$0x3FAE]  }
0x2c: {  	s7 =	sld [smem:$0x3FAF]  }
0x2d: {  	s3 =	simm.s32 $0x108;
	s8 =	sld [smem:$0x3FB0]  }
0x2e: {  	s3 =	simm.s32 @!p0 $0x1082;
	s9 =	sld [smem:$0x3FB1]  }
0x2f: {  	lr =	sadd.s32 s0, s3;
	s0 =	sld [smem:$0x3FA8]  }
0x30: {  	s3 =	sld [smem:$0x3FAB]  }
0x31: {  	[smem:$0x3FB4] =	sst s10  }
0x32: {  	s10 =	sld [smem:$0x3FB2];
	_ =	sdelay $0x3  }
0x33: {  	p0 =	seq.s32 s10, $0x1;
	s10 =	sld [smem:$0x3FB4];
	_ =	sdelay $0x3  }
0x34: {  	[smem:$0x3FB4] =	sst s10  }
0x35: {  	s10 =	sld [smem:$0x3FB3];
	_ =	sdelay $0x3  }
0x36: {  	p1 =	seq.s32 s10, $0x1;
	s10 =	sld [smem:$0x3FB4];
	_ =	sdelay $0x3  }
0x37: {  	[smem:$0x3FB4] =	sst s10  }
0x38: {  	s10 =	sld [smem:$0x3FB5]  }
0x39: {  	_ = 	snop;
	(pc) =	sbr.ind lr, $3  }
0x3a: {  	_ = 	snop  }
0x3b: {  	_ = 	snop  }
0x3c: {  	p2 =	seq.s32 s10, $0x1;
	s10 =	sld [smem:$0x3FB4]  }
0x3d: {  	_ =	shalt  }
0x3e: {  	_ =	shalt  }
0x3f: {  	_ =	shalt  }
0x40: {  	_ =	shalt  }
0x41: {  	_ =	shalt  }
0x42: {  	_ =	shalt  }
0x43: {  	_ =	shalt  }
0x44: {  	_ =	shalt  }
0x45: {  	_ =	shalt  }
0x46: {  	_ =	shalt  }
0x47: {  	_ =	shalt  }
0x48: {  	_ =	shalt  }
0x49: {  	_ =	shalt  }
0x4a: {  	_ =	shalt  }
0x4b: {  	_ =	shalt  }
0x4c: {  	_ =	shalt  }
0x4d: {  	_ =	shalt  }
0x4e: {  	_ =	shalt  }
0x4f: {  	_ =	shalt  }
0x50: {  	_ =	shalt  }
0x51: {  	_ =	shalt  }
0x52: {  	_ =	shalt  }
0x53: {  	_ =	shalt  }
0x54: {  	_ =	shalt  }
0x55: {  	_ =	shalt  }
0x56: {  	_ =	shalt  }
0x57: {  	_ =	shalt  }
0x58: {  	_ =	shalt  }
0x59: {  	_ =	shalt  }
0x5a: {  	_ =	shalt  }
0x5b: {  	_ =	shalt  }
0x5c: {  	_ =	shalt  }
0x5d: {  	_ =	shalt  }
0x5e: {  	_ =	shalt  }
0x5f: {  	_ =	shalt  }
0x60: {  	_ =	shalt  }
0x61: {  	_ =	shalt  }
0x62: {  	_ =	shalt  }
0x63: {  	_ =	shalt  }
0x64: {  	_ =	shalt  }
0x65: {  	_ =	shalt  }
0x66: {  	_ =	shalt  }
0x67: {  	_ =	shalt  }
0x68: {  	_ =	shalt  }
0x69: {  	_ =	shalt  }
0x6a: {  	_ =	shalt  }
0x6b: {  	_ =	shalt  }
0x6c: {  	_ =	shalt  }
0x6d: {  	_ =	shalt  }
0x6e: {  	_ =	shalt  }
0x6f: {  	_ =	shalt  }
0x70: {  	_ =	shalt  }
0x71: {  	_ =	shalt  }
0x72: {  	_ =	shalt  }
0x73: {  	_ =	shalt  }
0x74: {  	_ =	shalt  }
0x75: {  	_ =	shalt  }
0x76: {  	_ =	shalt  }
0x77: {  	_ =	shalt  }
0x78: {  	_ =	shalt  }
0x79: {  	_ =	shalt  }
0x7a: {  	_ =	shalt  }
0x7b: {  	_ =	shalt  }
0x7c: {  	_ =	shalt  }
0x7d: {  	_ =	shalt  }
0x7e: {  	_ =	shalt  }
0x7f: {  	_ =	shalt  }
0x80: {  	_ =	shalt  }
0x81: {  	_ =	shalt  }
0x82: {  	_ =	shalt  }
0x83: {  	_ =	shalt  }
0x84: {  	_ =	shalt  }
0x85: {  	_ =	shalt  }
0x86: {  	_ =	shalt  }
0x87: {  	_ =	shalt  }
.Lfunc_end0:
.L_simem_size_0:
called_computation_lowered:
.L_overlay_start_0:
0x88: {  	s2 =	sld [smem:$0x3FD9]  }
0x89: {  	s3 =	sld [smem:$0x3FFE];
	_ =	sdelay $0x1  }
0x8a: {  	s1 =	srdreg.scid  }
0x8b: {  	s0 =	sand.u32 $0x1, s1  }
0x8c: {  	s17 =	sshll.u32 s0, $0xA;
	s2 =	sadd.s32 s3, s2  }
0x8d: {  	s2 =	sadd.s32 s2, s17  }
0x8e: {  	[smem:$0x3FC0] =	sst s2  }
0x8f: {  	_ = 	snop  }
0x90: {  	s2 =	sld [smem:$0x3FC9]  }
0x91: {  	s18 =	sld [smem:$0x3FD0];
	(tm) =	ssettm $0x1  }
0x92: {  	s4 =	sld [smem:$0x3FFB];
	_ =	sdelay $0x3  }
0x93: {  	_ =	strace s4  }
0x94: {  	s4 =	sld [smem:$0x3FFC];
	_ =	sdelay $0x3  }
0x95: {  	_ =	strace s4  }
0x96: {  	s4 =	sld [smem:$0x3FFD];
	_ =	sdelay $0x3  }
0x97: {  	_ =	strace s4  }
0x98: {  	_ =	strace $0x8FFFFFFF  }
0x99: {  	s19 =	sld [smem:$0x3FDB];
	_ =	sdelay $0x1  }
0x9a: {  	s5 =	simm.s32 $_scs_section_size  }
0x9b: {  	s6 =	simm.s32 $_size__tile_overlayer_lowered;
	s7 =	simm.s32 $_tile_overlayer_lowered  }
0x9c: {  	s22 =	simm.s32 $0x1BFF;
	s21 =	sshll.u32 s7, $0x1;
	s4 =	sadd.s32 s5, s19  }
0x9d: {  	s8 =	simm.s32 $0x0;
	s20 =	sshll.u32 s6, $0x1;
	s6 =	sadd.s32 s21, s4  }
0x9e: {  	[timem:s8], [sflag:s22] =	dma.local [hbm:s6], s20  }
0x9f: {  	_ =	swait.ge [sflag:s22], s20  }
0xa0: {  	s5 =	ssub.s32 $0x0, s20;
	[sflag:s22] =	ssyncset.done $0x0  }
0xa1: {  	[sflag:s22] =	ssyncadd.s32 s5;
	_ =	sdelay $0x1  }
0xa2: {  	s23 =	simm.s32 $0x1B8B  }
0xa3: {  	_ =	swait.ge [sflag:s23], $0x1  }
0xa4: {  	[sflag:s23] =	ssyncset.done $0x0  }
0xa5: {  	s25 =	simm.s32 $0x1B8E;
	s24 =	sld [smem:$0x3FFE];
	[sflag:s23] =	ssyncadd.s32 $0xFFFFFFFF  }
0xa6: {  	s26 =	simm.s32 $execute0_lowered;
	[smem:$0x3FD2] =	sst s25  }
0xa7: {  	s6 =	sshll.u32 s26, $0x1;
	_ =	strace $0x80000046;
	[dreg:$0x1] =	wrdreg $0xFFFFFFFF  }
0xa8: {  	s28 =	simm.s32 $_size_execute0_lowered;
	s4 =	sadd.s32 s4, s6;
	[dreg:$0x0] =	wrdreg $0x0  }
0xa9: {  	s6 =	sshll.u32 s28, $0x1;
	[dreg:$0x2] =	wrdreg s4  }
0xaa: {  	[dreg:$0x3] =	wrdreg s6  }
0xab: {  	[dreg:$0x4] =	wrdreg $0xC0  }
0xac: {  	_ =	task [dreg:s8], $0x5FFFF  }
0xad: {  	[dreg:$0x1] =	wrdreg $0xFFFFFFFF  }
0xae: {  	[dreg:$0x0] =	wrdreg $0x60  }
0xaf: {  	[dreg:$0x2] =	wrdreg s2  }
0xb0: {  	[dreg:$0x3] =	wrdreg s24  }
0xb1: {  	[dreg:$0x4] =	wrdreg s18  }
0xb2: {  	[dreg:$0x5] =	wrdreg $0x98700  }
0xb3: {  	[dreg:$0x6] =	wrdreg $0x1D7300  }
0xb4: {  	[dreg:$0x7] =	wrdreg $0x9  }
0xb5: {  	_ =	task.clear_ibuf [dreg:s8], $0x8FFFF;
	_ =	strace $0x90000046  }
0xb6: {  	s29 =	simm.s32 $0x9;
	_ =	strace $0x80000048  }
0xb7: {  	_ =	swait.ge [sflag:s29], $0x1  }
0xb8: {  	[sflag:s29] =	ssyncadd.s32 $0xFFFFFFFF  }
0xb9: {  	_ =	strace $0x90000048  }
0xba: {  	_ =	sfence  }
0xbb: {  	s30 =	sld [smem:$0x0];
	_ =	sdelay $0x2  }
0xbc: {  	s31 =	sshll.u32 s1, $0xD;
	s1 =	sshrl.u32 s1, $0x2  }
0xbd: {  	s3 =	sand.u32 $0x4000, s31;
	s1 =	sadd.s32 s1, s30  }
0xbe: {  	s0 =	sor.u32 s3, s0;
	s1 =	sshll.u32 s1, $0x11  }
0xbf: {  	s0 =	sor.u32 s1, s0  }
0xc0: {  	s0 =	sadd.s32 $0x8F2B, s0  }
0xc1: {  	[sflag:s0] =	ssyncadd.remote.s32 $0x1  }
0xc2: {  	_ =	sfence.sel $0xFFFF  }
0xc3: {  	[dreg:$0x0] =	wrdreg $0xFFFFFFFF;
	(pc) =	sbr.abs _section_cstart, $3  }
0xc4: {  	[dreg:$0x1] =	wrdreg $0xFFFFFFFF  }
0xc5: {  	_ =	task.clear_ibuf [dreg:s8], $0x2FFFF;
	_ =	strace $0x9FFFFFFF  }
0xc6: {  	(tm) =	ssettm $0x7FFFFFFF  }
0xc7: {  	_ =	shalt  }
tec
execute0_lowered:
.L_overlay_start_1:
0x0: {  	(tag) =	ssettag $0x1  }
0x1: {  	s1 =	rddreg [dreg:$0x0]  }
0x2: {  	s0 =	rddreg [dreg:$0x1]  }
0x3: {  	s3 =	rddreg [dreg:$0x2]  }
0x4: {  	s2 =	rddreg [dreg:$0x3]  }
0x5: {  	s4 =	rddreg [dreg:$0x4];
	s6 =	srdreg.scid  }
0x6: {  	s5 =	simm.s32 $0x0;
	s16 =	stileid.u32;
	s29 =	simm.s32 $0x7  }
0x7: {  	s28 =	simm.s32 $0x3;
	s30 =	simm.s32 $0xC;
	s31 =	simm.s32 $0x5  }
0x8: {  	s6 =	sand.u32 $0x1, s6;
	[smem:$0x7FF] =	sst s5;
	s7 =	smul.u32 $0x2780, s16  }
0x9: {  	s17 =	sadd.s32 $0xC400, s0;
	s18 =	sadd.s32 $0x2000, s0;
	s10 =	sadd.s32 $0x25600, s0  }
0xa: {  	s12 =	sadd.s32 $0x1B800, s0;
	s15 =	smul.u32 $0x13C00, s16;
	p0 =	seq.s32 s16, $0xF  }
0xb: {  	s8 =	sshll.u32 s6, $0x4;
	_ =	strace $0x80000047;
	[dreg:$0x7] =	wrdreg s18  }
0xc: {  	s11 =	ssub.s32 $0x2, s6;
	s25 =	smul.u32 $0x138800, s6;
	[dreg:$0x6] =	wrdreg s17  }
0xd: {  	s8 =	sor.u32 s16, s8;
	s9 =	sshrl.u32 s7, $0x3;
	s13 =	sshrl.u32 s11, $0x1  }
0xe: {  	s24 =	sshrl.u32 s15, $0x3;
	s26 =	sadd.s32 s15, s2;
	s20 =	sadd.s32 s7, s4  }
0xf: {  	s8 =	smul.u32 $0x28A0, s8;
	s9 =	sadd.s32 s9, s0;
	[dreg:$0xc] =	wrdreg s26  }
0x10: {  	s11 =	ssub.s32 s11, s13;
	[dreg:$0xe] =	wrdreg s20;
	s22 =	sadd.s32 s15, s25  }
0x11: {  	s25 =	sshrl.u32 s25, $0x3;
	s26 =	smul.u32 $0x28A0, s16;
	s0 =	sadd.s32 $0x1B210, s0  }
0x12: {  	s21 =	sadd.s32 $0x16800, s9;
	[dreg:$0x12] =	wrdreg s0;
	s13 =	smax.u32 s11, $0x1  }
0x13: {  	s14 =	sadd.s32 $0x68, s8;
	s8 =	sshrl.u32 s8, $0x3;
	[dreg:$0xf] =	wrdreg s21  }
0x14: {  	[dreg:$0x16] =	wrdreg s13;
	s19 =	sadd.s32 s17, s8;
	s8 =	sadd.s32 s18, s8  }
0x15: {  	s16 =	simm.s32 $0x1D0F0;
	s14 =	sshrl.u32 s14, $0x3;
	[dreg:$0xa] =	wrdreg s8  }
0x16: {  	s9 =	simm.s32 $0x270;
	s23 =	sadd.s32 s17, s14;
	[dreg:$0x8] =	wrdreg s19  }
0x17: {  	s11 =	simm.s32 $0x3470;
	s14 =	sadd.s32 s18, s14;
	[dreg:$0x9] =	wrdreg s23  }
0x18: {  	s13 =	simm.s32 $0x138;
	s8 =	sadd.s32 s3, s24;
	[dreg:$0xb] =	wrdreg s14  }
0x19: {  	s3 =	sadd.s32 $0x25080, s3;
	s24 =	smul.u32 $0x27100, s6;
	[dreg:$0xd] =	wrdreg s8  }
0x1a: {  	s6 =	smul.u32 $0x28A00, s6;
	[dreg:$0x10] =	wrdreg s3;
	s23 =	sshrl.u32 s22, $0x3  }
0x1b: {  	s3 =	sadd.s32 s10, s23;
	s7 =	sadd.s32 s7, s24;
	s8 =	sshrl.u32 s24, $0x3  }
0x1c: {  	s6 =	sadd.s32 s26, s6;
	s24 =	sadd.s32 $0x1A, s19;
	s26 =	sadd.s32 $0x25080, s4  }
0x1d: {  	s19 =	simm.s32 $0x6670;
	[dreg:$0x11] =	wrdreg s3;
	s3 =	sadd.s32 s10, s25  }
0x1e: {  	s7 =	sshrl.u32 s7, $0x3;
	s10 =	sadd.s32 s12, s8;
	s14 =	sadd.s32 $0xD0, s6  }
0x1f: {  	s20 =	sadd.s32 $0x208, s6;
	s23 =	sadd.s32 $0x138, s6;
	[dreg:$0x1c] =	wrdreg s24  }
0x20: {  	s25 =	sadd.s32 $0x128400, s2;
	[dreg:$0x1e] =	wrdreg s26;
	s8 =	simm.s32 $0x1  }
0x21: {  	s0 =	sadd.s32 s12, s7;
	s3 =	sadd.s32 $0x25080, s3;
	[dreg:$0x1b] =	wrdreg s23  }
0x22: {  	s12 =	sadd.s32 $0x1A0, s6;
	s22 =	sshrl.u32 s20, $0x3;
	[dreg:$0x1d] =	wrdreg s25  }
0x23: {  	s20 =	simm.s32 $0x2;
	s23 =	simm.s32 $0x0;
	[dreg:$0x13] =	wrdreg s0  }
0x24: {  	[dreg:$0x14] =	wrdreg s3;
	s0 =	sadd.s32 $0x4A10, s10;
	s3 =	sshrl.u32 s14, $0x3  }
0x25: {  	s14 =	simm.s32 $0x1A0;
	s10 =	simm.s32 $0x8;
	[dreg:$0x15] =	wrdreg s0  }
0x26: {  	s0 =	sshrl.u32 s12, $0x3;
	s21 =	sadd.s32 s3, s18;
	s3 =	simm.s32 $0x64  }
.Ltmp0:
0x27: {  	s15 =	sadd.s32 s0, s18;
	[dreg:$0x19] =	wrdreg s21;
	(pc) =	sbr.rel .LBB2_1-.Ltmp0, $4  }
0x28: {  	s12 =	simm.s32 $0xD0;
	s0 =	sadd.s32 s0, s17;
	[dreg:$0x17] =	wrdreg s15  }
0x29: {  	s18 =	simm.s32 $0x9;
	s21 =	simm.s32 $0xB;
	[dreg:$0x18] =	wrdreg s0  }
0x2a: {  	s0 =	sadd.s32 s22, s17;
	s15 =	simm.s32 $0xA;
	s17 =	simm.s32 $0x208  }
0x2b: {  	v0 =	vimm.f32 $1.000000000e+00;
	s22 =	simm.s32 $0x4;
	[dreg:$0x1a] =	wrdreg s0;
	s0 =	simm.s32 $0xD  }
.LBB2_6:
0x2c: {  	_ =	swait.ge [sflag:s31], $0x3200  }
0x2d: {  	[sflag:s31] =	ssyncset.done $0x0  }
0x2e: {  	[sflag:s31] =	ssyncadd.s32 $0xFFFFCE00  }
0x2f: {  	_ =	swait.ge [sflag:s8], $0x3200  }
0x30: {  	[sflag:s8] =	ssyncset.done $0x0  }
0x31: {  	[sflag:s8] =	ssyncadd.s32 $0xFFFFCE00  }
0x32: {  	_ =	swait.ge [sflag:s15], $0x68  }
0x33: {  	[sflag:s15] =	ssyncset.done $0x0  }
0x34: {  	[sflag:s15] =	ssyncadd.s32 $0xFFFFFF98  }
0x35: {  	[spmem:s2] =	stream.indirect.scatter.add.f32 [tilespmem:s9], [sflag:$0x4], $0x80, s13, s3, $0xb8;
	[tilespmem:$0x1FE40] =	vst v63  }
0x36: {  	_ = 	snop  }
0x37: {  	[spmem:s4] =	stream.indirect.scatter.add.f32 [tilespmem:s16], [sflag:$0xD], $0x10, s13, s3, $0xb8;
	[tilespmem:$0x1FE40] =	vst v63  }
0x38: {  	_ =	swait.ge [sflag:s0], $0x640  }
0x39: {  	[sflag:s0] =	ssyncset.done $0x0  }
0x3a: {  	s6 =	simm.s32 $0x6;
	[sflag:s0] =	ssyncadd.s32 $0xFFFFF9C0  }
0x3b: {  	_ =	swait.ge [sflag:s6], $0x3200  }
0x3c: {  	[sflag:s6] =	ssyncset.done $0x0  }
0x3d: {  	[sflag:s6] =	ssyncadd.s32 $0xFFFFCE00  }
0x3e: {  	_ =	swait.ge [sflag:s22], $0x3200  }
0x3f: {  	[sflag:s22] =	ssyncset.done $0x0  }
0x40: {  	[sflag:s22] =	ssyncadd.s32 $0xFFFFCE00  }
0x41: {  	[bflag:$0x0] =	sbarrier.arrive $0xFFFF  }
0x42: {  	s23 =	sld [smem:$0x7F9];
	_ =	sdelay $0x1  }
0x43: {  	s6 =	simm.s32 @p0 $0x1FCD;
	s7 =	rddreg [dreg:$0x14]  }
0x44: {  	[hbm:s7], [sflag:s6] =	dma.local @p0 [spmem:s23], $0x2080  }
0x45: {  	s7 =	simm.s32 @p0 $0xD  }
0x46: {  	_ =	swait.ge @p0 [sflag:s7], $0x2080  }
0x47: {  	s24 =	sld [smem:$0x7FA]  }
0x48: {  	[sflag:s7] =	ssyncset.done @p0 $0x0  }
0x49: {  	s23 =	rddreg [dreg:$0x15];
	[sflag:s7] =	ssyncadd.s32 @p0 $0xFFFFDF80  }
0x4a: {  	[hbm:s23], [sflag:s6] =	dma.local @p0 [spmem:s24], $0x410  }
0x4b: {  	_ =	swait.ge @p0 [sflag:s7], $0x410  }
0x4c: {  	[sflag:s7] =	ssyncset.done @p0 $0x0;
	s23 =	sld [smem:$0x7FC]  }
0x4d: {  	[sflag:s7] =	ssyncadd.s32 @p0 $0xFFFFFBF0;
	s7 =	sld [smem:$0x7FB];
	_ =	sdelay $0x1  }
0x4e: {  	s6 =	rddreg [dreg:$0x11]  }
0x4f: {  	[hbm:s6], [sflag:s23] =	dma.local @!p0 [spmem:s7], $0x2780  }
0x50: {  	s6 =	simm.s32 @!p0 $0xD  }
0x51: {  	_ =	swait.ge @!p0 [sflag:s6], $0x2780  }
0x52: {  	s24 =	sld [smem:$0x7FD]  }
0x53: {  	[sflag:s6] =	ssyncset.done @!p0 $0x0  }
0x54: {  	s7 =	rddreg [dreg:$0x13];
	[sflag:s6] =	ssyncadd.s32 @!p0 $0xFFFFD880  }
0x55: {  	[hbm:s7], [sflag:s23] =	dma.local @!p0 [spmem:s24], $0x4F0  }
0x56: {  	_ =	swait.ge @!p0 [sflag:s6], $0x4F0  }
0x57: {  	s25 =	rddreg [dreg:$0x1f]  }
0x58: {  	s26 =	rddreg [dreg:$0x16];
	s23 =	sadd.s32 $0x1, s25  }
0x59: {  	p1 =	sne.s32 s23, s26  }
.Ltmp1:
0x5a: {  	_ = 	snop;
	(pc) =	sbr.rel @!p1 .LBB2_7-.Ltmp1, $3  }
0x5b: {  	_ =	sdelay $0x1  }
0x5c: {  	[sflag:s6] =	ssyncset.done @!p0 $0x0  }
0x5d: {  	[sflag:s6] =	ssyncadd.s32 @!p0 $0xFFFFFB10  }
.LBB2_1:
0x5e: {  	[dreg:$0x1f] =	wrdreg s23  }
0x5f: {  	s6 =	rddreg [dreg:$0x8]  }
0x60: {  	[tilespmem:s5], [sflag:$0xD] =	stream.linear.gather [hbm4b:s6+s5], $0x68, $0x38;
	[tilespmem:$0x1FE40] =	vst v63  }
0x61: {  	_ =	swait.ge [sflag:s0], $0x68  }
0x62: {  	[sflag:s0] =	ssyncset.done $0x0  }
0x63: {  	[sflag:s0] =	ssyncadd.s32 $0xFFFFFF98  }
0x64: {  	[tilespmem:s9], [sflag:$0x1] =	stream.indirect.gather [hbm4b:s1+s3], $0x80, s5, s3, $0xb8;
	[tilespmem:$0x1FE40] =	vst v63  }
0x65: {  	s7 =	simm.s32 $0x68;
	s23 =	rddreg [dreg:$0x9]  }
0x66: {  	[tilespmem:s7], [sflag:$0xD] =	stream.linear.gather [hbm4b:s23+s5], $0x68, $0x38;
	[tilespmem:$0x1FE40] =	vst v63  }
0x67: {  	_ =	swait.ge [sflag:s0], $0x68  }
0x68: {  	s24 =	rddreg [dreg:$0x1c]  }
0x69: {  	[sflag:s0] =	ssyncset.done $0x0;
	s25 =	rddreg [dreg:$0xa]  }
0x6a: {  	s26 =	rddreg [dreg:$0xb];
	[sflag:s0] =	ssyncadd.s32 $0xFFFFFF98  }
0x6b: {  	[tilespmem:s11], [sflag:$0x2] =	stream.indirect.gather [hbm4b:s1+s3], $0x80, s7, s3, $0xb8;
	[tilespmem:$0x1FE40] =	vst v63  }
0x6c: {  	s6 =	rddreg [dreg:$0x1d]  }
0x6d: {  	[tilespmem:s12], [sflag:$0x9] =	stream.linear.gather [hbm4b:s24+s5], $0x68, $0x38;
	[tilespmem:$0x1FE40] =	vst v63  }
0x6e: {  	s23 =	sshrl.u32 @p0 s6, $0x3;
	s7 =	rddreg [dreg:$0x10]  }
0x6f: {  	[tilespmem:s13], [sflag:$0xA] =	stream.linear.gather [hbm4b:s25+s5], $0x68, $0x38;
	[tilespmem:$0x1FE40] =	vst v63  }
0x70: {  	s6 =	simm.s32 @p0 $0x1FCD;
	[smem:$0x7F9] =	sst s23  }
0x71: {  	[tilespmem:s14], [sflag:$0xB] =	stream.linear.gather [hbm4b:s26+s5], $0x68, $0x38;
	[tilespmem:$0x1FE40] =	vst v63  }
0x72: {  	[spmem:s23], [sflag:s6] =	dma.local @p0 [hbm:s7], $0x2080  }
0x73: {  	s7 =	simm.s32 @p0 $0xD  }
0x74: {  	_ =	swait.ge @p0 [sflag:s7], $0x2080  }
0x75: {  	s23 =	rddreg [dreg:$0x1e]  }
0x76: {  	[sflag:s7] =	ssyncset.done @p0 $0x0;
	s24 =	sshrl.u32 @p0 s23, $0x3;
	s23 =	rddreg [dreg:$0x12]  }
0x77: {  	[sflag:s7] =	ssyncadd.s32 @p0 $0xFFFFDF80;
	[smem:$0x7FA] =	sst s24  }
0x78: {  	[spmem:s24], [sflag:s6] =	dma.local @p0 [hbm:s23], $0x410  }
0x79: {  	s6 =	stileid.u32  }
0x7a: {  	_ =	swait.ge @p0 [sflag:s7], $0x410;
	s6 =	sshll.u32 @!p0 s6, $0x6  }
0x7b: {  	[sflag:s7] =	ssyncset.done @p0 $0x0;
	s23 =	sor.u32 @!p0 $0x1C0D, s6;
	s6 =	rddreg [dreg:$0xc]  }
0x7c: {  	[sflag:s7] =	ssyncadd.s32 @p0 $0xFFFFFBF0;
	s7 =	sshrl.u32 @!p0 s6, $0x3;
	s6 =	rddreg [dreg:$0xd]  }
0x7d: {  	[smem:$0x7FB] =	sst s7  }
0x7e: {  	[spmem:s7], [sflag:s23] =	dma.local @!p0 [hbm:s6], $0x2780  }
0x7f: {  	s6 =	simm.s32 @!p0 $0xD  }
0x80: {  	_ =	swait.ge @!p0 [sflag:s6], $0x2780  }
0x81: {  	s7 =	rddreg [dreg:$0xe]  }
0x82: {  	[smem:$0x7FC] =	sst s23  }
0x83: {  	[sflag:s6] =	ssyncset.done @!p0 $0x0;
	s24 =	sshrl.u32 @!p0 s7, $0x3;
	s7 =	rddreg [dreg:$0xf]  }
0x84: {  	[sflag:s6] =	ssyncadd.s32 @!p0 $0xFFFFD880;
	[smem:$0x7FD] =	sst s24  }
0x85: {  	[spmem:s24], [sflag:s23] =	dma.local @!p0 [hbm:s7], $0x4F0  }
0x86: {  	_ =	swait.ge @!p0 [sflag:s6], $0x4F0  }
0x87: {  	[sflag:s6] =	ssyncset.done @!p0 $0x0  }
0x88: {  	s7 =	simm.s32 $0x0;
	[sflag:s6] =	ssyncadd.s32 @!p0 $0xFFFFFB10;
	s6 =	simm.s32 $0x40  }
.LBB2_2:
0x89: {  	p1 =	sne.s32 s6, $0x18C0;
	[tilespmem:s7+$0x1D0F0] =	vst v0;
	s7 =	smov.u32 s6;
	s6 =	sadd.s32 $0x40, s6  }
.Ltmp2:
0x8a: {  	(pc) =	sbr.rel @p1 .LBB2_2-.Ltmp2, $2  }
0x8b: {  	_ =	sdelay $0x2  }
0x8c: {  	s7 =	sshra.s32 s7, $0x2  }
0x8d: {  	[tilespmem:s7+$0x1D0F0] =	vst v0  }
0x8e: {  	[bflag:$0x0] =	sbarrier.arrive $0xFFFF  }
0x8f: {  	s6 =	simm.s32 $0x0;
	s7 =	rddreg [dreg:$0x1b]  }
.LBB2_4:
0x90: {  	_ =	swait.ge [sflag:s8], $0x3200  }
0x91: {  	[sflag:s8] =	ssyncset.done $0x0  }
0x92: {  	[sflag:s8] =	ssyncadd.s32 $0xFFFFCE00  }
0x93: {  	_ =	swait.ge [sflag:s15], $0x68  }
0x94: {  	[sflag:s15] =	ssyncset.done $0x0  }
0x95: {  	[sflag:s15] =	ssyncadd.s32 $0xFFFFFF98  }
0x96: {  	[spmem:s2] =	stream.indirect.scatter.add.f32 [tilespmem:s9], [sflag:$0x4], $0x80, s13, s3, $0xb8;
	[tilespmem:$0x1FE40] =	vst v63  }
0x97: {  	_ = 	snop  }
0x98: {  	[spmem:s4] =	stream.indirect.scatter.add.f32 [tilespmem:s16], [sflag:$0xD], $0x10, s13, s3, $0xb8;
	[tilespmem:$0x1FE40] =	vst v63  }
0x99: {  	_ =	swait.ge [sflag:s0], $0x640  }
0x9a: {  	s23 =	sshrl.u32 s7, $0x3;
	[sflag:s0] =	ssyncset.done $0x0;
	s24 =	rddreg [dreg:$0x6]  }
0x9b: {  	p1 =	seq.s32 s6, $0x0;
	[sflag:s0] =	ssyncadd.s32 $0xFFFFF9C0;
	s26 =	sadd.s32 s24, s23  }
0x9c: {  	[tilespmem:s5], [sflag:$0x7] =	stream.linear.gather [hbm4b:s26+s5], $0x68, $0x38;
	[tilespmem:$0x1FE40] =	vst v63  }
0x9d: {  	s26 =	simm.s32 @!p1 $0x6  }
0x9e: {  	_ =	swait.ge @!p1 [sflag:s26], $0x3200  }
0x9f: {  	[sflag:s26] =	ssyncset.done @!p1 $0x0  }
0xa0: {  	[sflag:s26] =	ssyncadd.s32 @!p1 $0xFFFFCE00;
	s26 =	rddreg [dreg:$0x19]  }
0xa1: {  	s25 =	sadd.s32 s6, s26  }
0xa2: {  	[tilespmem:s17], [sflag:$0xC] =	stream.linear.gather [hbm4b:s25+s5], $0x68, $0x38;
	[tilespmem:$0x1FE40] =	vst v63  }
0xa3: {  	_ =	swait.ge [sflag:s18], $0x68  }
0xa4: {  	[sflag:s18] =	ssyncset.done $0x0  }
0xa5: {  	[sflag:s18] =	ssyncadd.s32 $0xFFFFFF98  }
0xa6: {  	[tilespmem:s19], [sflag:$0x3] =	stream.indirect.gather [hbm4b:s1+s3], $0x80, s12, s3, $0xb8;
	[tilespmem:$0x1FE40] =	vst v63  }
0xa7: {  	_ =	swait.ge [sflag:s20], $0x3200  }
0xa8: {  	[sflag:s20] =	ssyncset.done $0x0  }
0xa9: {  	[sflag:s20] =	ssyncadd.s32 $0xFFFFCE00  }
0xaa: {  	_ =	swait.ge [sflag:s21], $0x68  }
0xab: {  	[sflag:s21] =	ssyncset.done $0x0  }
0xac: {  	[sflag:s21] =	ssyncadd.s32 $0xFFFFFF98  }
0xad: {  	[spmem:s2] =	stream.indirect.scatter.add.f32 [tilespmem:s11], [sflag:$0x5], $0x80, s14, s3, $0xb8;
	[tilespmem:$0x1FE40] =	vst v63  }
0xae: {  	_ = 	snop  }
0xaf: {  	[spmem:s4] =	stream.indirect.scatter.add.f32 [tilespmem:s16], [sflag:$0xD], $0x10, s14, s3, $0xb8;
	[tilespmem:$0x1FE40] =	vst v63  }
0xb0: {  	p1 =	seq.s32 s6, $0x4E0;
	_ =	swait.ge [sflag:s0], $0x640  }
0xb1: {  	s25 =	simm.s32 @!p1 $0x68;
	[sflag:s0] =	ssyncset.done $0x0;
	s24 =	rddreg [dreg:$0x18]  }
0xb2: {  	[sflag:s0] =	ssyncadd.s32 $0xFFFFF9C0;
	s26 =	sadd.s32 @!p1 s6, s24;
	s24 =	simm.s32 @!p1 $0x0  }
0xb3: {  	[tilespmem:s25], [sflag:$0x8] =	stream.linear.gather @!p1 [hbm4b:s26+s24], $0x68, $0x38;
	[tilespmem:$0x1FE40] =	vst v63  }
0xb4: {  	_ =	swait.ge [sflag:s22], $0x3200  }
0xb5: {  	[sflag:s22] =	ssyncset.done $0x0;
	s26 =	rddreg [dreg:$0x7]  }
0xb6: {  	[sflag:s22] =	ssyncadd.s32 $0xFFFFCE00;
	s23 =	sadd.s32 s26, s23  }
0xb7: {  	[tilespmem:s13], [sflag:$0xA] =	stream.linear.gather [hbm4b:s23+s5], $0x68, $0x38;
	[tilespmem:$0x1FE40] =	vst v63  }
0xb8: {  	_ =	swait.ge [sflag:s29], $0x68  }
0xb9: {  	[sflag:s29] =	ssyncset.done $0x0  }
0xba: {  	[sflag:s29] =	ssyncadd.s32 $0xFFFFFF98  }
0xbb: {  	[tilespmem:s9], [sflag:$0x1] =	stream.indirect.gather [hbm4b:s1+s3], $0x80, s5, s3, $0xb8;
	[tilespmem:$0x1FE40] =	vst v63  }
0xbc: {  	_ =	swait.ge [sflag:s28], $0x3200  }
0xbd: {  	[sflag:s28] =	ssyncset.done $0x0  }
0xbe: {  	[sflag:s28] =	ssyncadd.s32 $0xFFFFCE00  }
0xbf: {  	_ =	swait.ge [sflag:s30], $0x68  }
0xc0: {  	[sflag:s30] =	ssyncset.done $0x0  }
0xc1: {  	[sflag:s30] =	ssyncadd.s32 $0xFFFFFF98  }
0xc2: {  	[spmem:s2] =	stream.indirect.scatter.add.f32 [tilespmem:s19], [sflag:$0x6], $0x80, s17, s3, $0xb8;
	[tilespmem:$0x1FE40] =	vst v63  }
.Ltmp3:
0xc3: {  	_ = 	snop;
	(pc) =	sbr.rel @p1 .LBB2_6-.Ltmp3, $4  }
0xc4: {  	[spmem:s4] =	stream.indirect.scatter.add.f32 [tilespmem:s16], [sflag:$0xD], $0x10, s17, s3, $0xb8;
	[tilespmem:$0x1FE40] =	vst v63  }
0xc5: {  	_ =	swait.ge [sflag:s0], $0x640  }
0xc6: {  	[sflag:s0] =	ssyncset.done $0x0  }
0xc7: {  	[sflag:s0] =	ssyncadd.s32 $0xFFFFF9C0  }
0xc8: {  	s23 =	rddreg [dreg:$0x1a]  }
0xc9: {  	s23 =	sadd.s32 s6, s23  }
0xca: {  	[tilespmem:s12], [sflag:$0x9] =	stream.linear.gather [hbm4b:s23+s5], $0x68, $0x38;
	[tilespmem:$0x1FE40] =	vst v63  }
0xcb: {  	_ =	swait.ge [sflag:s31], $0x3200  }
0xcc: {  	[sflag:s31] =	ssyncset.done $0x0;
	s25 =	rddreg [dreg:$0x17]  }
0xcd: {  	[sflag:s31] =	ssyncadd.s32 $0xFFFFCE00;
	s23 =	sadd.s32 s6, s25  }
0xce: {  	[tilespmem:s14], [sflag:$0xB] =	stream.linear.gather [hbm4b:s23+s5], $0x68, $0x38;
	[tilespmem:$0x1FE40] =	vst v63  }
.Ltmp4:
0xcf: {  	_ = 	snop;
	(pc) =	sbr.rel .LBB2_4-.Ltmp4, $4  }
0xd0: {  	_ =	swait.ge [sflag:s10], $0x68  }
0xd1: {  	s26 =	simm.s32 $0x68;
	[sflag:s10] =	ssyncset.done $0x0  }
0xd2: {  	s7 =	sadd.s32 $0x138, s7;
	s6 =	sadd.s32 $0x27, s6;
	[sflag:s10] =	ssyncadd.s32 $0xFFFFFF98  }
0xd3: {  	[tilespmem:s11], [sflag:$0x2] =	stream.indirect.gather [hbm4b:s1+s3], $0x80, s26, s3, $0xb8;
	[tilespmem:$0x1FE40] =	vst v63  }
.LBB2_7:
0xd4: {  	_ =	sfence.sel $0x180000  }
0xd5: {  	[bflag:$0x0] =	sbarrier.arrive $0xFFFF  }
0xd6: {  	_ =	strace $0x90000047  }
0xd7: {  	s0 =	stileid.u32;
	[bflag:$0x2] =	sbarrier.arrive $0xFFFF  }
0xd8: {  	p0 =	sne.s32 s0, $0x0;
	s0 =	rddreg [dreg:$0x5]  }
0xd9: {  	s0 =	sadd.s32 @!p0 $0x100000, s0  }
0xda: {  	[sflag:s0] =	ssyncadd.tile.s32 @!p0 $0x1;
	_ =	shalt  }
.Lfunc_end2:
_tile_overlayer_lowered:
.L_overlay_start_2:
0xdb: {  	(tag) =	ssettag $0x2  }
0xdc: {  	s0 =	rddreg [dreg:$0x0];
	s2 =	stileid.u32  }
0xdd: {  	s1 =	rddreg [dreg:$0x1];
	p0 =	sne.s32 s2, $0x0  }
0xde: {  	s3 =	rddreg [dreg:$0x2];
	[bflag:$0x3] =	sbarrier.arrive $0xFFFF;
	s2 =	simm.s32 @!p0 $0x1C0D  }
0xdf: {  	[timem:s3], [sflag:s2] =	dma.local @!p0 [hbm:s0], s1  }
0xe0: {  	s0 =	simm.s32 @!p0 $0xD  }
0xe1: {  	_ =	swait.ge @!p0 [sflag:s0], s1  }
0xe2: {  	s1 =	ssub.s32 @!p0 $0x0, s1;
	[sflag:s0] =	ssyncset.done @!p0 $0x0  }
0xe3: {  	[sflag:s0] =	ssyncadd.s32 @!p0 s1  }
0xe4: {  	[bflag:$0x3] =	sbarrier.arrive $0xFFFF  }
0xe5: {  	_ =	shalt  }

</sc_bundles>
